<compile_context>
chip_gen: v7x
topology: tpu7x:2x2x1
jax: 0.10.2.dev20260603
libtpu: 0.0.44.dev20260713+nightly
codegen_flags: <defaults>
</compile_context>

<pallas_src>
import jax
import jax.numpy as jnp
from jax import lax
from jax.experimental import pallas as pl
from jax.experimental.pallas import tpu as pltpu
from jax.experimental.pallas import tpu_sc as plsc

N_NODES = 10000
N_EDGES = 320000
HIDDEN = 128
EDGE_DIM = 16

NSEG = 2
SEG_EDGES = N_EDGES // NSEG

NC = 2
NS = 16
NW = NC * NS
EPW = SEG_EDGES // NW
CHUNK = 40
NCHUNK = EPW // CHUNK
LANES = 16

E_BLK = 2000
N_EBLK = SEG_EDGES // E_BLK

NODE_BLK = 1000
N_NBLK = N_NODES // NODE_BLK



def _ab_body(ne_ref, w1_ref, u_ref):
    x = ne_ref[...]
    w1 = w1_ref[...]
    a = jnp.dot(x, w1[0:HIDDEN], preferred_element_type=jnp.float32)
    b = jnp.dot(x, w1[HIDDEN:2 * HIDDEN], preferred_element_type=jnp.float32)
    au = lax.bitcast_convert_type(a.astype(jnp.bfloat16), jnp.uint16)
    bu = lax.bitcast_convert_type(b.astype(jnp.bfloat16), jnp.uint16)
    u_ref[...] = (au.astype(jnp.int32) << 16) | bu.astype(jnp.int32)


def _precompute_ab(ne, w1):
    return pl.pallas_call(
        _ab_body,
        grid=(N_NBLK,),
        in_specs=[
            pl.BlockSpec((NODE_BLK, HIDDEN), lambda i: (i, 0)),
            pl.BlockSpec((2 * HIDDEN, HIDDEN), lambda i: (0, 0)),
        ],
        out_specs=pl.BlockSpec((NODE_BLK, HIDDEN), lambda i: (i, 0)),
        out_shape=jax.ShapeDtypeStruct((N_NODES, HIDDEN), jnp.int32),
    )(ne, w1)



def _gather_body(u_hbm, ei_hbm, g_hbm,
                 src_v, dst_v, buf_s0, buf_s1, buf_d0, buf_d1,
                 out0, out1,
                 sgs0, sgs1, sgd0, sgd1, ssc0, ssc1):
    c = lax.axis_index("c")
    s = lax.axis_index("s")
    wid = s * NC + c
    pltpu.sync_copy(ei_hbm.at[0, wid], src_v)
    pltpu.sync_copy(ei_hbm.at[1, wid], dst_v)

    buf_s = (buf_s0, buf_s1)
    buf_d = (buf_d0, buf_d1)
    out = (out0, out1)
    sgs = (sgs0, sgs1)
    sgd = (sgd0, sgd1)
    ssc = (ssc0, ssc1)

    def issue_gather(j, k):
        pltpu.async_copy(u_hbm.at[src_v.at[j]], buf_s[k], sgs[k])
        pltpu.async_copy(u_hbm.at[dst_v.at[j]], buf_d[k], sgd[k])

    def wait_gather(j, k):
        pltpu.make_async_copy(u_hbm.at[src_v.at[j]], buf_s[k], sgs[k]).wait()
        pltpu.make_async_copy(u_hbm.at[dst_v.at[j]], buf_d[k], sgd[k]).wait()

    def issue_scatter(j, k):
        base = wid * EPW + j * CHUNK
        pltpu.async_copy(out[k], g_hbm.at[pl.ds(base, CHUNK)], ssc[k])

    def wait_scatter(j, k):
        base = wid * EPW + j * CHUNK
        pltpu.make_async_copy(out[k], g_hbm.at[pl.ds(base, CHUNK)], ssc[k]).wait()

    def combine(j, k):
        wait_gather(j, k)

        def combine_row(r, cc):
            for v in range(HIDDEN // LANES):
                sl = pl.ds(v * LANES, LANES)
                out[k][r, sl] = (buf_s[k][r, sl] & -65536) | (buf_d[k][r, sl] & 65535)
            return cc

        lax.fori_loop(0, CHUNK, combine_row, 0)
        issue_scatter(j, k)

    issue_gather(0, 0)
    issue_gather(1, 1)

    def body(i, carry):
        for k in (0, 1):
            j = 2 * i + k

            @pl.when(i > 0)
            def _():
                wait_scatter(j - 2, k)

            combine(j, k)

            @pl.when(j + 2 < NCHUNK)
            def _():
                issue_gather(j + 2, k)
        return carry

    lax.fori_loop(0, NCHUNK // 2, body, 0)
    if NCHUNK % 2:
        j = NCHUNK - 1
        wait_scatter(j - 2, 0)
        combine(j, 0)
        wait_scatter(NCHUNK - 2, 1)
        wait_scatter(NCHUNK - 1, 0)
    else:
        wait_scatter(NCHUNK - 2, 0)
        wait_scatter(NCHUNK - 1, 1)


def _gather_edges(u, ei_seg):
    mesh = plsc.VectorSubcoreMesh(core_axis_name="c", subcore_axis_name="s")
    fn = pl.kernel(
        _gather_body,
        out_type=jax.ShapeDtypeStruct((SEG_EDGES, HIDDEN), jnp.int32),
        mesh=mesh,
        scratch_types=(
            [pltpu.VMEM((NCHUNK, CHUNK), jnp.int32)] * 2
            + [pltpu.VMEM((CHUNK, HIDDEN), jnp.int32)] * 6
            + [pltpu.SemaphoreType.DMA] * 6
        ),
    )
    return fn(u, ei_seg)



def _mlp_body(g_ref, ea_ref, wc_ref, b1_ref, w2_ref, b2_ref, out_ref):
    i = pl.program_id(0)
    e = jnp.dot(ea_ref[...], wc_ref[...], preferred_element_type=jnp.float32)
    gp = g_ref[...]
    a = lax.bitcast_convert_type(gp & -65536, jnp.float32)
    b = lax.bitcast_convert_type(gp << 16, jnp.float32)
    h = a + b + e + b1_ref[...]
    h = jnp.maximum(h, 0.0)
    m = jnp.dot(h, w2_ref[...], preferred_element_type=jnp.float32) + b2_ref[0, 0]
    lane = lax.broadcasted_iota(jnp.int32, (E_BLK, 128), 1)
    out_ref[...] = jnp.where(lane == i, m, out_ref[...])


def _edge_mlp(g, ea, wc, b1r, w2c, b2r):
    return pl.pallas_call(
        _mlp_body,
        grid=(N_EBLK,),
        in_specs=[
            pl.BlockSpec((E_BLK, HIDDEN), lambda i: (i, 0)),
            pl.BlockSpec((E_BLK, EDGE_DIM), lambda i: (i, 0)),
            pl.BlockSpec((EDGE_DIM, HIDDEN), lambda i: (0, 0)),
            pl.BlockSpec((1, HIDDEN), lambda i: (0, 0)),
            pl.BlockSpec((HIDDEN, 1), lambda i: (0, 0)),
            pl.BlockSpec(memory_space=pltpu.SMEM),
        ],
        out_specs=pl.BlockSpec((E_BLK, 128), lambda i: (0, 0)),
        out_shape=jax.ShapeDtypeStruct((E_BLK, 128), jnp.float32),
    )(g, ea, wc, b1r, w2c, b2r)



def kernel(node_emb, edge_index, edge_attr, W1, b1, W2, b2):
    ne = node_emb.astype(jnp.float32)
    ei = edge_index.astype(jnp.int32).reshape(2, NSEG, NW, NCHUNK, CHUNK)
    u = _precompute_ab(ne, W1)
    wc = W1[2 * HIDDEN:]
    b1r = b1.reshape(1, HIDDEN)
    b2r = b2.reshape(1, 1)
    pieces = []
    for seg in range(NSEG):
        g = _gather_edges(u, ei[:, seg])
        ea = lax.slice_in_dim(edge_attr, seg * SEG_EDGES, (seg + 1) * SEG_EDGES)
        outcols = _edge_mlp(g, ea, wc, b1r, W2, b2r)
        pieces.append(outcols.T[:N_EBLK].reshape(SEG_EDGES))
    return jnp.concatenate(pieces)

# --- scband reference (transcript-rebuilt; emitter-appended) ---
"""Pipeline reference for scband-pgexplainer-style-9483287790247 (READ-ONLY COPY).

The authoritative reference and input builder live on the scoring server;
editing this copy changes nothing except your own understanding.
"""

import jax, jax.numpy as jnp
import numpy as np

N_NODES = 10000
N_EDGES = 320000
HIDDEN = 128
EDGE_DIM = 16


def setup_inputs(seed: int = 0) -> dict:
    key = jax.random.key(seed)
    k1, k2, k3, k4, k5, k6, k7 = jax.random.split(key, 7)
    node_emb = jax.random.normal(k1, (N_NODES, HIDDEN), dtype=jnp.float32)
    edge_index = jax.random.randint(k2, (2, N_EDGES), 0, N_NODES, dtype=jnp.int64)
    edge_attr = jax.random.normal(k3, (N_EDGES, EDGE_DIM), dtype=jnp.float32)
    input_dim = HIDDEN * 2 + EDGE_DIM
    # Kaiming-uniform-like init for linear layers (torch default scale)
    lim1 = 1.0 / np.sqrt(input_dim)
    W1 = jax.random.uniform(k4, (input_dim, HIDDEN), minval=-lim1, maxval=lim1, dtype=jnp.float32)
    b1 = jax.random.uniform(k5, (HIDDEN,), minval=-lim1, maxval=lim1, dtype=jnp.float32)
    lim2 = 1.0 / np.sqrt(HIDDEN)
    W2 = jax.random.uniform(k6, (HIDDEN, 1), minval=-lim2, maxval=lim2, dtype=jnp.float32)
    b2 = jax.random.uniform(k7, (1,), minval=-lim2, maxval=lim2, dtype=jnp.float32)
    return {"node_emb": node_emb, "edge_index": edge_index, "edge_attr": edge_attr,
            "W1": W1, "b1": b1, "W2": W2, "b2": b2}


def reference(node_emb, edge_index, edge_attr, W1, b1, W2, b2):
    src = edge_index[0]
    dst = edge_index[1]
    h_src = jnp.take(node_emb, src, axis=0)
    h_dst = jnp.take(node_emb, dst, axis=0)
    inp = jnp.concatenate([h_src, h_dst, edge_attr], axis=-1)
    h = jnp.dot(inp, W1) + b1
    h = jax.nn.relu(h)
    out = jnp.dot(h, W2) + b2
    return jnp.squeeze(out, axis=-1)

if __name__ == "__main__":
    import jax
    _d = setup_inputs()
    print(jax.jit(kernel)(*tuple(_d.values())))

</pallas_src>

<mosaic_0001>
#map = affine_map<(d0, d1) -> (0, 0)>
#map1 = affine_map<(d0, d1) -> (0, 0, 0, 0)>
module attributes {stable_mosaic.version = 14 : i64} {
  func.func @_gather_body(%arg0: i32, %arg1: i32, %arg2: memref<10000x128xi32, #tpu.memory_space<hbm>>, %arg3: memref<2x32x125x40xi32, #tpu.memory_space<hbm>>, %arg4: memref<160000x128xi32, #tpu.memory_space<hbm>>, %arg5: memref<125x40xi32, #tpu.memory_space<vmem>>, %arg6: memref<125x40xi32, #tpu.memory_space<vmem>>, %arg7: memref<40x128xi32, #tpu.memory_space<vmem>>, %arg8: memref<40x128xi32, #tpu.memory_space<vmem>>, %arg9: memref<40x128xi32, #tpu.memory_space<vmem>>, %arg10: memref<40x128xi32, #tpu.memory_space<vmem>>, %arg11: memref<40x128xi32, #tpu.memory_space<vmem>>, %arg12: memref<40x128xi32, #tpu.memory_space<vmem>>, %arg13: memref<!tpu.dma_semaphore, #tpu.memory_space<semaphore_mem>>, %arg14: memref<!tpu.dma_semaphore, #tpu.memory_space<semaphore_mem>>, %arg15: memref<!tpu.dma_semaphore, #tpu.memory_space<semaphore_mem>>, %arg16: memref<!tpu.dma_semaphore, #tpu.memory_space<semaphore_mem>>, %arg17: memref<!tpu.dma_semaphore, #tpu.memory_space<semaphore_mem>>, %arg18: memref<!tpu.dma_semaphore, #tpu.memory_space<semaphore_mem>>) attributes {dimension_semantics = [#tpu.dimension_semantics<core_parallel>, #tpu.dimension_semantics<subcore_parallel>], iteration_bounds = array<i64: 2, 16>, scalar_prefetch = 0 : i64, scratch_operands = 14 : i64, tpu.core_type = #tpu.core_type<sc_vector_subcore>, window_params = [{transform_indices = #map}, {transform_indices = #map1}, {transform_indices = #map}]} {
    %mul3A = arith.constant 2 : i32
    %mul3A_0 = arith.muli %arg1, %mul3A : i32
    %add3A = arith.addi %mul3A_0, %arg0 : i32
    %run_scoped3A = arith.constant 0 : i32
    "tpu.region"() ({
      %run_scoped3A_85 = tpu.sem_alloc : memref<!tpu.dma_semaphore, #tpu.memory_space<semaphore_mem>>
      %dma_start3A_86 = arith.constant 0 : i32
      %dma_start3A_87 = arith.constant 0 : i32
      %dma_start3A_88 = tpu.memref_slice %arg3[%run_scoped3A, %add3A, %dma_start3A_86, %dma_start3A_87] : memref<2x32x125x40xi32, #tpu.memory_space<hbm>> -> memref<1x1x125x40xi32, #tpu.memory_space<hbm>>
      %dma_start3A_89 = tpu.memref_squeeze %dma_start3A_88 : memref<1x1x125x40xi32, #tpu.memory_space<hbm>> -> memref<125x40xi32, #tpu.memory_space<hbm>>
      %dma_start3A_90 = arith.constant 0 : i32
      %dma_start3A_91 = arith.constant 0 : i32
      %dma_start3A_92 = tpu.memref_slice %arg3[%run_scoped3A, %add3A, %dma_start3A_90, %dma_start3A_91] : memref<2x32x125x40xi32, #tpu.memory_space<hbm>> -> memref<1x1x125x40xi32, #tpu.memory_space<hbm>>
      %dma_start3A_93 = tpu.memref_squeeze %dma_start3A_92 : memref<1x1x125x40xi32, #tpu.memory_space<hbm>> -> memref<125x40xi32, #tpu.memory_space<hbm>>
      tpu.enqueue_dma source(%dma_start3A_93 : memref<125x40xi32, #tpu.memory_space<hbm>>) target(%arg5 : memref<125x40xi32, #tpu.memory_space<vmem>>) target_semaphore(%run_scoped3A_85 : memref<!tpu.dma_semaphore, #tpu.memory_space<semaphore_mem>>)
      %dma_wait3A_94 = arith.constant 0 : i32
      %dma_wait3A_95 = arith.constant 0 : i32
      %dma_wait3A_96 = tpu.memref_slice %arg3[%run_scoped3A, %add3A, %dma_wait3A_94, %dma_wait3A_95] : memref<2x32x125x40xi32, #tpu.memory_space<hbm>> -> memref<1x1x125x40xi32, #tpu.memory_space<hbm>>
      %dma_wait3A_97 = tpu.memref_squeeze %dma_wait3A_96 : memref<1x1x125x40xi32, #tpu.memory_space<hbm>> -> memref<125x40xi32, #tpu.memory_space<hbm>>
      %dma_wait3A_98 = arith.constant 0 : i32
      %dma_wait3A_99 = arith.constant 0 : i32
      %dma_wait3A_100 = tpu.memref_slice %arg3[%run_scoped3A, %add3A, %dma_wait3A_98, %dma_wait3A_99] : memref<2x32x125x40xi32, #tpu.memory_space<hbm>> -> memref<1x1x125x40xi32, #tpu.memory_space<hbm>>
      %dma_wait3A_101 = tpu.memref_squeeze %dma_wait3A_100 : memref<1x1x125x40xi32, #tpu.memory_space<hbm>> -> memref<125x40xi32, #tpu.memory_space<hbm>>
      tpu.wait_dma2 semaphore(%run_scoped3A_85 : memref<!tpu.dma_semaphore, #tpu.memory_space<semaphore_mem>>) src(%dma_wait3A_101 : memref<125x40xi32, #tpu.memory_space<hbm>>) dst(%arg5 : memref<125x40xi32, #tpu.memory_space<vmem>>)
      tpu.yield
    }) : () -> ()
    %run_scoped3A_1 = arith.constant 1 : i32
    "tpu.region"() ({
      %run_scoped3A_85 = tpu.sem_alloc : memref<!tpu.dma_semaphore, #tpu.memory_space<semaphore_mem>>
      %dma_start3A_86 = arith.constant 0 : i32
      %dma_start3A_87 = arith.constant 0 : i32
      %dma_start3A_88 = tpu.memref_slice %arg3[%run_scoped3A_1, %add3A, %dma_start3A_86, %dma_start3A_87] : memref<2x32x125x40xi32, #tpu.memory_space<hbm>> -> memref<1x1x125x40xi32, #tpu.memory_space<hbm>>
      %dma_start3A_89 = tpu.memref_squeeze %dma_start3A_88 : memref<1x1x125x40xi32, #tpu.memory_space<hbm>> -> memref<125x40xi32, #tpu.memory_space<hbm>>
      %dma_start3A_90 = arith.constant 0 : i32
      %dma_start3A_91 = arith.constant 0 : i32
      %dma_start3A_92 = tpu.memref_slice %arg3[%run_scoped3A_1, %add3A, %dma_start3A_90, %dma_start3A_91] : memref<2x32x125x40xi32, #tpu.memory_space<hbm>> -> memref<1x1x125x40xi32, #tpu.memory_space<hbm>>
      %dma_start3A_93 = tpu.memref_squeeze %dma_start3A_92 : memref<1x1x125x40xi32, #tpu.memory_space<hbm>> -> memref<125x40xi32, #tpu.memory_space<hbm>>
      tpu.enqueue_dma source(%dma_start3A_93 : memref<125x40xi32, #tpu.memory_space<hbm>>) target(%arg6 : memref<125x40xi32, #tpu.memory_space<vmem>>) target_semaphore(%run_scoped3A_85 : memref<!tpu.dma_semaphore, #tpu.memory_space<semaphore_mem>>)
      %dma_wait3A_94 = arith.constant 0 : i32
      %dma_wait3A_95 = arith.constant 0 : i32
      %dma_wait3A_96 = tpu.memref_slice %arg3[%run_scoped3A_1, %add3A, %dma_wait3A_94, %dma_wait3A_95] : memref<2x32x125x40xi32, #tpu.memory_space<hbm>> -> memref<1x1x125x40xi32, #tpu.memory_space<hbm>>
      %dma_wait3A_97 = tpu.memref_squeeze %dma_wait3A_96 : memref<1x1x125x40xi32, #tpu.memory_space<hbm>> -> memref<125x40xi32, #tpu.memory_space<hbm>>
      %dma_wait3A_98 = arith.constant 0 : i32
      %dma_wait3A_99 = arith.constant 0 : i32
      %dma_wait3A_100 = tpu.memref_slice %arg3[%run_scoped3A_1, %add3A, %dma_wait3A_98, %dma_wait3A_99] : memref<2x32x125x40xi32, #tpu.memory_space<hbm>> -> memref<1x1x125x40xi32, #tpu.memory_space<hbm>>
      %dma_wait3A_101 = tpu.memref_squeeze %dma_wait3A_100 : memref<1x1x125x40xi32, #tpu.memory_space<hbm>> -> memref<125x40xi32, #tpu.memory_space<hbm>>
      tpu.wait_dma2 semaphore(%run_scoped3A_85 : memref<!tpu.dma_semaphore, #tpu.memory_space<semaphore_mem>>) src(%dma_wait3A_101 : memref<125x40xi32, #tpu.memory_space<hbm>>) dst(%arg6 : memref<125x40xi32, #tpu.memory_space<vmem>>)
      tpu.yield
    }) : () -> ()
    %dma_start3A = arith.constant 0 : i32
    %dma_start3A_2 = arith.constant 0 : i32
    %dma_start3A_3 = tpu.memref_slice %arg5[%dma_start3A, %dma_start3A_2] : memref<125x40xi32, #tpu.memory_space<vmem>> -> memref<1x40xi32, #tpu.memory_space<vmem>>
    %dma_start3A_4 = tpu.memref_squeeze %dma_start3A_3 : memref<1x40xi32, #tpu.memory_space<vmem>> -> memref<40xi32, #tpu.memory_space<vmem>>
    %dma_start3A_5 = arith.constant 0 : i32
    %dma_start3A_6 = arith.constant 0 : i32
    %dma_start3A_7 = tpu.memref_slice %arg2[%dma_start3A_5, %dma_start3A_6] : memref<10000x128xi32, #tpu.memory_space<hbm>> -> memref<10000x128xi32, #tpu.memory_space<hbm>>
    tpu.enqueue_indirect_dma source(%dma_start3A_7 : memref<10000x128xi32, #tpu.memory_space<hbm>>) target(%arg7 : memref<40x128xi32, #tpu.memory_space<vmem>>) offsets(%dma_start3A_4 : memref<40xi32, #tpu.memory_space<vmem>>) semaphore(%arg13 : memref<!tpu.dma_semaphore, #tpu.memory_space<semaphore_mem>>)
    %dma_start3A_8 = arith.constant 0 : i32
    %dma_start3A_9 = arith.constant 0 : i32
    %dma_start3A_10 = tpu.memref_slice %arg6[%dma_start3A_8, %dma_start3A_9] : memref<125x40xi32, #tpu.memory_space<vmem>> -> memref<1x40xi32, #tpu.memory_space<vmem>>
    %dma_start3A_11 = tpu.memref_squeeze %dma_start3A_10 : memref<1x40xi32, #tpu.memory_space<vmem>> -> memref<40xi32, #tpu.memory_space<vmem>>
    %dma_start3A_12 = arith.constant 0 : i32
    %dma_start3A_13 = arith.constant 0 : i32
    %dma_start3A_14 = tpu.memref_slice %arg2[%dma_start3A_12, %dma_start3A_13] : memref<10000x128xi32, #tpu.memory_space<hbm>> -> memref<10000x128xi32, #tpu.memory_space<hbm>>
    tpu.enqueue_indirect_dma source(%dma_start3A_14 : memref<10000x128xi32, #tpu.memory_space<hbm>>) target(%arg9 : memref<40x128xi32, #tpu.memory_space<vmem>>) offsets(%dma_start3A_11 : memref<40xi32, #tpu.memory_space<vmem>>) semaphore(%arg15 : memref<!tpu.dma_semaphore, #tpu.memory_space<semaphore_mem>>)
    %dma_start3A_15 = arith.constant 1 : i32
    %dma_start3A_16 = arith.constant 0 : i32
    %dma_start3A_17 = tpu.memref_slice %arg5[%dma_start3A_15, %dma_start3A_16] : memref<125x40xi32, #tpu.memory_space<vmem>> -> memref<1x40xi32, #tpu.memory_space<vmem>>
    %dma_start3A_18 = tpu.memref_squeeze %dma_start3A_17 : memref<1x40xi32, #tpu.memory_space<vmem>> -> memref<40xi32, #tpu.memory_space<vmem>>
    %dma_start3A_19 = arith.constant 0 : i32
    %dma_start3A_20 = arith.constant 0 : i32
    %dma_start3A_21 = tpu.memref_slice %arg2[%dma_start3A_19, %dma_start3A_20] : memref<10000x128xi32, #tpu.memory_space<hbm>> -> memref<10000x128xi32, #tpu.memory_space<hbm>>
    tpu.enqueue_indirect_dma source(%dma_start3A_21 : memref<10000x128xi32, #tpu.memory_space<hbm>>) target(%arg8 : memref<40x128xi32, #tpu.memory_space<vmem>>) offsets(%dma_start3A_18 : memref<40xi32, #tpu.memory_space<vmem>>) semaphore(%arg14 : memref<!tpu.dma_semaphore, #tpu.memory_space<semaphore_mem>>)
    %dma_start3A_22 = arith.constant 1 : i32
    %dma_start3A_23 = arith.constant 0 : i32
    %dma_start3A_24 = tpu.memref_slice %arg6[%dma_start3A_22, %dma_start3A_23] : memref<125x40xi32, #tpu.memory_space<vmem>> -> memref<1x40xi32, #tpu.memory_space<vmem>>
    %dma_start3A_25 = tpu.memref_squeeze %dma_start3A_24 : memref<1x40xi32, #tpu.memory_space<vmem>> -> memref<40xi32, #tpu.memory_space<vmem>>
    %dma_start3A_26 = arith.constant 0 : i32
    %dma_start3A_27 = arith.constant 0 : i32
    %dma_start3A_28 = tpu.memref_slice %arg2[%dma_start3A_26, %dma_start3A_27] : memref<10000x128xi32, #tpu.memory_space<hbm>> -> memref<10000x128xi32, #tpu.memory_space<hbm>>
    tpu.enqueue_indirect_dma source(%dma_start3A_28 : memref<10000x128xi32, #tpu.memory_space<hbm>>) target(%arg10 : memref<40x128xi32, #tpu.memory_space<vmem>>) offsets(%dma_start3A_25 : memref<40xi32, #tpu.memory_space<vmem>>) semaphore(%arg16 : memref<!tpu.dma_semaphore, #tpu.memory_space<semaphore_mem>>)
    %scan3A = arith.constant 0 : i32
    %scan3A_29 = arith.constant 0 : i32
    %scan3A_30 = arith.constant 62 : i32
    %scan3A_31 = arith.addi %scan3A_29, %scan3A_30 : i32
    %scan3A_32 = arith.constant 1 : i32
    scf.for %scan3A_85 = %scan3A_29 to %scan3A_31 step %scan3A_32  : i32 {
      %mul3A_86 = arith.constant 2 : i32
      %mul3A_87 = arith.muli %mul3A_86, %scan3A_85 : i32
      %add3A_88 = arith.constant 0 : i32
      %add3A_89 = arith.addi %mul3A_87, %add3A_88 : i32
      %gt3A = arith.constant 0 : i32
      %gt3A_90 = arith.cmpi sgt, %scan3A_85, %gt3A : i32
      %convert_element_type3A = arith.extui %gt3A_90 : i1 to i32
      %cond3A = arith.constant 0 : i32
      %cond3A_91 = arith.cmpi ne, %convert_element_type3A, %cond3A : i32
      scf.if %cond3A_91 {
        %sub3A = arith.constant 2 : i32
        %sub3A_168 = arith.subi %add3A_89, %sub3A : i32
        %mul3A_169 = arith.constant 5000 : i32
        %mul3A_170 = arith.muli %add3A, %mul3A_169 : i32
        %mul3A_171 = arith.constant 40 : i32
        %mul3A_172 = arith.muli %sub3A_168, %mul3A_171 : i32
        %add3A_173 = arith.addi %mul3A_170, %mul3A_172 : i32
        %dma_wait3A_174 = arith.constant 0 : i32
        %dma_wait3A_175 = tpu.memref_slice %arg4[%add3A_173, %dma_wait3A_174] : memref<160000x128xi32, #tpu.memory_space<hbm>> -> memref<40x128xi32, #tpu.memory_space<hbm>>
        %dma_wait3A_176 = arith.constant 0 : i32
        %dma_wait3A_177 = tpu.memref_slice %arg4[%add3A_173, %dma_wait3A_176] : memref<160000x128xi32, #tpu.memory_space<hbm>> -> memref<40x128xi32, #tpu.memory_space<hbm>>
        tpu.wait_dma2 semaphore(%arg17 : memref<!tpu.dma_semaphore, #tpu.memory_space<semaphore_mem>>) src(%arg11 : memref<40x128xi32, #tpu.memory_space<vmem>>) dst(%dma_wait3A_177 : memref<40x128xi32, #tpu.memory_space<hbm>>)
      } else {
      }
      %dma_wait3A_92 = arith.constant 0 : i32
      %dma_wait3A_93 = tpu.memref_slice %arg5[%add3A_89, %dma_wait3A_92] : memref<125x40xi32, #tpu.memory_space<vmem>> -> memref<1x40xi32, #tpu.memory_space<vmem>>
      %dma_wait3A_94 = tpu.memref_squeeze %dma_wait3A_93 : memref<1x40xi32, #tpu.memory_space<vmem>> -> memref<40xi32, #tpu.memory_space<vmem>>
      %dma_wait3A_95 = arith.constant 0 : i32
      %dma_wait3A_96 = arith.constant 0 : i32
      %dma_wait3A_97 = tpu.memref_slice %arg2[%dma_wait3A_95, %dma_wait3A_96] : memref<10000x128xi32, #tpu.memory_space<hbm>> -> memref<10000x128xi32, #tpu.memory_space<hbm>>
      tpu.wait_indirect_dma semaphore(%arg13 : memref<!tpu.dma_semaphore, #tpu.memory_space<semaphore_mem>>) src(%dma_wait3A_97 : memref<10000x128xi32, #tpu.memory_space<hbm>>) dst(%arg7 : memref<40x128xi32, #tpu.memory_space<vmem>>)
      %dma_wait3A_98 = arith.constant 0 : i32
      %dma_wait3A_99 = tpu.memref_slice %arg6[%add3A_89, %dma_wait3A_98] : memref<125x40xi32, #tpu.memory_space<vmem>> -> memref<1x40xi32, #tpu.memory_space<vmem>>
      %dma_wait3A_100 = tpu.memref_squeeze %dma_wait3A_99 : memref<1x40xi32, #tpu.memory_space<vmem>> -> memref<40xi32, #tpu.memory_space<vmem>>
      %dma_wait3A_101 = arith.constant 0 : i32
      %dma_wait3A_102 = arith.constant 0 : i32
      %dma_wait3A_103 = tpu.memref_slice %arg2[%dma_wait3A_101, %dma_wait3A_102] : memref<10000x128xi32, #tpu.memory_space<hbm>> -> memref<10000x128xi32, #tpu.memory_space<hbm>>
      tpu.wait_indirect_dma semaphore(%arg15 : memref<!tpu.dma_semaphore, #tpu.memory_space<semaphore_mem>>) src(%dma_wait3A_103 : memref<10000x128xi32, #tpu.memory_space<hbm>>) dst(%arg9 : memref<40x128xi32, #tpu.memory_space<vmem>>)
      %scan3A_104 = arith.constant 0 : i32
      %scan3A_105 = arith.constant 0 : i32
      %scan3A_106 = arith.constant 40 : i32
      %scan3A_107 = arith.addi %scan3A_105, %scan3A_106 : i32
      %scan3A_108 = arith.constant 1 : i32
      scf.for %scan3A_168 = %scan3A_105 to %scan3A_107 step %scan3A_108  : i32 {
        %get3A = arith.index_cast %scan3A_168 : i32 to index
        %get3A_169 = arith.constant 0 : index
        %get3A_170 = tpu.vector_load %arg7[%get3A, %get3A_169] {strides = array<i32>} : memref<40x128xi32, #tpu.memory_space<vmem>>, vector<1x16xi32>,
        %get3A_171 = vector.shape_cast %get3A_170 : vector<1x16xi32> to vector<16xi32>
        %and3A = arith.constant -65536 : i32
        %and3A_172 = vector.broadcast %and3A : i32 to vector<16xi32>
        %and3A_173 = arith.andi %get3A_171, %and3A_172 : vector<16xi32>
        %get3A_174 = arith.index_cast %scan3A_168 : i32 to index
        %get3A_175 = arith.constant 0 : index
        %get3A_176 = tpu.vector_load %arg9[%get3A_174, %get3A_175] {strides = array<i32>} : memref<40x128xi32, #tpu.memory_space<vmem>>, vector<1x16xi32>,
        %get3A_177 = vector.shape_cast %get3A_176 : vector<1x16xi32> to vector<16xi32>
        %and3A_178 = arith.constant 65535 : i32
        %and3A_179 = vector.broadcast %and3A_178 : i32 to vector<16xi32>
        %and3A_180 = arith.andi %get3A_177, %and3A_179 : vector<16xi32>
        %or3A = arith.ori %and3A_173, %and3A_180 : vector<16xi32>
        %swap3A = arith.index_cast %scan3A_168 : i32 to index
        %swap3A_181 = arith.constant 0 : index
        %swap3A_182 = tpu.vector_load %arg11[%swap3A, %swap3A_181] {strides = array<i32>} : memref<40x128xi32, #tpu.memory_space<vmem>>, vector<1x16xi32>,
        %swap3A_183 = vector.shape_cast %swap3A_182 : vector<1x16xi32> to vector<16xi32>
        %swap3A_184 = vector.shape_cast %or3A : vector<16xi32> to vector<1x16xi32>
        tpu.vector_store %arg11[%swap3A, %swap3A_181], %swap3A_184 {strides = array<i32>} : memref<40x128xi32, #tpu.memory_space<vmem>>, vector<1x16xi32>,
        %get3A_185 = arith.index_cast %scan3A_168 : i32 to index
        %get3A_186 = arith.constant 16 : index
        %get3A_187 = tpu.vector_load %arg7[%get3A_185, %get3A_186] {strides = array<i32>} : memref<40x128xi32, #tpu.memory_space<vmem>>, vector<1x16xi32>,
        %get3A_188 = vector.shape_cast %get3A_187 : vector<1x16xi32> to vector<16xi32>
        %and3A_189 = arith.constant -65536 : i32
        %and3A_190 = vector.broadcast %and3A_189 : i32 to vector<16xi32>
        %and3A_191 = arith.andi %get3A_188, %and3A_190 : vector<16xi32>
        %get3A_192 = arith.index_cast %scan3A_168 : i32 to index
        %get3A_193 = arith.constant 16 : index
        %get3A_194 = tpu.vector_load %arg9[%get3A_192, %get3A_193] {strides = array<i32>} : memref<40x128xi32, #tpu.memory_space<vmem>>, vector<1x16xi32>,
        %get3A_195 = vector.shape_cast %get3A_194 : vector<1x16xi32> to vector<16xi32>
        %and3A_196 = arith.constant 65535 : i32
        %and3A_197 = vector.broadcast %and3A_196 : i32 to vector<16xi32>
        %and3A_198 = arith.andi %get3A_195, %and3A_197 : vector<16xi32>
        %or3A_199 = arith.ori %and3A_191, %and3A_198 : vector<16xi32>
        %swap3A_200 = arith.index_cast %scan3A_168 : i32 to index
        %swap3A_201 = arith.constant 16 : index
        %swap3A_202 = tpu.vector_load %arg11[%swap3A_200, %swap3A_201] {strides = array<i32>} : memref<40x128xi32, #tpu.memory_space<vmem>>, vector<1x16xi32>,
        %swap3A_203 = vector.shape_cast %swap3A_202 : vector<1x16xi32> to vector<16xi32>
        %swap3A_204 = vector.shape_cast %or3A_199 : vector<16xi32> to vector<1x16xi32>
        tpu.vector_store %arg11[%swap3A_200, %swap3A_201], %swap3A_204 {strides = array<i32>} : memref<40x128xi32, #tpu.memory_space<vmem>>, vector<1x16xi32>,
        %get3A_205 = arith.index_cast %scan3A_168 : i32 to index
        %get3A_206 = arith.constant 32 : index
        %get3A_207 = tpu.vector_load %arg7[%get3A_205, %get3A_206] {strides = array<i32>} : memref<40x128xi32, #tpu.memory_space<vmem>>, vector<1x16xi32>,
        %get3A_208 = vector.shape_cast %get3A_207 : vector<1x16xi32> to vector<16xi32>
        %and3A_209 = arith.constant -65536 : i32
        %and3A_210 = vector.broadcast %and3A_209 : i32 to vector<16xi32>
        %and3A_211 = arith.andi %get3A_208, %and3A_210 : vector<16xi32>
        %get3A_212 = arith.index_cast %scan3A_168 : i32 to index
        %get3A_213 = arith.constant 32 : index
        %get3A_214 = tpu.vector_load %arg9[%get3A_212, %get3A_213] {strides = array<i32>} : memref<40x128xi32, #tpu.memory_space<vmem>>, vector<1x16xi32>,
        %get3A_215 = vector.shape_cast %get3A_214 : vector<1x16xi32> to vector<16xi32>
        %and3A_216 = arith.constant 65535 : i32
        %and3A_217 = vector.broadcast %and3A_216 : i32 to vector<16xi32>
        %and3A_218 = arith.andi %get3A_215, %and3A_217 : vector<16xi32>
        %or3A_219 = arith.ori %and3A_211, %and3A_218 : vector<16xi32>
        %swap3A_220 = arith.index_cast %scan3A_168 : i32 to index
        %swap3A_221 = arith.constant 32 : index
        %swap3A_222 = tpu.vector_load %arg11[%swap3A_220, %swap3A_221] {strides = array<i32>} : memref<40x128xi32, #tpu.memory_space<vmem>>, vector<1x16xi32>,
        %swap3A_223 = vector.shape_cast %swap3A_222 : vector<1x16xi32> to vector<16xi32>
        %swap3A_224 = vector.shape_cast %or3A_219 : vector<16xi32> to vector<1x16xi32>
        tpu.vector_store %arg11[%swap3A_220, %swap3A_221], %swap3A_224 {strides = array<i32>} : memref<40x128xi32, #tpu.memory_space<vmem>>, vector<1x16xi32>,
        %get3A_225 = arith.index_cast %scan3A_168 : i32 to index
        %get3A_226 = arith.constant 48 : index
        %get3A_227 = tpu.vector_load %arg7[%get3A_225, %get3A_226] {strides = array<i32>} : memref<40x128xi32, #tpu.memory_space<vmem>>, vector<1x16xi32>,
        %get3A_228 = vector.shape_cast %get3A_227 : vector<1x16xi32> to vector<16xi32>
        %and3A_229 = arith.constant -65536 : i32
        %and3A_230 = vector.broadcast %and3A_229 : i32 to vector<16xi32>
        %and3A_231 = arith.andi %get3A_228, %and3A_230 : vector<16xi32>
        %get3A_232 = arith.index_cast %scan3A_168 : i32 to index
        %get3A_233 = arith.constant 48 : index
        %get3A_234 = tpu.vector_load %arg9[%get3A_232, %get3A_233] {strides = array<i32>} : memref<40x128xi32, #tpu.memory_space<vmem>>, vector<1x16xi32>,
        %get3A_235 = vector.shape_cast %get3A_234 : vector<1x16xi32> to vector<16xi32>
        %and3A_236 = arith.constant 65535 : i32
        %and3A_237 = vector.broadcast %and3A_236 : i32 to vector<16xi32>
        %and3A_238 = arith.andi %get3A_235, %and3A_237 : vector<16xi32>
        %or3A_239 = arith.ori %and3A_231, %and3A_238 : vector<16xi32>
        %swap3A_240 = arith.index_cast %scan3A_168 : i32 to index
        %swap3A_241 = arith.constant 48 : index
        %swap3A_242 = tpu.vector_load %arg11[%swap3A_240, %swap3A_241] {strides = array<i32>} : memref<40x128xi32, #tpu.memory_space<vmem>>, vector<1x16xi32>,
        %swap3A_243 = vector.shape_cast %swap3A_242 : vector<1x16xi32> to vector<16xi32>
        %swap3A_244 = vector.shape_cast %or3A_239 : vector<16xi32> to vector<1x16xi32>
        tpu.vector_store %arg11[%swap3A_240, %swap3A_241], %swap3A_244 {strides = array<i32>} : memref<40x128xi32, #tpu.memory_space<vmem>>, vector<1x16xi32>,
        %get3A_245 = arith.index_cast %scan3A_168 : i32 to index
        %get3A_246 = arith.constant 64 : index
        %get3A_247 = tpu.vector_load %arg7[%get3A_245, %get3A_246] {strides = array<i32>} : memref<40x128xi32, #tpu.memory_space<vmem>>, vector<1x16xi32>,
        %get3A_248 = vector.shape_cast %get3A_247 : vector<1x16xi32> to vector<16xi32>
        %and3A_249 = arith.constant -65536 : i32
        %and3A_250 = vector.broadcast %and3A_249 : i32 to vector<16xi32>
        %and3A_251 = arith.andi %get3A_248, %and3A_250 : vector<16xi32>
        %get3A_252 = arith.index_cast %scan3A_168 : i32 to index
        %get3A_253 = arith.constant 64 : index
        %get3A_254 = tpu.vector_load %arg9[%get3A_252, %get3A_253] {strides = array<i32>} : memref<40x128xi32, #tpu.memory_space<vmem>>, vector<1x16xi32>,
        %get3A_255 = vector.shape_cast %get3A_254 : vector<1x16xi32> to vector<16xi32>
        %and3A_256 = arith.constant 65535 : i32
        %and3A_257 = vector.broadcast %and3A_256 : i32 to vector<16xi32>
        %and3A_258 = arith.andi %get3A_255, %and3A_257 : vector<16xi32>
        %or3A_259 = arith.ori %and3A_251, %and3A_258 : vector<16xi32>
        %swap3A_260 = arith.index_cast %scan3A_168 : i32 to index
        %swap3A_261 = arith.constant 64 : index
        %swap3A_262 = tpu.vector_load %arg11[%swap3A_260, %swap3A_261] {strides = array<i32>} : memref<40x128xi32, #tpu.memory_space<vmem>>, vector<1x16xi32>,
        %swap3A_263 = vector.shape_cast %swap3A_262 : vector<1x16xi32> to vector<16xi32>
        %swap3A_264 = vector.shape_cast %or3A_259 : vector<16xi32> to vector<1x16xi32>
        tpu.vector_store %arg11[%swap3A_260, %swap3A_261], %swap3A_264 {strides = array<i32>} : memref<40x128xi32, #tpu.memory_space<vmem>>, vector<1x16xi32>,
        %get3A_265 = arith.index_cast %scan3A_168 : i32 to index
        %get3A_266 = arith.constant 80 : index
        %get3A_267 = tpu.vector_load %arg7[%get3A_265, %get3A_266] {strides = array<i32>} : memref<40x128xi32, #tpu.memory_space<vmem>>, vector<1x16xi32>,
        %get3A_268 = vector.shape_cast %get3A_267 : vector<1x16xi32> to vector<16xi32>
        %and3A_269 = arith.constant -65536 : i32
        %and3A_270 = vector.broadcast %and3A_269 : i32 to vector<16xi32>
        %and3A_271 = arith.andi %get3A_268, %and3A_270 : vector<16xi32>
        %get3A_272 = arith.index_cast %scan3A_168 : i32 to index
        %get3A_273 = arith.constant 80 : index
        %get3A_274 = tpu.vector_load %arg9[%get3A_272, %get3A_273] {strides = array<i32>} : memref<40x128xi32, #tpu.memory_space<vmem>>, vector<1x16xi32>,
        %get3A_275 = vector.shape_cast %get3A_274 : vector<1x16xi32> to vector<16xi32>
        %and3A_276 = arith.constant 65535 : i32
        %and3A_277 = vector.broadcast %and3A_276 : i32 to vector<16xi32>
        %and3A_278 = arith.andi %get3A_275, %and3A_277 : vector<16xi32>
        %or3A_279 = arith.ori %and3A_271, %and3A_278 : vector<16xi32>
        %swap3A_280 = arith.index_cast %scan3A_168 : i32 to index
        %swap3A_281 = arith.constant 80 : index
        %swap3A_282 = tpu.vector_load %arg11[%swap3A_280, %swap3A_281] {strides = array<i32>} : memref<40x128xi32, #tpu.memory_space<vmem>>, vector<1x16xi32>,
        %swap3A_283 = vector.shape_cast %swap3A_282 : vector<1x16xi32> to vector<16xi32>
        %swap3A_284 = vector.shape_cast %or3A_279 : vector<16xi32> to vector<1x16xi32>
        tpu.vector_store %arg11[%swap3A_280, %swap3A_281], %swap3A_284 {strides = array<i32>} : memref<40x128xi32, #tpu.memory_space<vmem>>, vector<1x16xi32>,
        %get3A_285 = arith.index_cast %scan3A_168 : i32 to index
        %get3A_286 = arith.constant 96 : index
        %get3A_287 = tpu.vector_load %arg7[%get3A_285, %get3A_286] {strides = array<i32>} : memref<40x128xi32, #tpu.memory_space<vmem>>, vector<1x16xi32>,
        %get3A_288 = vector.shape_cast %get3A_287 : vector<1x16xi32> to vector<16xi32>
        %and3A_289 = arith.constant -65536 : i32
        %and3A_290 = vector.broadcast %and3A_289 : i32 to vector<16xi32>
        %and3A_291 = arith.andi %get3A_288, %and3A_290 : vector<16xi32>
        %get3A_292 = arith.index_cast %scan3A_168 : i32 to index
        %get3A_293 = arith.constant 96 : index
        %get3A_294 = tpu.vector_load %arg9[%get3A_292, %get3A_293] {strides = array<i32>} : memref<40x128xi32, #tpu.memory_space<vmem>>, vector<1x16xi32>,
        %get3A_295 = vector.shape_cast %get3A_294 : vector<1x16xi32> to vector<16xi32>
        %and3A_296 = arith.constant 65535 : i32
        %and3A_297 = vector.broadcast %and3A_296 : i32 to vector<16xi32>
        %and3A_298 = arith.andi %get3A_295, %and3A_297 : vector<16xi32>
        %or3A_299 = arith.ori %and3A_291, %and3A_298 : vector<16xi32>
        %swap3A_300 = arith.index_cast %scan3A_168 : i32 to index
        %swap3A_301 = arith.constant 96 : index
        %swap3A_302 = tpu.vector_load %arg11[%swap3A_300, %swap3A_301] {strides = array<i32>} : memref<40x128xi32, #tpu.memory_space<vmem>>, vector<1x16xi32>,
        %swap3A_303 = vector.shape_cast %swap3A_302 : vector<1x16xi32> to vector<16xi32>
        %swap3A_304 = vector.shape_cast %or3A_299 : vector<16xi32> to vector<1x16xi32>
        tpu.vector_store %arg11[%swap3A_300, %swap3A_301], %swap3A_304 {strides = array<i32>} : memref<40x128xi32, #tpu.memory_space<vmem>>, vector<1x16xi32>,
        %get3A_305 = arith.index_cast %scan3A_168 : i32 to index
        %get3A_306 = arith.constant 112 : index
        %get3A_307 = tpu.vector_load %arg7[%get3A_305, %get3A_306] {strides = array<i32>} : memref<40x128xi32, #tpu.memory_space<vmem>>, vector<1x16xi32>,
        %get3A_308 = vector.shape_cast %get3A_307 : vector<1x16xi32> to vector<16xi32>
        %and3A_309 = arith.constant -65536 : i32
        %and3A_310 = vector.broadcast %and3A_309 : i32 to vector<16xi32>
        %and3A_311 = arith.andi %get3A_308, %and3A_310 : vector<16xi32>
        %get3A_312 = arith.index_cast %scan3A_168 : i32 to index
        %get3A_313 = arith.constant 112 : index
        %get3A_314 = tpu.vector_load %arg9[%get3A_312, %get3A_313] {strides = array<i32>} : memref<40x128xi32, #tpu.memory_space<vmem>>, vector<1x16xi32>,
        %get3A_315 = vector.shape_cast %get3A_314 : vector<1x16xi32> to vector<16xi32>
        %and3A_316 = arith.constant 65535 : i32
        %and3A_317 = vector.broadcast %and3A_316 : i32 to vector<16xi32>
        %and3A_318 = arith.andi %get3A_315, %and3A_317 : vector<16xi32>
        %or3A_319 = arith.ori %and3A_311, %and3A_318 : vector<16xi32>
        %swap3A_320 = arith.index_cast %scan3A_168 : i32 to index
        %swap3A_321 = arith.constant 112 : index
        %swap3A_322 = tpu.vector_load %arg11[%swap3A_320, %swap3A_321] {strides = array<i32>} : memref<40x128xi32, #tpu.memory_space<vmem>>, vector<1x16xi32>,
        %swap3A_323 = vector.shape_cast %swap3A_322 : vector<1x16xi32> to vector<16xi32>
        %swap3A_324 = vector.shape_cast %or3A_319 : vector<16xi32> to vector<1x16xi32>
        tpu.vector_store %arg11[%swap3A_320, %swap3A_321], %swap3A_324 {strides = array<i32>} : memref<40x128xi32, #tpu.memory_space<vmem>>, vector<1x16xi32>,
      }
      %scan3A_109 = arith.constant 40 : i32
      %mul3A_110 = arith.constant 5000 : i32
      %mul3A_111 = arith.muli %add3A, %mul3A_110 : i32
      %mul3A_112 = arith.constant 40 : i32
      %mul3A_113 = arith.muli %add3A_89, %mul3A_112 : i32
      %add3A_114 = arith.addi %mul3A_111, %mul3A_113 : i32
      %dma_start3A_115 = arith.constant 0 : i32
      %dma_start3A_116 = tpu.memref_slice %arg4[%add3A_114, %dma_start3A_115] : memref<160000x128xi32, #tpu.memory_space<hbm>> -> memref<40x128xi32, #tpu.memory_space<hbm>>
      %dma_start3A_117 = arith.constant 0 : i32
      %dma_start3A_118 = tpu.memref_slice %arg4[%add3A_114, %dma_start3A_117] : memref<160000x128xi32, #tpu.memory_space<hbm>> -> memref<40x128xi32, #tpu.memory_space<hbm>>
      tpu.enqueue_dma source(%arg11 : memref<40x128xi32, #tpu.memory_space<vmem>>) target(%dma_start3A_118 : memref<40x128xi32, #tpu.memory_space<hbm>>) target_semaphore(%arg17 : memref<!tpu.dma_semaphore, #tpu.memory_space<semaphore_mem>>)
      %add3A_119 = arith.constant 2 : i32
      %add3A_120 = arith.addi %add3A_89, %add3A_119 : i32
      %lt3A = arith.constant 125 : i32
      %lt3A_121 = arith.cmpi slt, %add3A_120, %lt3A : i32
      %convert_element_type3A_122 = arith.extui %lt3A_121 : i1 to i32
      %cond3A_123 = arith.constant 0 : i32
      %cond3A_124 = arith.cmpi ne, %convert_element_type3A_122, %cond3A_123 : i32
      scf.if %cond3A_124 {
        %add3A_168 = arith.constant 2 : i32
        %add3A_169 = arith.addi %add3A_89, %add3A_168 : i32
        %dma_start3A_170 = arith.constant 0 : i32
        %dma_start3A_171 = tpu.memref_slice %arg5[%add3A_169, %dma_start3A_170] : memref<125x40xi32, #tpu.memory_space<vmem>> -> memref<1x40xi32, #tpu.memory_space<vmem>>
        %dma_start3A_172 = tpu.memref_squeeze %dma_start3A_171 : memref<1x40xi32, #tpu.memory_space<vmem>> -> memref<40xi32, #tpu.memory_space<vmem>>
        %dma_start3A_173 = arith.constant 0 : i32
        %dma_start3A_174 = arith.constant 0 : i32
        %dma_start3A_175 = tpu.memref_slice %arg2[%dma_start3A_173, %dma_start3A_174] : memref<10000x128xi32, #tpu.memory_space<hbm>> -> memref<10000x128xi32, #tpu.memory_space<hbm>>
        tpu.enqueue_indirect_dma source(%dma_start3A_175 : memref<10000x128xi32, #tpu.memory_space<hbm>>) target(%arg7 : memref<40x128xi32, #tpu.memory_space<vmem>>) offsets(%dma_start3A_172 : memref<40xi32, #tpu.memory_space<vmem>>) semaphore(%arg13 : memref<!tpu.dma_semaphore, #tpu.memory_space<semaphore_mem>>)
        %dma_start3A_176 = arith.constant 0 : i32
        %dma_start3A_177 = tpu.memref_slice %arg6[%add3A_169, %dma_start3A_176] : memref<125x40xi32, #tpu.memory_space<vmem>> -> memref<1x40xi32, #tpu.memory_space<vmem>>
        %dma_start3A_178 = tpu.memref_squeeze %dma_start3A_177 : memref<1x40xi32, #tpu.memory_space<vmem>> -> memref<40xi32, #tpu.memory_space<vmem>>
        %dma_start3A_179 = arith.constant 0 : i32
        %dma_start3A_180 = arith.constant 0 : i32
        %dma_start3A_181 = tpu.memref_slice %arg2[%dma_start3A_179, %dma_start3A_180] : memref<10000x128xi32, #tpu.memory_space<hbm>> -> memref<10000x128xi32, #tpu.memory_space<hbm>>
        tpu.enqueue_indirect_dma source(%dma_start3A_181 : memref<10000x128xi32, #tpu.memory_space<hbm>>) target(%arg9 : memref<40x128xi32, #tpu.memory_space<vmem>>) offsets(%dma_start3A_178 : memref<40xi32, #tpu.memory_space<vmem>>) semaphore(%arg15 : memref<!tpu.dma_semaphore, #tpu.memory_space<semaphore_mem>>)
      } else {
      }
      %mul3A_125 = arith.constant 2 : i32
      %mul3A_126 = arith.muli %mul3A_125, %scan3A_85 : i32
      %add3A_127 = arith.constant 1 : i32
      %add3A_128 = arith.addi %mul3A_126, %add3A_127 : i32
      %gt3A_129 = arith.constant 0 : i32
      %gt3A_130 = arith.cmpi sgt, %scan3A_85, %gt3A_129 : i32
      %convert_element_type3A_131 = arith.extui %gt3A_130 : i1 to i32
      %cond3A_132 = arith.constant 0 : i32
      %cond3A_133 = arith.cmpi ne, %convert_element_type3A_131, %cond3A_132 : i32
      scf.if %cond3A_133 {
        %sub3A = arith.constant 2 : i32
        %sub3A_168 = arith.subi %add3A_128, %sub3A : i32
        %mul3A_169 = arith.constant 5000 : i32
        %mul3A_170 = arith.muli %add3A, %mul3A_169 : i32
        %mul3A_171 = arith.constant 40 : i32
        %mul3A_172 = arith.muli %sub3A_168, %mul3A_171 : i32
        %add3A_173 = arith.addi %mul3A_170, %mul3A_172 : i32
        %dma_wait3A_174 = arith.constant 0 : i32
        %dma_wait3A_175 = tpu.memref_slice %arg4[%add3A_173, %dma_wait3A_174] : memref<160000x128xi32, #tpu.memory_space<hbm>> -> memref<40x128xi32, #tpu.memory_space<hbm>>
        %dma_wait3A_176 = arith.constant 0 : i32
        %dma_wait3A_177 = tpu.memref_slice %arg4[%add3A_173, %dma_wait3A_176] : memref<160000x128xi32, #tpu.memory_space<hbm>> -> memref<40x128xi32, #tpu.memory_space<hbm>>
        tpu.wait_dma2 semaphore(%arg18 : memref<!tpu.dma_semaphore, #tpu.memory_space<semaphore_mem>>) src(%arg12 : memref<40x128xi32, #tpu.memory_space<vmem>>) dst(%dma_wait3A_177 : memref<40x128xi32, #tpu.memory_space<hbm>>)
      } else {
      }
      %dma_wait3A_134 = arith.constant 0 : i32
      %dma_wait3A_135 = tpu.memref_slice %arg5[%add3A_128, %dma_wait3A_134] : memref<125x40xi32, #tpu.memory_space<vmem>> -> memref<1x40xi32, #tpu.memory_space<vmem>>
      %dma_wait3A_136 = tpu.memref_squeeze %dma_wait3A_135 : memref<1x40xi32, #tpu.memory_space<vmem>> -> memref<40xi32, #tpu.memory_space<vmem>>
      %dma_wait3A_137 = arith.constant 0 : i32
      %dma_wait3A_138 = arith.constant 0 : i32
      %dma_wait3A_139 = tpu.memref_slice %arg2[%dma_wait3A_137, %dma_wait3A_138] : memref<10000x128xi32, #tpu.memory_space<hbm>> -> memref<10000x128xi32, #tpu.memory_space<hbm>>
      tpu.wait_indirect_dma semaphore(%arg14 : memref<!tpu.dma_semaphore, #tpu.memory_space<semaphore_mem>>) src(%dma_wait3A_139 : memref<10000x128xi32, #tpu.memory_space<hbm>>) dst(%arg8 : memref<40x128xi32, #tpu.memory_space<vmem>>)
      %dma_wait3A_140 = arith.constant 0 : i32
      %dma_wait3A_141 = tpu.memref_slice %arg6[%add3A_128, %dma_wait3A_140] : memref<125x40xi32, #tpu.memory_space<vmem>> -> memref<1x40xi32, #tpu.memory_space<vmem>>
      %dma_wait3A_142 = tpu.memref_squeeze %dma_wait3A_141 : memref<1x40xi32, #tpu.memory_space<vmem>> -> memref<40xi32, #tpu.memory_space<vmem>>
      %dma_wait3A_143 = arith.constant 0 : i32
      %dma_wait3A_144 = arith.constant 0 : i32
      %dma_wait3A_145 = tpu.memref_slice %arg2[%dma_wait3A_143, %dma_wait3A_144] : memref<10000x128xi32, #tpu.memory_space<hbm>> -> memref<10000x128xi32, #tpu.memory_space<hbm>>
      tpu.wait_indirect_dma semaphore(%arg16 : memref<!tpu.dma_semaphore, #tpu.memory_space<semaphore_mem>>) src(%dma_wait3A_145 : memref<10000x128xi32, #tpu.memory_space<hbm>>) dst(%arg10 : memref<40x128xi32, #tpu.memory_space<vmem>>)
      %scan3A_146 = arith.constant 0 : i32
      %scan3A_147 = arith.constant 0 : i32
      %scan3A_148 = arith.constant 40 : i32
      %scan3A_149 = arith.addi %scan3A_147, %scan3A_148 : i32
      %scan3A_150 = arith.constant 1 : i32
      scf.for %scan3A_168 = %scan3A_147 to %scan3A_149 step %scan3A_150  : i32 {
        %get3A = arith.index_cast %scan3A_168 : i32 to index
        %get3A_169 = arith.constant 0 : index
        %get3A_170 = tpu.vector_load %arg8[%get3A, %get3A_169] {strides = array<i32>} : memref<40x128xi32, #tpu.memory_space<vmem>>, vector<1x16xi32>,
        %get3A_171 = vector.shape_cast %get3A_170 : vector<1x16xi32> to vector<16xi32>
        %and3A = arith.constant -65536 : i32
        %and3A_172 = vector.broadcast %and3A : i32 to vector<16xi32>
        %and3A_173 = arith.andi %get3A_171, %and3A_172 : vector<16xi32>
        %get3A_174 = arith.index_cast %scan3A_168 : i32 to index
        %get3A_175 = arith.constant 0 : index
        %get3A_176 = tpu.vector_load %arg10[%get3A_174, %get3A_175] {strides = array<i32>} : memref<40x128xi32, #tpu.memory_space<vmem>>, vector<1x16xi32>,
        %get3A_177 = vector.shape_cast %get3A_176 : vector<1x16xi32> to vector<16xi32>
        %and3A_178 = arith.constant 65535 : i32
        %and3A_179 = vector.broadcast %and3A_178 : i32 to vector<16xi32>
        %and3A_180 = arith.andi %get3A_177, %and3A_179 : vector<16xi32>
        %or3A = arith.ori %and3A_173, %and3A_180 : vector<16xi32>
        %swap3A = arith.index_cast %scan3A_168 : i32 to index
        %swap3A_181 = arith.constant 0 : index
        %swap3A_182 = tpu.vector_load %arg12[%swap3A, %swap3A_181] {strides = array<i32>} : memref<40x128xi32, #tpu.memory_space<vmem>>, vector<1x16xi32>,
        %swap3A_183 = vector.shape_cast %swap3A_182 : vector<1x16xi32> to vector<16xi32>
        %swap3A_184 = vector.shape_cast %or3A : vector<16xi32> to vector<1x16xi32>
        tpu.vector_store %arg12[%swap3A, %swap3A_181], %swap3A_184 {strides = array<i32>} : memref<40x128xi32, #tpu.memory_space<vmem>>, vector<1x16xi32>,
        %get3A_185 = arith.index_cast %scan3A_168 : i32 to index
        %get3A_186 = arith.constant 16 : index
        %get3A_187 = tpu.vector_load %arg8[%get3A_185, %get3A_186] {strides = array<i32>} : memref<40x128xi32, #tpu.memory_space<vmem>>, vector<1x16xi32>,
        %get3A_188 = vector.shape_cast %get3A_187 : vector<1x16xi32> to vector<16xi32>
        %and3A_189 = arith.constant -65536 : i32
        %and3A_190 = vector.broadcast %and3A_189 : i32 to vector<16xi32>
        %and3A_191 = arith.andi %get3A_188, %and3A_190 : vector<16xi32>
        %get3A_192 = arith.index_cast %scan3A_168 : i32 to index
        %get3A_193 = arith.constant 16 : index
        %get3A_194 = tpu.vector_load %arg10[%get3A_192, %get3A_193] {strides = array<i32>} : memref<40x128xi32, #tpu.memory_space<vmem>>, vector<1x16xi32>,
        %get3A_195 = vector.shape_cast %get3A_194 : vector<1x16xi32> to vector<16xi32>
        %and3A_196 = arith.constant 65535 : i32
        %and3A_197 = vector.broadcast %and3A_196 : i32 to vector<16xi32>
        %and3A_198 = arith.andi %get3A_195, %and3A_197 : vector<16xi32>
        %or3A_199 = arith.ori %and3A_191, %and3A_198 : vector<16xi32>
        %swap3A_200 = arith.index_cast %scan3A_168 : i32 to index
        %swap3A_201 = arith.constant 16 : index
        %swap3A_202 = tpu.vector_load %arg12[%swap3A_200, %swap3A_201] {strides = array<i32>} : memref<40x128xi32, #tpu.memory_space<vmem>>, vector<1x16xi32>,
        %swap3A_203 = vector.shape_cast %swap3A_202 : vector<1x16xi32> to vector<16xi32>
        %swap3A_204 = vector.shape_cast %or3A_199 : vector<16xi32> to vector<1x16xi32>
        tpu.vector_store %arg12[%swap3A_200, %swap3A_201], %swap3A_204 {strides = array<i32>} : memref<40x128xi32, #tpu.memory_space<vmem>>, vector<1x16xi32>,
        %get3A_205 = arith.index_cast %scan3A_168 : i32 to index
        %get3A_206 = arith.constant 32 : index
        %get3A_207 = tpu.vector_load %arg8[%get3A_205, %get3A_206] {strides = array<i32>} : memref<40x128xi32, #tpu.memory_space<vmem>>, vector<1x16xi32>,
        %get3A_208 = vector.shape_cast %get3A_207 : vector<1x16xi32> to vector<16xi32>
        %and3A_209 = arith.constant -65536 : i32
        %and3A_210 = vector.broadcast %and3A_209 : i32 to vector<16xi32>
        %and3A_211 = arith.andi %get3A_208, %and3A_210 : vector<16xi32>
        %get3A_212 = arith.index_cast %scan3A_168 : i32 to index
        %get3A_213 = arith.constant 32 : index
        %get3A_214 = tpu.vector_load %arg10[%get3A_212, %get3A_213] {strides = array<i32>} : memref<40x128xi32, #tpu.memory_space<vmem>>, vector<1x16xi32>,
        %get3A_215 = vector.shape_cast %get3A_214 : vector<1x16xi32> to vector<16xi32>
        %and3A_216 = arith.constant 65535 : i32
        %and3A_217 = vector.broadcast %and3A_216 : i32 to vector<16xi32>
        %and3A_218 = arith.andi %get3A_215, %and3A_217 : vector<16xi32>
        %or3A_219 = arith.ori %and3A_211, %and3A_218 : vector<16xi32>
        %swap3A_220 = arith.index_cast %scan3A_168 : i32 to index
        %swap3A_221 = arith.constant 32 : index
        %swap3A_222 = tpu.vector_load %arg12[%swap3A_220, %swap3A_221] {strides = array<i32>} : memref<40x128xi32, #tpu.memory_space<vmem>>, vector<1x16xi32>,
        %swap3A_223 = vector.shape_cast %swap3A_222 : vector<1x16xi32> to vector<16xi32>
        %swap3A_224 = vector.shape_cast %or3A_219 : vector<16xi32> to vector<1x16xi32>
        tpu.vector_store %arg12[%swap3A_220, %swap3A_221], %swap3A_224 {strides = array<i32>} : memref<40x128xi32, #tpu.memory_space<vmem>>, vector<1x16xi32>,
        %get3A_225 = arith.index_cast %scan3A_168 : i32 to index
        %get3A_226 = arith.constant 48 : index
        %get3A_227 = tpu.vector_load %arg8[%get3A_225, %get3A_226] {strides = array<i32>} : memref<40x128xi32, #tpu.memory_space<vmem>>, vector<1x16xi32>,
        %get3A_228 = vector.shape_cast %get3A_227 : vector<1x16xi32> to vector<16xi32>
        %and3A_229 = arith.constant -65536 : i32
        %and3A_230 = vector.broadcast %and3A_229 : i32 to vector<16xi32>
        %and3A_231 = arith.andi %get3A_228, %and3A_230 : vector<16xi32>
        %get3A_232 = arith.index_cast %scan3A_168 : i32 to index
        %get3A_233 = arith.constant 48 : index
        %get3A_234 = tpu.vector_load %arg10[%get3A_232, %get3A_233] {strides = array<i32>} : memref<40x128xi32, #tpu.memory_space<vmem>>, vector<1x16xi32>,
        %get3A_235 = vector.shape_cast %get3A_234 : vector<1x16xi32> to vector<16xi32>
        %and3A_236 = arith.constant 65535 : i32
        %and3A_237 = vector.broadcast %and3A_236 : i32 to vector<16xi32>
        %and3A_238 = arith.andi %get3A_235, %and3A_237 : vector<16xi32>
        %or3A_239 = arith.ori %and3A_231, %and3A_238 : vector<16xi32>
        %swap3A_240 = arith.index_cast %scan3A_168 : i32 to index
        %swap3A_241 = arith.constant 48 : index
        %swap3A_242 = tpu.vector_load %arg12[%swap3A_240, %swap3A_241] {strides = array<i32>} : memref<40x128xi32, #tpu.memory_space<vmem>>, vector<1x16xi32>,
        %swap3A_243 = vector.shape_cast %swap3A_242 : vector<1x16xi32> to vector<16xi32>
        %swap3A_244 = vector.shape_cast %or3A_239 : vector<16xi32> to vector<1x16xi32>
        tpu.vector_store %arg12[%swap3A_240, %swap3A_241], %swap3A_244 {strides = array<i32>} : memref<40x128xi32, #tpu.memory_space<vmem>>, vector<1x16xi32>,
        %get3A_245 = arith.index_cast %scan3A_168 : i32 to index
        %get3A_246 = arith.constant 64 : index
        %get3A_247 = tpu.vector_load %arg8[%get3A_245, %get3A_246] {strides = array<i32>} : memref<40x128xi32, #tpu.memory_space<vmem>>, vector<1x16xi32>,
        %get3A_248 = vector.shape_cast %get3A_247 : vector<1x16xi32> to vector<16xi32>
        %and3A_249 = arith.constant -65536 : i32
        %and3A_250 = vector.broadcast %and3A_249 : i32 to vector<16xi32>
        %and3A_251 = arith.andi %get3A_248, %and3A_250 : vector<16xi32>
        %get3A_252 = arith.index_cast %scan3A_168 : i32 to index
        %get3A_253 = arith.constant 64 : index
        %get3A_254 = tpu.vector_load %arg10[%get3A_252, %get3A_253] {strides = array<i32>} : memref<40x128xi32, #tpu.memory_space<vmem>>, vector<1x16xi32>,
        %get3A_255 = vector.shape_cast %get3A_254 : vector<1x16xi32> to vector<16xi32>
        %and3A_256 = arith.constant 65535 : i32
        %and3A_257 = vector.broadcast %and3A_256 : i32 to vector<16xi32>
        %and3A_258 = arith.andi %get3A_255, %and3A_257 : vector<16xi32>
        %or3A_259 = arith.ori %and3A_251, %and3A_258 : vector<16xi32>
        %swap3A_260 = arith.index_cast %scan3A_168 : i32 to index
        %swap3A_261 = arith.constant 64 : index
        %swap3A_262 = tpu.vector_load %arg12[%swap3A_260, %swap3A_261] {strides = array<i32>} : memref<40x128xi32, #tpu.memory_space<vmem>>, vector<1x16xi32>,
        %swap3A_263 = vector.shape_cast %swap3A_262 : vector<1x16xi32> to vector<16xi32>
        %swap3A_264 = vector.shape_cast %or3A_259 : vector<16xi32> to vector<1x16xi32>
        tpu.vector_store %arg12[%swap3A_260, %swap3A_261], %swap3A_264 {strides = array<i32>} : memref<40x128xi32, #tpu.memory_space<vmem>>, vector<1x16xi32>,
        %get3A_265 = arith.index_cast %scan3A_168 : i32 to index
        %get3A_266 = arith.constant 80 : index
        %get3A_267 = tpu.vector_load %arg8[%get3A_265, %get3A_266] {strides = array<i32>} : memref<40x128xi32, #tpu.memory_space<vmem>>, vector<1x16xi32>,
        %get3A_268 = vector.shape_cast %get3A_267 : vector<1x16xi32> to vector<16xi32>
        %and3A_269 = arith.constant -65536 : i32
        %and3A_270 = vector.broadcast %and3A_269 : i32 to vector<16xi32>
        %and3A_271 = arith.andi %get3A_268, %and3A_270 : vector<16xi32>
        %get3A_272 = arith.index_cast %scan3A_168 : i32 to index
        %get3A_273 = arith.constant 80 : index
        %get3A_274 = tpu.vector_load %arg10[%get3A_272, %get3A_273] {strides = array<i32>} : memref<40x128xi32, #tpu.memory_space<vmem>>, vector<1x16xi32>,
        %get3A_275 = vector.shape_cast %get3A_274 : vector<1x16xi32> to vector<16xi32>
        %and3A_276 = arith.constant 65535 : i32
        %and3A_277 = vector.broadcast %and3A_276 : i32 to vector<16xi32>
        %and3A_278 = arith.andi %get3A_275, %and3A_277 : vector<16xi32>
        %or3A_279 = arith.ori %and3A_271, %and3A_278 : vector<16xi32>
        %swap3A_280 = arith.index_cast %scan3A_168 : i32 to index
        %swap3A_281 = arith.constant 80 : index
        %swap3A_282 = tpu.vector_load %arg12[%swap3A_280, %swap3A_281] {strides = array<i32>} : memref<40x128xi32, #tpu.memory_space<vmem>>, vector<1x16xi32>,
        %swap3A_283 = vector.shape_cast %swap3A_282 : vector<1x16xi32> to vector<16xi32>
        %swap3A_284 = vector.shape_cast %or3A_279 : vector<16xi32> to vector<1x16xi32>
        tpu.vector_store %arg12[%swap3A_280, %swap3A_281], %swap3A_284 {strides = array<i32>} : memref<40x128xi32, #tpu.memory_space<vmem>>, vector<1x16xi32>,
        %get3A_285 = arith.index_cast %scan3A_168 : i32 to index
        %get3A_286 = arith.constant 96 : index
        %get3A_287 = tpu.vector_load %arg8[%get3A_285, %get3A_286] {strides = array<i32>} : memref<40x128xi32, #tpu.memory_space<vmem>>, vector<1x16xi32>,
        %get3A_288 = vector.shape_cast %get3A_287 : vector<1x16xi32> to vector<16xi32>
        %and3A_289 = arith.constant -65536 : i32
        %and3A_290 = vector.broadcast %and3A_289 : i32 to vector<16xi32>
        %and3A_291 = arith.andi %get3A_288, %and3A_290 : vector<16xi32>
        %get3A_292 = arith.index_cast %scan3A_168 : i32 to index
        %get3A_293 = arith.constant 96 : index
        %get3A_294 = tpu.vector_load %arg10[%get3A_292, %get3A_293] {strides = array<i32>} : memref<40x128xi32, #tpu.memory_space<vmem>>, vector<1x16xi32>,
        %get3A_295 = vector.shape_cast %get3A_294 : vector<1x16xi32> to vector<16xi32>
        %and3A_296 = arith.constant 65535 : i32
        %and3A_297 = vector.broadcast %and3A_296 : i32 to vector<16xi32>
        %and3A_298 = arith.andi %get3A_295, %and3A_297 : vector<16xi32>
        %or3A_299 = arith.ori %and3A_291, %and3A_298 : vector<16xi32>
        %swap3A_300 = arith.index_cast %scan3A_168 : i32 to index
        %swap3A_301 = arith.constant 96 : index
        %swap3A_302 = tpu.vector_load %arg12[%swap3A_300, %swap3A_301] {strides = array<i32>} : memref<40x128xi32, #tpu.memory_space<vmem>>, vector<1x16xi32>,
        %swap3A_303 = vector.shape_cast %swap3A_302 : vector<1x16xi32> to vector<16xi32>
        %swap3A_304 = vector.shape_cast %or3A_299 : vector<16xi32> to vector<1x16xi32>
        tpu.vector_store %arg12[%swap3A_300, %swap3A_301], %swap3A_304 {strides = array<i32>} : memref<40x128xi32, #tpu.memory_space<vmem>>, vector<1x16xi32>,
        %get3A_305 = arith.index_cast %scan3A_168 : i32 to index
        %get3A_306 = arith.constant 112 : index
        %get3A_307 = tpu.vector_load %arg8[%get3A_305, %get3A_306] {strides = array<i32>} : memref<40x128xi32, #tpu.memory_space<vmem>>, vector<1x16xi32>,
        %get3A_308 = vector.shape_cast %get3A_307 : vector<1x16xi32> to vector<16xi32>
        %and3A_309 = arith.constant -65536 : i32
        %and3A_310 = vector.broadcast %and3A_309 : i32 to vector<16xi32>
        %and3A_311 = arith.andi %get3A_308, %and3A_310 : vector<16xi32>
        %get3A_312 = arith.index_cast %scan3A_168 : i32 to index
        %get3A_313 = arith.constant 112 : index
        %get3A_314 = tpu.vector_load %arg10[%get3A_312, %get3A_313] {strides = array<i32>} : memref<40x128xi32, #tpu.memory_space<vmem>>, vector<1x16xi32>,
        %get3A_315 = vector.shape_cast %get3A_314 : vector<1x16xi32> to vector<16xi32>
        %and3A_316 = arith.constant 65535 : i32
        %and3A_317 = vector.broadcast %and3A_316 : i32 to vector<16xi32>
        %and3A_318 = arith.andi %get3A_315, %and3A_317 : vector<16xi32>
        %or3A_319 = arith.ori %and3A_311, %and3A_318 : vector<16xi32>
        %swap3A_320 = arith.index_cast %scan3A_168 : i32 to index
        %swap3A_321 = arith.constant 112 : index
        %swap3A_322 = tpu.vector_load %arg12[%swap3A_320, %swap3A_321] {strides = array<i32>} : memref<40x128xi32, #tpu.memory_space<vmem>>, vector<1x16xi32>,
        %swap3A_323 = vector.shape_cast %swap3A_322 : vector<1x16xi32> to vector<16xi32>
        %swap3A_324 = vector.shape_cast %or3A_319 : vector<16xi32> to vector<1x16xi32>
        tpu.vector_store %arg12[%swap3A_320, %swap3A_321], %swap3A_324 {strides = array<i32>} : memref<40x128xi32, #tpu.memory_space<vmem>>, vector<1x16xi32>,
      }
      %scan3A_151 = arith.constant 40 : i32
      %mul3A_152 = arith.constant 5000 : i32
      %mul3A_153 = arith.muli %add3A, %mul3A_152 : i32
      %mul3A_154 = arith.constant 40 : i32
      %mul3A_155 = arith.muli %add3A_128, %mul3A_154 : i32
      %add3A_156 = arith.addi %mul3A_153, %mul3A_155 : i32
      %dma_start3A_157 = arith.constant 0 : i32
      %dma_start3A_158 = tpu.memref_slice %arg4[%add3A_156, %dma_start3A_157] : memref<160000x128xi32, #tpu.memory_space<hbm>> -> memref<40x128xi32, #tpu.memory_space<hbm>>
      %dma_start3A_159 = arith.constant 0 : i32
      %dma_start3A_160 = tpu.memref_slice %arg4[%add3A_156, %dma_start3A_159] : memref<160000x128xi32, #tpu.memory_space<hbm>> -> memref<40x128xi32, #tpu.memory_space<hbm>>
      tpu.enqueue_dma source(%arg12 : memref<40x128xi32, #tpu.memory_space<vmem>>) target(%dma_start3A_160 : memref<40x128xi32, #tpu.memory_space<hbm>>) target_semaphore(%arg18 : memref<!tpu.dma_semaphore, #tpu.memory_space<semaphore_mem>>)
      %add3A_161 = arith.constant 2 : i32
      %add3A_162 = arith.addi %add3A_128, %add3A_161 : i32
      %lt3A_163 = arith.constant 125 : i32
      %lt3A_164 = arith.cmpi slt, %add3A_162, %lt3A_163 : i32
      %convert_element_type3A_165 = arith.extui %lt3A_164 : i1 to i32
      %cond3A_166 = arith.constant 0 : i32
      %cond3A_167 = arith.cmpi ne, %convert_element_type3A_165, %cond3A_166 : i32
      scf.if %cond3A_167 {
        %add3A_168 = arith.constant 2 : i32
        %add3A_169 = arith.addi %add3A_128, %add3A_168 : i32
        %dma_start3A_170 = arith.constant 0 : i32
        %dma_start3A_171 = tpu.memref_slice %arg5[%add3A_169, %dma_start3A_170] : memref<125x40xi32, #tpu.memory_space<vmem>> -> memref<1x40xi32, #tpu.memory_space<vmem>>
        %dma_start3A_172 = tpu.memref_squeeze %dma_start3A_171 : memref<1x40xi32, #tpu.memory_space<vmem>> -> memref<40xi32, #tpu.memory_space<vmem>>
        %dma_start3A_173 = arith.constant 0 : i32
        %dma_start3A_174 = arith.constant 0 : i32
        %dma_start3A_175 = tpu.memref_slice %arg2[%dma_start3A_173, %dma_start3A_174] : memref<10000x128xi32, #tpu.memory_space<hbm>> -> memref<10000x128xi32, #tpu.memory_space<hbm>>
        tpu.enqueue_indirect_dma source(%dma_start3A_175 : memref<10000x128xi32, #tpu.memory_space<hbm>>) target(%arg8 : memref<40x128xi32, #tpu.memory_space<vmem>>) offsets(%dma_start3A_172 : memref<40xi32, #tpu.memory_space<vmem>>) semaphore(%arg14 : memref<!tpu.dma_semaphore, #tpu.memory_space<semaphore_mem>>)
        %dma_start3A_176 = arith.constant 0 : i32
        %dma_start3A_177 = tpu.memref_slice %arg6[%add3A_169, %dma_start3A_176] : memref<125x40xi32, #tpu.memory_space<vmem>> -> memref<1x40xi32, #tpu.memory_space<vmem>>
        %dma_start3A_178 = tpu.memref_squeeze %dma_start3A_177 : memref<1x40xi32, #tpu.memory_space<vmem>> -> memref<40xi32, #tpu.memory_space<vmem>>
        %dma_start3A_179 = arith.constant 0 : i32
        %dma_start3A_180 = arith.constant 0 : i32
        %dma_start3A_181 = tpu.memref_slice %arg2[%dma_start3A_179, %dma_start3A_180] : memref<10000x128xi32, #tpu.memory_space<hbm>> -> memref<10000x128xi32, #tpu.memory_space<hbm>>
        tpu.enqueue_indirect_dma source(%dma_start3A_181 : memref<10000x128xi32, #tpu.memory_space<hbm>>) target(%arg10 : memref<40x128xi32, #tpu.memory_space<vmem>>) offsets(%dma_start3A_178 : memref<40xi32, #tpu.memory_space<vmem>>) semaphore(%arg16 : memref<!tpu.dma_semaphore, #tpu.memory_space<semaphore_mem>>)
      } else {
      }
    }
    %scan3A_33 = arith.constant 62 : i32
    %mul3A_34 = arith.constant 5000 : i32
    %mul3A_35 = arith.muli %add3A, %mul3A_34 : i32
    %add3A_36 = arith.constant 4880 : i32
    %add3A_37 = arith.addi %mul3A_35, %add3A_36 : i32
    %dma_wait3A = arith.constant 0 : i32
    %dma_wait3A_38 = tpu.memref_slice %arg4[%add3A_37, %dma_wait3A] : memref<160000x128xi32, #tpu.memory_space<hbm>> -> memref<40x128xi32, #tpu.memory_space<hbm>>
    %dma_wait3A_39 = arith.constant 0 : i32
    %dma_wait3A_40 = tpu.memref_slice %arg4[%add3A_37, %dma_wait3A_39] : memref<160000x128xi32, #tpu.memory_space<hbm>> -> memref<40x128xi32, #tpu.memory_space<hbm>>
    tpu.wait_dma2 semaphore(%arg17 : memref<!tpu.dma_semaphore, #tpu.memory_space<semaphore_mem>>) src(%arg11 : memref<40x128xi32, #tpu.memory_space<vmem>>) dst(%dma_wait3A_40 : memref<40x128xi32, #tpu.memory_space<hbm>>)
    %dma_wait3A_41 = arith.constant 124 : i32
    %dma_wait3A_42 = arith.constant 0 : i32
    %dma_wait3A_43 = tpu.memref_slice %arg5[%dma_wait3A_41, %dma_wait3A_42] : memref<125x40xi32, #tpu.memory_space<vmem>> -> memref<1x40xi32, #tpu.memory_space<vmem>>
    %dma_wait3A_44 = tpu.memref_squeeze %dma_wait3A_43 : memref<1x40xi32, #tpu.memory_space<vmem>> -> memref<40xi32, #tpu.memory_space<vmem>>
    %dma_wait3A_45 = arith.constant 0 : i32
    %dma_wait3A_46 = arith.constant 0 : i32
    %dma_wait3A_47 = tpu.memref_slice %arg2[%dma_wait3A_45, %dma_wait3A_46] : memref<10000x128xi32, #tpu.memory_space<hbm>> -> memref<10000x128xi32, #tpu.memory_space<hbm>>
    tpu.wait_indirect_dma semaphore(%arg13 : memref<!tpu.dma_semaphore, #tpu.memory_space<semaphore_mem>>) src(%dma_wait3A_47 : memref<10000x128xi32, #tpu.memory_space<hbm>>) dst(%arg7 : memref<40x128xi32, #tpu.memory_space<vmem>>)
    %dma_wait3A_48 = arith.constant 124 : i32
    %dma_wait3A_49 = arith.constant 0 : i32
    %dma_wait3A_50 = tpu.memref_slice %arg6[%dma_wait3A_48, %dma_wait3A_49] : memref<125x40xi32, #tpu.memory_space<vmem>> -> memref<1x40xi32, #tpu.memory_space<vmem>>
    %dma_wait3A_51 = tpu.memref_squeeze %dma_wait3A_50 : memref<1x40xi32, #tpu.memory_space<vmem>> -> memref<40xi32, #tpu.memory_space<vmem>>
    %dma_wait3A_52 = arith.constant 0 : i32
    %dma_wait3A_53 = arith.constant 0 : i32
    %dma_wait3A_54 = tpu.memref_slice %arg2[%dma_wait3A_52, %dma_wait3A_53] : memref<10000x128xi32, #tpu.memory_space<hbm>> -> memref<10000x128xi32, #tpu.memory_space<hbm>>
    tpu.wait_indirect_dma semaphore(%arg15 : memref<!tpu.dma_semaphore, #tpu.memory_space<semaphore_mem>>) src(%dma_wait3A_54 : memref<10000x128xi32, #tpu.memory_space<hbm>>) dst(%arg9 : memref<40x128xi32, #tpu.memory_space<vmem>>)
    %scan3A_55 = arith.constant 0 : i32
    %scan3A_56 = arith.constant 0 : i32
    %scan3A_57 = arith.constant 40 : i32
    %scan3A_58 = arith.addi %scan3A_56, %scan3A_57 : i32
    %scan3A_59 = arith.constant 1 : i32
    scf.for %scan3A_85 = %scan3A_56 to %scan3A_58 step %scan3A_59  : i32 {
      %get3A = arith.index_cast %scan3A_85 : i32 to index
      %get3A_86 = arith.constant 0 : index
      %get3A_87 = tpu.vector_load %arg7[%get3A, %get3A_86] {strides = array<i32>} : memref<40x128xi32, #tpu.memory_space<vmem>>, vector<1x16xi32>,
      %get3A_88 = vector.shape_cast %get3A_87 : vector<1x16xi32> to vector<16xi32>
      %and3A = arith.constant -65536 : i32
      %and3A_89 = vector.broadcast %and3A : i32 to vector<16xi32>
      %and3A_90 = arith.andi %get3A_88, %and3A_89 : vector<16xi32>
      %get3A_91 = arith.index_cast %scan3A_85 : i32 to index
      %get3A_92 = arith.constant 0 : index
      %get3A_93 = tpu.vector_load %arg9[%get3A_91, %get3A_92] {strides = array<i32>} : memref<40x128xi32, #tpu.memory_space<vmem>>, vector<1x16xi32>,
      %get3A_94 = vector.shape_cast %get3A_93 : vector<1x16xi32> to vector<16xi32>
      %and3A_95 = arith.constant 65535 : i32
      %and3A_96 = vector.broadcast %and3A_95 : i32 to vector<16xi32>
      %and3A_97 = arith.andi %get3A_94, %and3A_96 : vector<16xi32>
      %or3A = arith.ori %and3A_90, %and3A_97 : vector<16xi32>
      %swap3A = arith.index_cast %scan3A_85 : i32 to index
      %swap3A_98 = arith.constant 0 : index
      %swap3A_99 = tpu.vector_load %arg11[%swap3A, %swap3A_98] {strides = array<i32>} : memref<40x128xi32, #tpu.memory_space<vmem>>, vector<1x16xi32>,
      %swap3A_100 = vector.shape_cast %swap3A_99 : vector<1x16xi32> to vector<16xi32>
      %swap3A_101 = vector.shape_cast %or3A : vector<16xi32> to vector<1x16xi32>
      tpu.vector_store %arg11[%swap3A, %swap3A_98], %swap3A_101 {strides = array<i32>} : memref<40x128xi32, #tpu.memory_space<vmem>>, vector<1x16xi32>,
      %get3A_102 = arith.index_cast %scan3A_85 : i32 to index
      %get3A_103 = arith.constant 16 : index
      %get3A_104 = tpu.vector_load %arg7[%get3A_102, %get3A_103] {strides = array<i32>} : memref<40x128xi32, #tpu.memory_space<vmem>>, vector<1x16xi32>,
      %get3A_105 = vector.shape_cast %get3A_104 : vector<1x16xi32> to vector<16xi32>
      %and3A_106 = arith.constant -65536 : i32
      %and3A_107 = vector.broadcast %and3A_106 : i32 to vector<16xi32>
      %and3A_108 = arith.andi %get3A_105, %and3A_107 : vector<16xi32>
      %get3A_109 = arith.index_cast %scan3A_85 : i32 to index
      %get3A_110 = arith.constant 16 : index
      %get3A_111 = tpu.vector_load %arg9[%get3A_109, %get3A_110] {strides = array<i32>} : memref<40x128xi32, #tpu.memory_space<vmem>>, vector<1x16xi32>,
      %get3A_112 = vector.shape_cast %get3A_111 : vector<1x16xi32> to vector<16xi32>
      %and3A_113 = arith.constant 65535 : i32
      %and3A_114 = vector.broadcast %and3A_113 : i32 to vector<16xi32>
      %and3A_115 = arith.andi %get3A_112, %and3A_114 : vector<16xi32>
      %or3A_116 = arith.ori %and3A_108, %and3A_115 : vector<16xi32>
      %swap3A_117 = arith.index_cast %scan3A_85 : i32 to index
      %swap3A_118 = arith.constant 16 : index
      %swap3A_119 = tpu.vector_load %arg11[%swap3A_117, %swap3A_118] {strides = array<i32>} : memref<40x128xi32, #tpu.memory_space<vmem>>, vector<1x16xi32>,
      %swap3A_120 = vector.shape_cast %swap3A_119 : vector<1x16xi32> to vector<16xi32>
      %swap3A_121 = vector.shape_cast %or3A_116 : vector<16xi32> to vector<1x16xi32>
      tpu.vector_store %arg11[%swap3A_117, %swap3A_118], %swap3A_121 {strides = array<i32>} : memref<40x128xi32, #tpu.memory_space<vmem>>, vector<1x16xi32>,
      %get3A_122 = arith.index_cast %scan3A_85 : i32 to index
      %get3A_123 = arith.constant 32 : index
      %get3A_124 = tpu.vector_load %arg7[%get3A_122, %get3A_123] {strides = array<i32>} : memref<40x128xi32, #tpu.memory_space<vmem>>, vector<1x16xi32>,
      %get3A_125 = vector.shape_cast %get3A_124 : vector<1x16xi32> to vector<16xi32>
      %and3A_126 = arith.constant -65536 : i32
      %and3A_127 = vector.broadcast %and3A_126 : i32 to vector<16xi32>
      %and3A_128 = arith.andi %get3A_125, %and3A_127 : vector<16xi32>
      %get3A_129 = arith.index_cast %scan3A_85 : i32 to index
      %get3A_130 = arith.constant 32 : index
      %get3A_131 = tpu.vector_load %arg9[%get3A_129, %get3A_130] {strides = array<i32>} : memref<40x128xi32, #tpu.memory_space<vmem>>, vector<1x16xi32>,
      %get3A_132 = vector.shape_cast %get3A_131 : vector<1x16xi32> to vector<16xi32>
      %and3A_133 = arith.constant 65535 : i32
      %and3A_134 = vector.broadcast %and3A_133 : i32 to vector<16xi32>
      %and3A_135 = arith.andi %get3A_132, %and3A_134 : vector<16xi32>
      %or3A_136 = arith.ori %and3A_128, %and3A_135 : vector<16xi32>
      %swap3A_137 = arith.index_cast %scan3A_85 : i32 to index
      %swap3A_138 = arith.constant 32 : index
      %swap3A_139 = tpu.vector_load %arg11[%swap3A_137, %swap3A_138] {strides = array<i32>} : memref<40x128xi32, #tpu.memory_space<vmem>>, vector<1x16xi32>,
      %swap3A_140 = vector.shape_cast %swap3A_139 : vector<1x16xi32> to vector<16xi32>
      %swap3A_141 = vector.shape_cast %or3A_136 : vector<16xi32> to vector<1x16xi32>
      tpu.vector_store %arg11[%swap3A_137, %swap3A_138], %swap3A_141 {strides = array<i32>} : memref<40x128xi32, #tpu.memory_space<vmem>>, vector<1x16xi32>,
      %get3A_142 = arith.index_cast %scan3A_85 : i32 to index
      %get3A_143 = arith.constant 48 : index
      %get3A_144 = tpu.vector_load %arg7[%get3A_142, %get3A_143] {strides = array<i32>} : memref<40x128xi32, #tpu.memory_space<vmem>>, vector<1x16xi32>,
      %get3A_145 = vector.shape_cast %get3A_144 : vector<1x16xi32> to vector<16xi32>
      %and3A_146 = arith.constant -65536 : i32
      %and3A_147 = vector.broadcast %and3A_146 : i32 to vector<16xi32>
      %and3A_148 = arith.andi %get3A_145, %and3A_147 : vector<16xi32>
      %get3A_149 = arith.index_cast %scan3A_85 : i32 to index
      %get3A_150 = arith.constant 48 : index
      %get3A_151 = tpu.vector_load %arg9[%get3A_149, %get3A_150] {strides = array<i32>} : memref<40x128xi32, #tpu.memory_space<vmem>>, vector<1x16xi32>,
      %get3A_152 = vector.shape_cast %get3A_151 : vector<1x16xi32> to vector<16xi32>
      %and3A_153 = arith.constant 65535 : i32
      %and3A_154 = vector.broadcast %and3A_153 : i32 to vector<16xi32>
      %and3A_155 = arith.andi %get3A_152, %and3A_154 : vector<16xi32>
      %or3A_156 = arith.ori %and3A_148, %and3A_155 : vector<16xi32>
      %swap3A_157 = arith.index_cast %scan3A_85 : i32 to index
      %swap3A_158 = arith.constant 48 : index
      %swap3A_159 = tpu.vector_load %arg11[%swap3A_157, %swap3A_158] {strides = array<i32>} : memref<40x128xi32, #tpu.memory_space<vmem>>, vector<1x16xi32>,
      %swap3A_160 = vector.shape_cast %swap3A_159 : vector<1x16xi32> to vector<16xi32>
      %swap3A_161 = vector.shape_cast %or3A_156 : vector<16xi32> to vector<1x16xi32>
      tpu.vector_store %arg11[%swap3A_157, %swap3A_158], %swap3A_161 {strides = array<i32>} : memref<40x128xi32, #tpu.memory_space<vmem>>, vector<1x16xi32>,
      %get3A_162 = arith.index_cast %scan3A_85 : i32 to index
      %get3A_163 = arith.constant 64 : index
      %get3A_164 = tpu.vector_load %arg7[%get3A_162, %get3A_163] {strides = array<i32>} : memref<40x128xi32, #tpu.memory_space<vmem>>, vector<1x16xi32>,
      %get3A_165 = vector.shape_cast %get3A_164 : vector<1x16xi32> to vector<16xi32>
      %and3A_166 = arith.constant -65536 : i32
      %and3A_167 = vector.broadcast %and3A_166 : i32 to vector<16xi32>
      %and3A_168 = arith.andi %get3A_165, %and3A_167 : vector<16xi32>
      %get3A_169 = arith.index_cast %scan3A_85 : i32 to index
      %get3A_170 = arith.constant 64 : index
      %get3A_171 = tpu.vector_load %arg9[%get3A_169, %get3A_170] {strides = array<i32>} : memref<40x128xi32, #tpu.memory_space<vmem>>, vector<1x16xi32>,
      %get3A_172 = vector.shape_cast %get3A_171 : vector<1x16xi32> to vector<16xi32>
      %and3A_173 = arith.constant 65535 : i32
      %and3A_174 = vector.broadcast %and3A_173 : i32 to vector<16xi32>
      %and3A_175 = arith.andi %get3A_172, %and3A_174 : vector<16xi32>
      %or3A_176 = arith.ori %and3A_168, %and3A_175 : vector<16xi32>
      %swap3A_177 = arith.index_cast %scan3A_85 : i32 to index
      %swap3A_178 = arith.constant 64 : index
      %swap3A_179 = tpu.vector_load %arg11[%swap3A_177, %swap3A_178] {strides = array<i32>} : memref<40x128xi32, #tpu.memory_space<vmem>>, vector<1x16xi32>,
      %swap3A_180 = vector.shape_cast %swap3A_179 : vector<1x16xi32> to vector<16xi32>
      %swap3A_181 = vector.shape_cast %or3A_176 : vector<16xi32> to vector<1x16xi32>
      tpu.vector_store %arg11[%swap3A_177, %swap3A_178], %swap3A_181 {strides = array<i32>} : memref<40x128xi32, #tpu.memory_space<vmem>>, vector<1x16xi32>,
      %get3A_182 = arith.index_cast %scan3A_85 : i32 to index
      %get3A_183 = arith.constant 80 : index
      %get3A_184 = tpu.vector_load %arg7[%get3A_182, %get3A_183] {strides = array<i32>} : memref<40x128xi32, #tpu.memory_space<vmem>>, vector<1x16xi32>,
      %get3A_185 = vector.shape_cast %get3A_184 : vector<1x16xi32> to vector<16xi32>
      %and3A_186 = arith.constant -65536 : i32
      %and3A_187 = vector.broadcast %and3A_186 : i32 to vector<16xi32>
      %and3A_188 = arith.andi %get3A_185, %and3A_187 : vector<16xi32>
      %get3A_189 = arith.index_cast %scan3A_85 : i32 to index
      %get3A_190 = arith.constant 80 : index
      %get3A_191 = tpu.vector_load %arg9[%get3A_189, %get3A_190] {strides = array<i32>} : memref<40x128xi32, #tpu.memory_space<vmem>>, vector<1x16xi32>,
      %get3A_192 = vector.shape_cast %get3A_191 : vector<1x16xi32> to vector<16xi32>
      %and3A_193 = arith.constant 65535 : i32
      %and3A_194 = vector.broadcast %and3A_193 : i32 to vector<16xi32>
      %and3A_195 = arith.andi %get3A_192, %and3A_194 : vector<16xi32>
      %or3A_196 = arith.ori %and3A_188, %and3A_195 : vector<16xi32>
      %swap3A_197 = arith.index_cast %scan3A_85 : i32 to index
      %swap3A_198 = arith.constant 80 : index
      %swap3A_199 = tpu.vector_load %arg11[%swap3A_197, %swap3A_198] {strides = array<i32>} : memref<40x128xi32, #tpu.memory_space<vmem>>, vector<1x16xi32>,
      %swap3A_200 = vector.shape_cast %swap3A_199 : vector<1x16xi32> to vector<16xi32>
      %swap3A_201 = vector.shape_cast %or3A_196 : vector<16xi32> to vector<1x16xi32>
      tpu.vector_store %arg11[%swap3A_197, %swap3A_198], %swap3A_201 {strides = array<i32>} : memref<40x128xi32, #tpu.memory_space<vmem>>, vector<1x16xi32>,
      %get3A_202 = arith.index_cast %scan3A_85 : i32 to index
      %get3A_203 = arith.constant 96 : index
      %get3A_204 = tpu.vector_load %arg7[%get3A_202, %get3A_203] {strides = array<i32>} : memref<40x128xi32, #tpu.memory_space<vmem>>, vector<1x16xi32>,
      %get3A_205 = vector.shape_cast %get3A_204 : vector<1x16xi32> to vector<16xi32>
      %and3A_206 = arith.constant -65536 : i32
      %and3A_207 = vector.broadcast %and3A_206 : i32 to vector<16xi32>
      %and3A_208 = arith.andi %get3A_205, %and3A_207 : vector<16xi32>
      %get3A_209 = arith.index_cast %scan3A_85 : i32 to index
      %get3A_210 = arith.constant 96 : index
      %get3A_211 = tpu.vector_load %arg9[%get3A_209, %get3A_210] {strides = array<i32>} : memref<40x128xi32, #tpu.memory_space<vmem>>, vector<1x16xi32>,
      %get3A_212 = vector.shape_cast %get3A_211 : vector<1x16xi32> to vector<16xi32>
      %and3A_213 = arith.constant 65535 : i32
      %and3A_214 = vector.broadcast %and3A_213 : i32 to vector<16xi32>
      %and3A_215 = arith.andi %get3A_212, %and3A_214 : vector<16xi32>
      %or3A_216 = arith.ori %and3A_208, %and3A_215 : vector<16xi32>
      %swap3A_217 = arith.index_cast %scan3A_85 : i32 to index
      %swap3A_218 = arith.constant 96 : index
      %swap3A_219 = tpu.vector_load %arg11[%swap3A_217, %swap3A_218] {strides = array<i32>} : memref<40x128xi32, #tpu.memory_space<vmem>>, vector<1x16xi32>,
      %swap3A_220 = vector.shape_cast %swap3A_219 : vector<1x16xi32> to vector<16xi32>
      %swap3A_221 = vector.shape_cast %or3A_216 : vector<16xi32> to vector<1x16xi32>
      tpu.vector_store %arg11[%swap3A_217, %swap3A_218], %swap3A_221 {strides = array<i32>} : memref<40x128xi32, #tpu.memory_space<vmem>>, vector<1x16xi32>,
      %get3A_222 = arith.index_cast %scan3A_85 : i32 to index
      %get3A_223 = arith.constant 112 : index
      %get3A_224 = tpu.vector_load %arg7[%get3A_222, %get3A_223] {strides = array<i32>} : memref<40x128xi32, #tpu.memory_space<vmem>>, vector<1x16xi32>,
      %get3A_225 = vector.shape_cast %get3A_224 : vector<1x16xi32> to vector<16xi32>
      %and3A_226 = arith.constant -65536 : i32
      %and3A_227 = vector.broadcast %and3A_226 : i32 to vector<16xi32>
      %and3A_228 = arith.andi %get3A_225, %and3A_227 : vector<16xi32>
      %get3A_229 = arith.index_cast %scan3A_85 : i32 to index
      %get3A_230 = arith.constant 112 : index
      %get3A_231 = tpu.vector_load %arg9[%get3A_229, %get3A_230] {strides = array<i32>} : memref<40x128xi32, #tpu.memory_space<vmem>>, vector<1x16xi32>,
      %get3A_232 = vector.shape_cast %get3A_231 : vector<1x16xi32> to vector<16xi32>
      %and3A_233 = arith.constant 65535 : i32
      %and3A_234 = vector.broadcast %and3A_233 : i32 to vector<16xi32>
      %and3A_235 = arith.andi %get3A_232, %and3A_234 : vector<16xi32>
      %or3A_236 = arith.ori %and3A_228, %and3A_235 : vector<16xi32>
      %swap3A_237 = arith.index_cast %scan3A_85 : i32 to index
      %swap3A_238 = arith.constant 112 : index
      %swap3A_239 = tpu.vector_load %arg11[%swap3A_237, %swap3A_238] {strides = array<i32>} : memref<40x128xi32, #tpu.memory_space<vmem>>, vector<1x16xi32>,
      %swap3A_240 = vector.shape_cast %swap3A_239 : vector<1x16xi32> to vector<16xi32>
      %swap3A_241 = vector.shape_cast %or3A_236 : vector<16xi32> to vector<1x16xi32>
      tpu.vector_store %arg11[%swap3A_237, %swap3A_238], %swap3A_241 {strides = array<i32>} : memref<40x128xi32, #tpu.memory_space<vmem>>, vector<1x16xi32>,
    }
    %scan3A_60 = arith.constant 40 : i32
    %mul3A_61 = arith.constant 5000 : i32
    %mul3A_62 = arith.muli %add3A, %mul3A_61 : i32
    %add3A_63 = arith.constant 4960 : i32
    %add3A_64 = arith.addi %mul3A_62, %add3A_63 : i32
    %dma_start3A_65 = arith.constant 0 : i32
    %dma_start3A_66 = tpu.memref_slice %arg4[%add3A_64, %dma_start3A_65] : memref<160000x128xi32, #tpu.memory_space<hbm>> -> memref<40x128xi32, #tpu.memory_space<hbm>>
    %dma_start3A_67 = arith.constant 0 : i32
    %dma_start3A_68 = tpu.memref_slice %arg4[%add3A_64, %dma_start3A_67] : memref<160000x128xi32, #tpu.memory_space<hbm>> -> memref<40x128xi32, #tpu.memory_space<hbm>>
    tpu.enqueue_dma source(%arg11 : memref<40x128xi32, #tpu.memory_space<vmem>>) target(%dma_start3A_68 : memref<40x128xi32, #tpu.memory_space<hbm>>) target_semaphore(%arg17 : memref<!tpu.dma_semaphore, #tpu.memory_space<semaphore_mem>>)
    %mul3A_69 = arith.constant 5000 : i32
    %mul3A_70 = arith.muli %add3A, %mul3A_69 : i32
    %add3A_71 = arith.constant 4920 : i32
    %add3A_72 = arith.addi %mul3A_70, %add3A_71 : i32
    %dma_wait3A_73 = arith.constant 0 : i32
    %dma_wait3A_74 = tpu.memref_slice %arg4[%add3A_72, %dma_wait3A_73] : memref<160000x128xi32, #tpu.memory_space<hbm>> -> memref<40x128xi32, #tpu.memory_space<hbm>>
    %dma_wait3A_75 = arith.constant 0 : i32
    %dma_wait3A_76 = tpu.memref_slice %arg4[%add3A_72, %dma_wait3A_75] : memref<160000x128xi32, #tpu.memory_space<hbm>> -> memref<40x128xi32, #tpu.memory_space<hbm>>
    tpu.wait_dma2 semaphore(%arg18 : memref<!tpu.dma_semaphore, #tpu.memory_space<semaphore_mem>>) src(%arg12 : memref<40x128xi32, #tpu.memory_space<vmem>>) dst(%dma_wait3A_76 : memref<40x128xi32, #tpu.memory_space<hbm>>)
    %mul3A_77 = arith.constant 5000 : i32
    %mul3A_78 = arith.muli %add3A, %mul3A_77 : i32
    %add3A_79 = arith.constant 4960 : i32
    %add3A_80 = arith.addi %mul3A_78, %add3A_79 : i32
    %dma_wait3A_81 = arith.constant 0 : i32
    %dma_wait3A_82 = tpu.memref_slice %arg4[%add3A_80, %dma_wait3A_81] : memref<160000x128xi32, #tpu.memory_space<hbm>> -> memref<40x128xi32, #tpu.memory_space<hbm>>
    %dma_wait3A_83 = arith.constant 0 : i32
    %dma_wait3A_84 = tpu.memref_slice %arg4[%add3A_80, %dma_wait3A_83] : memref<160000x128xi32, #tpu.memory_space<hbm>> -> memref<40x128xi32, #tpu.memory_space<hbm>>
    tpu.wait_dma2 semaphore(%arg17 : memref<!tpu.dma_semaphore, #tpu.memory_space<semaphore_mem>>) src(%arg11 : memref<40x128xi32, #tpu.memory_space<vmem>>) dst(%dma_wait3A_84 : memref<40x128xi32, #tpu.memory_space<hbm>>)
    return
  }
}

#map = affine_map<(d0, d1) -> (0, 0)>
#map1 = affine_map<(d0, d1) -> (0, 0, 0, 0)>
module attributes {stable_mosaic.version = 14 : i64} {
  func.func @_gather_body(%arg0: i32, %arg1: i32, %arg2: memref<10000x128xi32, #tpu.memory_space<hbm>>, %arg3: memref<2x32x125x40xi32, #tpu.memory_space<hbm>>, %arg4: memref<160000x128xi32, #tpu.memory_space<hbm>>, %arg5: memref<125x40xi32, #tpu.memory_space<vmem>>, %arg6: memref<125x40xi32, #tpu.memory_space<vmem>>, %arg7: memref<40x128xi32, #tpu.memory_space<vmem>>, %arg8: memref<40x128xi32, #tpu.memory_space<vmem>>, %arg9: memref<40x128xi32, #tpu.memory_space<vmem>>, %arg10: memref<40x128xi32, #tpu.memory_space<vmem>>, %arg11: memref<40x128xi32, #tpu.memory_space<vmem>>, %arg12: memref<40x128xi32, #tpu.memory_space<vmem>>, %arg13: memref<!tpu.dma_semaphore, #tpu.memory_space<semaphore_mem>>, %arg14: memref<!tpu.dma_semaphore, #tpu.memory_space<semaphore_mem>>, %arg15: memref<!tpu.dma_semaphore, #tpu.memory_space<semaphore_mem>>, %arg16: memref<!tpu.dma_semaphore, #tpu.memory_space<semaphore_mem>>, %arg17: memref<!tpu.dma_semaphore, #tpu.memory_space<semaphore_mem>>, %arg18: memref<!tpu.dma_semaphore, #tpu.memory_space<semaphore_mem>>) attributes {dimension_semantics = [#tpu.dimension_semantics<core_parallel>, #tpu.dimension_semantics<subcore_parallel>], iteration_bounds = array<i64: 2, 16>, scalar_prefetch = 0 : i64, scratch_operands = 14 : i64, tpu.core_type = #tpu.core_type<sc_vector_subcore>, window_params = [{transform_indices = #map}, {transform_indices = #map1}, {transform_indices = #map}]} {
    %mul3A = arith.constant 2 : i32
    %mul3A_0 = arith.muli %arg1, %mul3A : i32
    %add3A = arith.addi %mul3A_0, %arg0 : i32
    %run_scoped3A = arith.constant 0 : i32
    "tpu.region"() ({
      %run_scoped3A_85 = tpu.sem_alloc : memref<!tpu.dma_semaphore, #tpu.memory_space<semaphore_mem>>
      %dma_start3A_86 = arith.constant 0 : i32
      %dma_start3A_87 = arith.constant 0 : i32
      %dma_start3A_88 = tpu.memref_slice %arg3[%run_scoped3A, %add3A, %dma_start3A_86, %dma_start3A_87] : memref<2x32x125x40xi32, #tpu.memory_space<hbm>> -> memref<1x1x125x40xi32, #tpu.memory_space<hbm>>
      %dma_start3A_89 = tpu.memref_squeeze %dma_start3A_88 : memref<1x1x125x40xi32, #tpu.memory_space<hbm>> -> memref<125x40xi32, #tpu.memory_space<hbm>>
      %dma_start3A_90 = arith.constant 0 : i32
      %dma_start3A_91 = arith.constant 0 : i32
      %dma_start3A_92 = tpu.memref_slice %arg3[%run_scoped3A, %add3A, %dma_start3A_90, %dma_start3A_91] : memref<2x32x125x40xi32, #tpu.memory_space<hbm>> -> memref<1x1x125x40xi32, #tpu.memory_space<hbm>>
      %dma_start3A_93 = tpu.memref_squeeze %dma_start3A_92 : memref<1x1x125x40xi32, #tpu.memory_space<hbm>> -> memref<125x40xi32, #tpu.memory_space<hbm>>
      tpu.enqueue_dma source(%dma_start3A_93 : memref<125x40xi32, #tpu.memory_space<hbm>>) target(%arg5 : memref<125x40xi32, #tpu.memory_space<vmem>>) target_semaphore(%run_scoped3A_85 : memref<!tpu.dma_semaphore, #tpu.memory_space<semaphore_mem>>)
      %dma_wait3A_94 = arith.constant 0 : i32
      %dma_wait3A_95 = arith.constant 0 : i32
      %dma_wait3A_96 = tpu.memref_slice %arg3[%run_scoped3A, %add3A, %dma_wait3A_94, %dma_wait3A_95] : memref<2x32x125x40xi32, #tpu.memory_space<hbm>> -> memref<1x1x125x40xi32, #tpu.memory_space<hbm>>
      %dma_wait3A_97 = tpu.memref_squeeze %dma_wait3A_96 : memref<1x1x125x40xi32, #tpu.memory_space<hbm>> -> memref<125x40xi32, #tpu.memory_space<hbm>>
      %dma_wait3A_98 = arith.constant 0 : i32
      %dma_wait3A_99 = arith.constant 0 : i32
      %dma_wait3A_100 = tpu.memref_slice %arg3[%run_scoped3A, %add3A, %dma_wait3A_98, %dma_wait3A_99] : memref<2x32x125x40xi32, #tpu.memory_space<hbm>> -> memref<1x1x125x40xi32, #tpu.memory_space<hbm>>
      %dma_wait3A_101 = tpu.memref_squeeze %dma_wait3A_100 : memref<1x1x125x40xi32, #tpu.memory_space<hbm>> -> memref<125x40xi32, #tpu.memory_space<hbm>>
      tpu.wait_dma2 semaphore(%run_scoped3A_85 : memref<!tpu.dma_semaphore, #tpu.memory_space<semaphore_mem>>) src(%dma_wait3A_101 : memref<125x40xi32, #tpu.memory_space<hbm>>) dst(%arg5 : memref<125x40xi32, #tpu.memory_space<vmem>>)
      tpu.yield
    }) : () -> ()
    %run_scoped3A_1 = arith.constant 1 : i32
    "tpu.region"() ({
      %run_scoped3A_85 = tpu.sem_alloc : memref<!tpu.dma_semaphore, #tpu.memory_space<semaphore_mem>>
      %dma_start3A_86 = arith.constant 0 : i32
      %dma_start3A_87 = arith.constant 0 : i32
      %dma_start3A_88 = tpu.memref_slice %arg3[%run_scoped3A_1, %add3A, %dma_start3A_86, %dma_start3A_87] : memref<2x32x125x40xi32, #tpu.memory_space<hbm>> -> memref<1x1x125x40xi32, #tpu.memory_space<hbm>>
      %dma_start3A_89 = tpu.memref_squeeze %dma_start3A_88 : memref<1x1x125x40xi32, #tpu.memory_space<hbm>> -> memref<125x40xi32, #tpu.memory_space<hbm>>
      %dma_start3A_90 = arith.constant 0 : i32
      %dma_start3A_91 = arith.constant 0 : i32
      %dma_start3A_92 = tpu.memref_slice %arg3[%run_scoped3A_1, %add3A, %dma_start3A_90, %dma_start3A_91] : memref<2x32x125x40xi32, #tpu.memory_space<hbm>> -> memref<1x1x125x40xi32, #tpu.memory_space<hbm>>
      %dma_start3A_93 = tpu.memref_squeeze %dma_start3A_92 : memref<1x1x125x40xi32, #tpu.memory_space<hbm>> -> memref<125x40xi32, #tpu.memory_space<hbm>>
      tpu.enqueue_dma source(%dma_start3A_93 : memref<125x40xi32, #tpu.memory_space<hbm>>) target(%arg6 : memref<125x40xi32, #tpu.memory_space<vmem>>) target_semaphore(%run_scoped3A_85 : memref<!tpu.dma_semaphore, #tpu.memory_space<semaphore_mem>>)
      %dma_wait3A_94 = arith.constant 0 : i32
      %dma_wait3A_95 = arith.constant 0 : i32
      %dma_wait3A_96 = tpu.memref_slice %arg3[%run_scoped3A_1, %add3A, %dma_wait3A_94, %dma_wait3A_95] : memref<2x32x125x40xi32, #tpu.memory_space<hbm>> -> memref<1x1x125x40xi32, #tpu.memory_space<hbm>>
      %dma_wait3A_97 = tpu.memref_squeeze %dma_wait3A_96 : memref<1x1x125x40xi32, #tpu.memory_space<hbm>> -> memref<125x40xi32, #tpu.memory_space<hbm>>
      %dma_wait3A_98 = arith.constant 0 : i32
      %dma_wait3A_99 = arith.constant 0 : i32
      %dma_wait3A_100 = tpu.memref_slice %arg3[%run_scoped3A_1, %add3A, %dma_wait3A_98, %dma_wait3A_99] : memref<2x32x125x40xi32, #tpu.memory_space<hbm>> -> memref<1x1x125x40xi32, #tpu.memory_space<hbm>>
      %dma_wait3A_101 = tpu.memref_squeeze %dma_wait3A_100 : memref<1x1x125x40xi32, #tpu.memory_space<hbm>> -> memref<125x40xi32, #tpu.memory_space<hbm>>
      tpu.wait_dma2 semaphore(%run_scoped3A_85 : memref<!tpu.dma_semaphore, #tpu.memory_space<semaphore_mem>>) src(%dma_wait3A_101 : memref<125x40xi32, #tpu.memory_space<hbm>>) dst(%arg6 : memref<125x40xi32, #tpu.memory_space<vmem>>)
      tpu.yield
    }) : () -> ()
    %dma_start3A = arith.constant 0 : i32
    %dma_start3A_2 = arith.constant 0 : i32
    %dma_start3A_3 = tpu.memref_slice %arg5[%dma_start3A, %dma_start3A_2] : memref<125x40xi32, #tpu.memory_space<vmem>> -> memref<1x40xi32, #tpu.memory_space<vmem>>
    %dma_start3A_4 = tpu.memref_squeeze %dma_start3A_3 : memref<1x40xi32, #tpu.memory_space<vmem>> -> memref<40xi32, #tpu.memory_space<vmem>>
    %dma_start3A_5 = arith.constant 0 : i32
    %dma_start3A_6 = arith.constant 0 : i32
    %dma_start3A_7 = tpu.memref_slice %arg2[%dma_start3A_5, %dma_start3A_6] : memref<10000x128xi32, #tpu.memory_space<hbm>> -> memref<10000x128xi32, #tpu.memory_space<hbm>>
    tpu.enqueue_indirect_dma source(%dma_start3A_7 : memref<10000x128xi32, #tpu.memory_space<hbm>>) target(%arg7 : memref<40x128xi32, #tpu.memory_space<vmem>>) offsets(%dma_start3A_4 : memref<40xi32, #tpu.memory_space<vmem>>) semaphore(%arg13 : memref<!tpu.dma_semaphore, #tpu.memory_space<semaphore_mem>>)
    %dma_start3A_8 = arith.constant 0 : i32
    %dma_start3A_9 = arith.constant 0 : i32
    %dma_start3A_10 = tpu.memref_slice %arg6[%dma_start3A_8, %dma_start3A_9] : memref<125x40xi32, #tpu.memory_space<vmem>> -> memref<1x40xi32, #tpu.memory_space<vmem>>
    %dma_start3A_11 = tpu.memref_squeeze %dma_start3A_10 : memref<1x40xi32, #tpu.memory_space<vmem>> -> memref<40xi32, #tpu.memory_space<vmem>>
    %dma_start3A_12 = arith.constant 0 : i32
    %dma_start3A_13 = arith.constant 0 : i32
    %dma_start3A_14 = tpu.memref_slice %arg2[%dma_start3A_12, %dma_start3A_13] : memref<10000x128xi32, #tpu.memory_space<hbm>> -> memref<10000x128xi32, #tpu.memory_space<hbm>>
    tpu.enqueue_indirect_dma source(%dma_start3A_14 : memref<10000x128xi32, #tpu.memory_space<hbm>>) target(%arg9 : memref<40x128xi32, #tpu.memory_space<vmem>>) offsets(%dma_start3A_11 : memref<40xi32, #tpu.memory_space<vmem>>) semaphore(%arg15 : memref<!tpu.dma_semaphore, #tpu.memory_space<semaphore_mem>>)
    %dma_start3A_15 = arith.constant 1 : i32
    %dma_start3A_16 = arith.constant 0 : i32
    %dma_start3A_17 = tpu.memref_slice %arg5[%dma_start3A_15, %dma_start3A_16] : memref<125x40xi32, #tpu.memory_space<vmem>> -> memref<1x40xi32, #tpu.memory_space<vmem>>
    %dma_start3A_18 = tpu.memref_squeeze %dma_start3A_17 : memref<1x40xi32, #tpu.memory_space<vmem>> -> memref<40xi32, #tpu.memory_space<vmem>>
    %dma_start3A_19 = arith.constant 0 : i32
    %dma_start3A_20 = arith.constant 0 : i32
    %dma_start3A_21 = tpu.memref_slice %arg2[%dma_start3A_19, %dma_start3A_20] : memref<10000x128xi32, #tpu.memory_space<hbm>> -> memref<10000x128xi32, #tpu.memory_space<hbm>>
    tpu.enqueue_indirect_dma source(%dma_start3A_21 : memref<10000x128xi32, #tpu.memory_space<hbm>>) target(%arg8 : memref<40x128xi32, #tpu.memory_space<vmem>>) offsets(%dma_start3A_18 : memref<40xi32, #tpu.memory_space<vmem>>) semaphore(%arg14 : memref<!tpu.dma_semaphore, #tpu.memory_space<semaphore_mem>>)
    %dma_start3A_22 = arith.constant 1 : i32
    %dma_start3A_23 = arith.constant 0 : i32
    %dma_start3A_24 = tpu.memref_slice %arg6[%dma_start3A_22, %dma_start3A_23] : memref<125x40xi32, #tpu.memory_space<vmem>> -> memref<1x40xi32, #tpu.memory_space<vmem>>
    %dma_start3A_25 = tpu.memref_squeeze %dma_start3A_24 : memref<1x40xi32, #tpu.memory_space<vmem>> -> memref<40xi32, #tpu.memory_space<vmem>>
    %dma_start3A_26 = arith.constant 0 : i32
    %dma_start3A_27 = arith.constant 0 : i32
    %dma_start3A_28 = tpu.memref_slice %arg2[%dma_start3A_26, %dma_start3A_27] : memref<10000x128xi32, #tpu.memory_space<hbm>> -> memref<10000x128xi32, #tpu.memory_space<hbm>>
    tpu.enqueue_indirect_dma source(%dma_start3A_28 : memref<10000x128xi32, #tpu.memory_space<hbm>>) target(%arg10 : memref<40x128xi32, #tpu.memory_space<vmem>>) offsets(%dma_start3A_25 : memref<40xi32, #tpu.memory_space<vmem>>) semaphore(%arg16 : memref<!tpu.dma_semaphore, #tpu.memory_space<semaphore_mem>>)
    %scan3A = arith.constant 0 : i32
    %scan3A_29 = arith.constant 0 : i32
    %scan3A_30 = arith.constant 62 : i32
    %scan3A_31 = arith.addi %scan3A_29, %scan3A_30 : i32
    %scan3A_32 = arith.constant 1 : i32
    scf.for %scan3A_85 = %scan3A_29 to %scan3A_31 step %scan3A_32  : i32 {
      %mul3A_86 = arith.constant 2 : i32
      %mul3A_87 = arith.muli %mul3A_86, %scan3A_85 : i32
      %add3A_88 = arith.constant 0 : i32
      %add3A_89 = arith.addi %mul3A_87, %add3A_88 : i32
      %gt3A = arith.constant 0 : i32
      %gt3A_90 = arith.cmpi sgt, %scan3A_85, %gt3A : i32
      %convert_element_type3A = arith.extui %gt3A_90 : i1 to i32
      %cond3A = arith.constant 0 : i32
      %cond3A_91 = arith.cmpi ne, %convert_element_type3A, %cond3A : i32
      scf.if %cond3A_91 {
        %sub3A = arith.constant 2 : i32
        %sub3A_168 = arith.subi %add3A_89, %sub3A : i32
        %mul3A_169 = arith.constant 5000 : i32
        %mul3A_170 = arith.muli %add3A, %mul3A_169 : i32
        %mul3A_171 = arith.constant 40 : i32
        %mul3A_172 = arith.muli %sub3A_168, %mul3A_171 : i32
        %add3A_173 = arith.addi %mul3A_170, %mul3A_172 : i32
        %dma_wait3A_174 = arith.constant 0 : i32
        %dma_wait3A_175 = tpu.memref_slice %arg4[%add3A_173, %dma_wait3A_174] : memref<160000x128xi32, #tpu.memory_space<hbm>> -> memref<40x128xi32, #tpu.memory_space<hbm>>
        %dma_wait3A_176 = arith.constant 0 : i32
        %dma_wait3A_177 = tpu.memref_slice %arg4[%add3A_173, %dma_wait3A_176] : memref<160000x128xi32, #tpu.memory_space<hbm>> -> memref<40x128xi32, #tpu.memory_space<hbm>>
        tpu.wait_dma2 semaphore(%arg17 : memref<!tpu.dma_semaphore, #tpu.memory_space<semaphore_mem>>) src(%arg11 : memref<40x128xi32, #tpu.memory_space<vmem>>) dst(%dma_wait3A_177 : memref<40x128xi32, #tpu.memory_space<hbm>>)
      } else {
      }
      %dma_wait3A_92 = arith.constant 0 : i32
      %dma_wait3A_93 = tpu.memref_slice %arg5[%add3A_89, %dma_wait3A_92] : memref<125x40xi32, #tpu.memory_space<vmem>> -> memref<1x40xi32, #tpu.memory_space<vmem>>
      %dma_wait3A_94 = tpu.memref_squeeze %dma_wait3A_93 : memref<1x40xi32, #tpu.memory_space<vmem>> -> memref<40xi32, #tpu.memory_space<vmem>>
      %dma_wait3A_95 = arith.constant 0 : i32
      %dma_wait3A_96 = arith.constant 0 : i32
      %dma_wait3A_97 = tpu.memref_slice %arg2[%dma_wait3A_95, %dma_wait3A_96] : memref<10000x128xi32, #tpu.memory_space<hbm>> -> memref<10000x128xi32, #tpu.memory_space<hbm>>
      tpu.wait_indirect_dma semaphore(%arg13 : memref<!tpu.dma_semaphore, #tpu.memory_space<semaphore_mem>>) src(%dma_wait3A_97 : memref<10000x128xi32, #tpu.memory_space<hbm>>) dst(%arg7 : memref<40x128xi32, #tpu.memory_space<vmem>>)
      %dma_wait3A_98 = arith.constant 0 : i32
      %dma_wait3A_99 = tpu.memref_slice %arg6[%add3A_89, %dma_wait3A_98] : memref<125x40xi32, #tpu.memory_space<vmem>> -> memref<1x40xi32, #tpu.memory_space<vmem>>
      %dma_wait3A_100 = tpu.memref_squeeze %dma_wait3A_99 : memref<1x40xi32, #tpu.memory_space<vmem>> -> memref<40xi32, #tpu.memory_space<vmem>>
      %dma_wait3A_101 = arith.constant 0 : i32
      %dma_wait3A_102 = arith.constant 0 : i32
      %dma_wait3A_103 = tpu.memref_slice %arg2[%dma_wait3A_101, %dma_wait3A_102] : memref<10000x128xi32, #tpu.memory_space<hbm>> -> memref<10000x128xi32, #tpu.memory_space<hbm>>
      tpu.wait_indirect_dma semaphore(%arg15 : memref<!tpu.dma_semaphore, #tpu.memory_space<semaphore_mem>>) src(%dma_wait3A_103 : memref<10000x128xi32, #tpu.memory_space<hbm>>) dst(%arg9 : memref<40x128xi32, #tpu.memory_space<vmem>>)
      %scan3A_104 = arith.constant 0 : i32
      %scan3A_105 = arith.constant 0 : i32
      %scan3A_106 = arith.constant 40 : i32
      %scan3A_107 = arith.addi %scan3A_105, %scan3A_106 : i32
      %scan3A_108 = arith.constant 1 : i32
      scf.for %scan3A_168 = %scan3A_105 to %scan3A_107 step %scan3A_108  : i32 {
        %get3A = arith.index_cast %scan3A_168 : i32 to index
        %get3A_169 = arith.constant 0 : index
        %get3A_170 = tpu.vector_load %arg7[%get3A, %get3A_169] {strides = array<i32>} : memref<40x128xi32, #tpu.memory_space<vmem>>, vector<1x16xi32>,
        %get3A_171 = vector.shape_cast %get3A_170 : vector<1x16xi32> to vector<16xi32>
        %and3A = arith.constant -65536 : i32
        %and3A_172 = vector.broadcast %and3A : i32 to vector<16xi32>
        %and3A_173 = arith.andi %get3A_171, %and3A_172 : vector<16xi32>
        %get3A_174 = arith.index_cast %scan3A_168 : i32 to index
        %get3A_175 = arith.constant 0 : index
        %get3A_176 = tpu.vector_load %arg9[%get3A_174, %get3A_175] {strides = array<i32>} : memref<40x128xi32, #tpu.memory_space<vmem>>, vector<1x16xi32>,
        %get3A_177 = vector.shape_cast %get3A_176 : vector<1x16xi32> to vector<16xi32>
        %and3A_178 = arith.constant 65535 : i32
        %and3A_179 = vector.broadcast %and3A_178 : i32 to vector<16xi32>
        %and3A_180 = arith.andi %get3A_177, %and3A_179 : vector<16xi32>
        %or3A = arith.ori %and3A_173, %and3A_180 : vector<16xi32>
        %swap3A = arith.index_cast %scan3A_168 : i32 to index
        %swap3A_181 = arith.constant 0 : index
        %swap3A_182 = tpu.vector_load %arg11[%swap3A, %swap3A_181] {strides = array<i32>} : memref<40x128xi32, #tpu.memory_space<vmem>>, vector<1x16xi32>,
        %swap3A_183 = vector.shape_cast %swap3A_182 : vector<1x16xi32> to vector<16xi32>
        %swap3A_184 = vector.shape_cast %or3A : vector<16xi32> to vector<1x16xi32>
        tpu.vector_store %arg11[%swap3A, %swap3A_181], %swap3A_184 {strides = array<i32>} : memref<40x128xi32, #tpu.memory_space<vmem>>, vector<1x16xi32>,
        %get3A_185 = arith.index_cast %scan3A_168 : i32 to index
        %get3A_186 = arith.constant 16 : index
        %get3A_187 = tpu.vector_load %arg7[%get3A_185, %get3A_186] {strides = array<i32>} : memref<40x128xi32, #tpu.memory_space<vmem>>, vector<1x16xi32>,
        %get3A_188 = vector.shape_cast %get3A_187 : vector<1x16xi32> to vector<16xi32>
        %and3A_189 = arith.constant -65536 : i32
        %and3A_190 = vector.broadcast %and3A_189 : i32 to vector<16xi32>
        %and3A_191 = arith.andi %get3A_188, %and3A_190 : vector<16xi32>
        %get3A_192 = arith.index_cast %scan3A_168 : i32 to index
        %get3A_193 = arith.constant 16 : index
        %get3A_194 = tpu.vector_load %arg9[%get3A_192, %get3A_193] {strides = array<i32>} : memref<40x128xi32, #tpu.memory_space<vmem>>, vector<1x16xi32>,
        %get3A_195 = vector.shape_cast %get3A_194 : vector<1x16xi32> to vector<16xi32>
        %and3A_196 = arith.constant 65535 : i32
        %and3A_197 = vector.broadcast %and3A_196 : i32 to vector<16xi32>
        %and3A_198 = arith.andi %get3A_195, %and3A_197 : vector<16xi32>
        %or3A_199 = arith.ori %and3A_191, %and3A_198 : vector<16xi32>
        %swap3A_200 = arith.index_cast %scan3A_168 : i32 to index
        %swap3A_201 = arith.constant 16 : index
        %swap3A_202 = tpu.vector_load %arg11[%swap3A_200, %swap3A_201] {strides = array<i32>} : memref<40x128xi32, #tpu.memory_space<vmem>>, vector<1x16xi32>,
        %swap3A_203 = vector.shape_cast %swap3A_202 : vector<1x16xi32> to vector<16xi32>
        %swap3A_204 = vector.shape_cast %or3A_199 : vector<16xi32> to vector<1x16xi32>
        tpu.vector_store %arg11[%swap3A_200, %swap3A_201], %swap3A_204 {strides = array<i32>} : memref<40x128xi32, #tpu.memory_space<vmem>>, vector<1x16xi32>,
        %get3A_205 = arith.index_cast %scan3A_168 : i32 to index
        %get3A_206 = arith.constant 32 : index
        %get3A_207 = tpu.vector_load %arg7[%get3A_205, %get3A_206] {strides = array<i32>} : memref<40x128xi32, #tpu.memory_space<vmem>>, vector<1x16xi32>,
        %get3A_208 = vector.shape_cast %get3A_207 : vector<1x16xi32> to vector<16xi32>
        %and3A_209 = arith.constant -65536 : i32
        %and3A_210 = vector.broadcast %and3A_209 : i32 to vector<16xi32>
        %and3A_211 = arith.andi %get3A_208, %and3A_210 : vector<16xi32>
        %get3A_212 = arith.index_cast %scan3A_168 : i32 to index
        %get3A_213 = arith.constant 32 : index
        %get3A_214 = tpu.vector_load %arg9[%get3A_212, %get3A_213] {strides = array<i32>} : memref<40x128xi32, #tpu.memory_space<vmem>>, vector<1x16xi32>,
        %get3A_215 = vector.shape_cast %get3A_214 : vector<1x16xi32> to vector<16xi32>
        %and3A_216 = arith.constant 65535 : i32
        %and3A_217 = vector.broadcast %and3A_216 : i32 to vector<16xi32>
        %and3A_218 = arith.andi %get3A_215, %and3A_217 : vector<16xi32>
        %or3A_219 = arith.ori %and3A_211, %and3A_218 : vector<16xi32>
        %swap3A_220 = arith.index_cast %scan3A_168 : i32 to index
        %swap3A_221 = arith.constant 32 : index
        %swap3A_222 = tpu.vector_load %arg11[%swap3A_220, %swap3A_221] {strides = array<i32>} : memref<40x128xi32, #tpu.memory_space<vmem>>, vector<1x16xi32>,
        %swap3A_223 = vector.shape_cast %swap3A_222 : vector<1x16xi32> to vector<16xi32>
        %swap3A_224 = vector.shape_cast %or3A_219 : vector<16xi32> to vector<1x16xi32>
        tpu.vector_store %arg11[%swap3A_220, %swap3A_221], %swap3A_224 {strides = array<i32>} : memref<40x128xi32, #tpu.memory_space<vmem>>, vector<1x16xi32>,
        %get3A_225 = arith.index_cast %scan3A_168 : i32 to index
        %get3A_226 = arith.constant 48 : index
        %get3A_227 = tpu.vector_load %arg7[%get3A_225, %get3A_226] {strides = array<i32>} : memref<40x128xi32, #tpu.memory_space<vmem>>, vector<1x16xi32>,
        %get3A_228 = vector.shape_cast %get3A_227 : vector<1x16xi32> to vector<16xi32>
        %and3A_229 = arith.constant -65536 : i32
        %and3A_230 = vector.broadcast %and3A_229 : i32 to vector<16xi32>
        %and3A_231 = arith.andi %get3A_228, %and3A_230 : vector<16xi32>
        %get3A_232 = arith.index_cast %scan3A_168 : i32 to index
        %get3A_233 = arith.constant 48 : index
        %get3A_234 = tpu.vector_load %arg9[%get3A_232, %get3A_233] {strides = array<i32>} : memref<40x128xi32, #tpu.memory_space<vmem>>, vector<1x16xi32>,
        %get3A_235 = vector.shape_cast %get3A_234 : vector<1x16xi32> to vector<16xi32>
        %and3A_236 = arith.constant 65535 : i32
        %and3A_237 = vector.broadcast %and3A_236 : i32 to vector<16xi32>
        %and3A_238 = arith.andi %get3A_235, %and3A_237 : vector<16xi32>
        %or3A_239 = arith.ori %and3A_231, %and3A_238 : vector<16xi32>
        %swap3A_240 = arith.index_cast %scan3A_168 : i32 to index
        %swap3A_241 = arith.constant 48 : index
        %swap3A_242 = tpu.vector_load %arg11[%swap3A_240, %swap3A_241] {strides = array<i32>} : memref<40x128xi32, #tpu.memory_space<vmem>>, vector<1x16xi32>,
        %swap3A_243 = vector.shape_cast %swap3A_242 : vector<1x16xi32> to vector<16xi32>
        %swap3A_244 = vector.shape_cast %or3A_239 : vector<16xi32> to vector<1x16xi32>
        tpu.vector_store %arg11[%swap3A_240, %swap3A_241], %swap3A_244 {strides = array<i32>} : memref<40x128xi32, #tpu.memory_space<vmem>>, vector<1x16xi32>,
        %get3A_245 = arith.index_cast %scan3A_168 : i32 to index
        %get3A_246 = arith.constant 64 : index
        %get3A_247 = tpu.vector_load %arg7[%get3A_245, %get3A_246] {strides = array<i32>} : memref<40x128xi32, #tpu.memory_space<vmem>>, vector<1x16xi32>,
        %get3A_248 = vector.shape_cast %get3A_247 : vector<1x16xi32> to vector<16xi32>
        %and3A_249 = arith.constant -65536 : i32
        %and3A_250 = vector.broadcast %and3A_249 : i32 to vector<16xi32>
        %and3A_251 = arith.andi %get3A_248, %and3A_250 : vector<16xi32>
        %get3A_252 = arith.index_cast %scan3A_168 : i32 to index
        %get3A_253 = arith.constant 64 : index
        %get3A_254 = tpu.vector_load %arg9[%get3A_252, %get3A_253] {strides = array<i32>} : memref<40x128xi32, #tpu.memory_space<vmem>>, vector<1x16xi32>,
        %get3A_255 = vector.shape_cast %get3A_254 : vector<1x16xi32> to vector<16xi32>
        %and3A_256 = arith.constant 65535 : i32
        %and3A_257 = vector.broadcast %and3A_256 : i32 to vector<16xi32>
        %and3A_258 = arith.andi %get3A_255, %and3A_257 : vector<16xi32>
        %or3A_259 = arith.ori %and3A_251, %and3A_258 : vector<16xi32>
        %swap3A_260 = arith.index_cast %scan3A_168 : i32 to index
        %swap3A_261 = arith.constant 64 : index
        %swap3A_262 = tpu.vector_load %arg11[%swap3A_260, %swap3A_261] {strides = array<i32>} : memref<40x128xi32, #tpu.memory_space<vmem>>, vector<1x16xi32>,
        %swap3A_263 = vector.shape_cast %swap3A_262 : vector<1x16xi32> to vector<16xi32>
        %swap3A_264 = vector.shape_cast %or3A_259 : vector<16xi32> to vector<1x16xi32>
        tpu.vector_store %arg11[%swap3A_260, %swap3A_261], %swap3A_264 {strides = array<i32>} : memref<40x128xi32, #tpu.memory_space<vmem>>, vector<1x16xi32>,
        %get3A_265 = arith.index_cast %scan3A_168 : i32 to index
        %get3A_266 = arith.constant 80 : index
        %get3A_267 = tpu.vector_load %arg7[%get3A_265, %get3A_266] {strides = array<i32>} : memref<40x128xi32, #tpu.memory_space<vmem>>, vector<1x16xi32>,
        %get3A_268 = vector.shape_cast %get3A_267 : vector<1x16xi32> to vector<16xi32>
        %and3A_269 = arith.constant -65536 : i32
        %and3A_270 = vector.broadcast %and3A_269 : i32 to vector<16xi32>
        %and3A_271 = arith.andi %get3A_268, %and3A_270 : vector<16xi32>
        %get3A_272 = arith.index_cast %scan3A_168 : i32 to index
        %get3A_273 = arith.constant 80 : index
        %get3A_274 = tpu.vector_load %arg9[%get3A_272, %get3A_273] {strides = array<i32>} : memref<40x128xi32, #tpu.memory_space<vmem>>, vector<1x16xi32>,
        %get3A_275 = vector.shape_cast %get3A_274 : vector<1x16xi32> to vector<16xi32>
        %and3A_276 = arith.constant 65535 : i32
        %and3A_277 = vector.broadcast %and3A_276 : i32 to vector<16xi32>
        %and3A_278 = arith.andi %get3A_275, %and3A_277 : vector<16xi32>
        %or3A_279 = arith.ori %and3A_271, %and3A_278 : vector<16xi32>
        %swap3A_280 = arith.index_cast %scan3A_168 : i32 to index
        %swap3A_281 = arith.constant 80 : index
        %swap3A_282 = tpu.vector_load %arg11[%swap3A_280, %swap3A_281] {strides = array<i32>} : memref<40x128xi32, #tpu.memory_space<vmem>>, vector<1x16xi32>,
        %swap3A_283 = vector.shape_cast %swap3A_282 : vector<1x16xi32> to vector<16xi32>
        %swap3A_284 = vector.shape_cast %or3A_279 : vector<16xi32> to vector<1x16xi32>
        tpu.vector_store %arg11[%swap3A_280, %swap3A_281], %swap3A_284 {strides = array<i32>} : memref<40x128xi32, #tpu.memory_space<vmem>>, vector<1x16xi32>,
        %get3A_285 = arith.index_cast %scan3A_168 : i32 to index
        %get3A_286 = arith.constant 96 : index
        %get3A_287 = tpu.vector_load %arg7[%get3A_285, %get3A_286] {strides = array<i32>} : memref<40x128xi32, #tpu.memory_space<vmem>>, vector<1x16xi32>,
        %get3A_288 = vector.shape_cast %get3A_287 : vector<1x16xi32> to vector<16xi32>
        %and3A_289 = arith.constant -65536 : i32
        %and3A_290 = vector.broadcast %and3A_289 : i32 to vector<16xi32>
        %and3A_291 = arith.andi %get3A_288, %and3A_290 : vector<16xi32>
        %get3A_292 = arith.index_cast %scan3A_168 : i32 to index
        %get3A_293 = arith.constant 96 : index
        %get3A_294 = tpu.vector_load %arg9[%get3A_292, %get3A_293] {strides = array<i32>} : memref<40x128xi32, #tpu.memory_space<vmem>>, vector<1x16xi32>,
        %get3A_295 = vector.shape_cast %get3A_294 : vector<1x16xi32> to vector<16xi32>
        %and3A_296 = arith.constant 65535 : i32
        %and3A_297 = vector.broadcast %and3A_296 : i32 to vector<16xi32>
        %and3A_298 = arith.andi %get3A_295, %and3A_297 : vector<16xi32>
        %or3A_299 = arith.ori %and3A_291, %and3A_298 : vector<16xi32>
        %swap3A_300 = arith.index_cast %scan3A_168 : i32 to index
        %swap3A_301 = arith.constant 96 : index
        %swap3A_302 = tpu.vector_load %arg11[%swap3A_300, %swap3A_301] {strides = array<i32>} : memref<40x128xi32, #tpu.memory_space<vmem>>, vector<1x16xi32>,
        %swap3A_303 = vector.shape_cast %swap3A_302 : vector<1x16xi32> to vector<16xi32>
        %swap3A_304 = vector.shape_cast %or3A_299 : vector<16xi32> to vector<1x16xi32>
        tpu.vector_store %arg11[%swap3A_300, %swap3A_301], %swap3A_304 {strides = array<i32>} : memref<40x128xi32, #tpu.memory_space<vmem>>, vector<1x16xi32>,
        %get3A_305 = arith.index_cast %scan3A_168 : i32 to index
        %get3A_306 = arith.constant 112 : index
        %get3A_307 = tpu.vector_load %arg7[%get3A_305, %get3A_306] {strides = array<i32>} : memref<40x128xi32, #tpu.memory_space<vmem>>, vector<1x16xi32>,
        %get3A_308 = vector.shape_cast %get3A_307 : vector<1x16xi32> to vector<16xi32>
        %and3A_309 = arith.constant -65536 : i32
        %and3A_310 = vector.broadcast %and3A_309 : i32 to vector<16xi32>
        %and3A_311 = arith.andi %get3A_308, %and3A_310 : vector<16xi32>
        %get3A_312 = arith.index_cast %scan3A_168 : i32 to index
        %get3A_313 = arith.constant 112 : index
        %get3A_314 = tpu.vector_load %arg9[%get3A_312, %get3A_313] {strides = array<i32>} : memref<40x128xi32, #tpu.memory_space<vmem>>, vector<1x16xi32>,
        %get3A_315 = vector.shape_cast %get3A_314 : vector<1x16xi32> to vector<16xi32>
        %and3A_316 = arith.constant 65535 : i32
        %and3A_317 = vector.broadcast %and3A_316 : i32 to vector<16xi32>
        %and3A_318 = arith.andi %get3A_315, %and3A_317 : vector<16xi32>
        %or3A_319 = arith.ori %and3A_311, %and3A_318 : vector<16xi32>
        %swap3A_320 = arith.index_cast %scan3A_168 : i32 to index
        %swap3A_321 = arith.constant 112 : index
        %swap3A_322 = tpu.vector_load %arg11[%swap3A_320, %swap3A_321] {strides = array<i32>} : memref<40x128xi32, #tpu.memory_space<vmem>>, vector<1x16xi32>,
        %swap3A_323 = vector.shape_cast %swap3A_322 : vector<1x16xi32> to vector<16xi32>
        %swap3A_324 = vector.shape_cast %or3A_319 : vector<16xi32> to vector<1x16xi32>
        tpu.vector_store %arg11[%swap3A_320, %swap3A_321], %swap3A_324 {strides = array<i32>} : memref<40x128xi32, #tpu.memory_space<vmem>>, vector<1x16xi32>,
      }
      %scan3A_109 = arith.constant 40 : i32
      %mul3A_110 = arith.constant 5000 : i32
      %mul3A_111 = arith.muli %add3A, %mul3A_110 : i32
      %mul3A_112 = arith.constant 40 : i32
      %mul3A_113 = arith.muli %add3A_89, %mul3A_112 : i32
      %add3A_114 = arith.addi %mul3A_111, %mul3A_113 : i32
      %dma_start3A_115 = arith.constant 0 : i32
      %dma_start3A_116 = tpu.memref_slice %arg4[%add3A_114, %dma_start3A_115] : memref<160000x128xi32, #tpu.memory_space<hbm>> -> memref<40x128xi32, #tpu.memory_space<hbm>>
      %dma_start3A_117 = arith.constant 0 : i32
      %dma_start3A_118 = tpu.memref_slice %arg4[%add3A_114, %dma_start3A_117] : memref<160000x128xi32, #tpu.memory_space<hbm>> -> memref<40x128xi32, #tpu.memory_space<hbm>>
      tpu.enqueue_dma source(%arg11 : memref<40x128xi32, #tpu.memory_space<vmem>>) target(%dma_start3A_118 : memref<40x128xi32, #tpu.memory_space<hbm>>) target_semaphore(%arg17 : memref<!tpu.dma_semaphore, #tpu.memory_space<semaphore_mem>>)
      %add3A_119 = arith.constant 2 : i32
      %add3A_120 = arith.addi %add3A_89, %add3A_119 : i32
      %lt3A = arith.constant 125 : i32
      %lt3A_121 = arith.cmpi slt, %add3A_120, %lt3A : i32
      %convert_element_type3A_122 = arith.extui %lt3A_121 : i1 to i32
      %cond3A_123 = arith.constant 0 : i32
      %cond3A_124 = arith.cmpi ne, %convert_element_type3A_122, %cond3A_123 : i32
      scf.if %cond3A_124 {
        %add3A_168 = arith.constant 2 : i32
        %add3A_169 = arith.addi %add3A_89, %add3A_168 : i32
        %dma_start3A_170 = arith.constant 0 : i32
        %dma_start3A_171 = tpu.memref_slice %arg5[%add3A_169, %dma_start3A_170] : memref<125x40xi32, #tpu.memory_space<vmem>> -> memref<1x40xi32, #tpu.memory_space<vmem>>
        %dma_start3A_172 = tpu.memref_squeeze %dma_start3A_171 : memref<1x40xi32, #tpu.memory_space<vmem>> -> memref<40xi32, #tpu.memory_space<vmem>>
        %dma_start3A_173 = arith.constant 0 : i32
        %dma_start3A_174 = arith.constant 0 : i32
        %dma_start3A_175 = tpu.memref_slice %arg2[%dma_start3A_173, %dma_start3A_174] : memref<10000x128xi32, #tpu.memory_space<hbm>> -> memref<10000x128xi32, #tpu.memory_space<hbm>>
        tpu.enqueue_indirect_dma source(%dma_start3A_175 : memref<10000x128xi32, #tpu.memory_space<hbm>>) target(%arg7 : memref<40x128xi32, #tpu.memory_space<vmem>>) offsets(%dma_start3A_172 : memref<40xi32, #tpu.memory_space<vmem>>) semaphore(%arg13 : memref<!tpu.dma_semaphore, #tpu.memory_space<semaphore_mem>>)
        %dma_start3A_176 = arith.constant 0 : i32
        %dma_start3A_177 = tpu.memref_slice %arg6[%add3A_169, %dma_start3A_176] : memref<125x40xi32, #tpu.memory_space<vmem>> -> memref<1x40xi32, #tpu.memory_space<vmem>>
        %dma_start3A_178 = tpu.memref_squeeze %dma_start3A_177 : memref<1x40xi32, #tpu.memory_space<vmem>> -> memref<40xi32, #tpu.memory_space<vmem>>
        %dma_start3A_179 = arith.constant 0 : i32
        %dma_start3A_180 = arith.constant 0 : i32
        %dma_start3A_181 = tpu.memref_slice %arg2[%dma_start3A_179, %dma_start3A_180] : memref<10000x128xi32, #tpu.memory_space<hbm>> -> memref<10000x128xi32, #tpu.memory_space<hbm>>
        tpu.enqueue_indirect_dma source(%dma_start3A_181 : memref<10000x128xi32, #tpu.memory_space<hbm>>) target(%arg9 : memref<40x128xi32, #tpu.memory_space<vmem>>) offsets(%dma_start3A_178 : memref<40xi32, #tpu.memory_space<vmem>>) semaphore(%arg15 : memref<!tpu.dma_semaphore, #tpu.memory_space<semaphore_mem>>)
      } else {
      }
      %mul3A_125 = arith.constant 2 : i32
      %mul3A_126 = arith.muli %mul3A_125, %scan3A_85 : i32
      %add3A_127 = arith.constant 1 : i32
      %add3A_128 = arith.addi %mul3A_126, %add3A_127 : i32
      %gt3A_129 = arith.constant 0 : i32
      %gt3A_130 = arith.cmpi sgt, %scan3A_85, %gt3A_129 : i32
      %convert_element_type3A_131 = arith.extui %gt3A_130 : i1 to i32
      %cond3A_132 = arith.constant 0 : i32
      %cond3A_133 = arith.cmpi ne, %convert_element_type3A_131, %cond3A_132 : i32
      scf.if %cond3A_133 {
        %sub3A = arith.constant 2 : i32
        %sub3A_168 = arith.subi %add3A_128, %sub3A : i32
        %mul3A_169 = arith.constant 5000 : i32
        %mul3A_170 = arith.muli %add3A, %mul3A_169 : i32
        %mul3A_171 = arith.constant 40 : i32
        %mul3A_172 = arith.muli %sub3A_168, %mul3A_171 : i32
        %add3A_173 = arith.addi %mul3A_170, %mul3A_172 : i32
        %dma_wait3A_174 = arith.constant 0 : i32
        %dma_wait3A_175 = tpu.memref_slice %arg4[%add3A_173, %dma_wait3A_174] : memref<160000x128xi32, #tpu.memory_space<hbm>> -> memref<40x128xi32, #tpu.memory_space<hbm>>
        %dma_wait3A_176 = arith.constant 0 : i32
        %dma_wait3A_177 = tpu.memref_slice %arg4[%add3A_173, %dma_wait3A_176] : memref<160000x128xi32, #tpu.memory_space<hbm>> -> memref<40x128xi32, #tpu.memory_space<hbm>>
        tpu.wait_dma2 semaphore(%arg18 : memref<!tpu.dma_semaphore, #tpu.memory_space<semaphore_mem>>) src(%arg12 : memref<40x128xi32, #tpu.memory_space<vmem>>) dst(%dma_wait3A_177 : memref<40x128xi32, #tpu.memory_space<hbm>>)
      } else {
      }
      %dma_wait3A_134 = arith.constant 0 : i32
      %dma_wait3A_135 = tpu.memref_slice %arg5[%add3A_128, %dma_wait3A_134] : memref<125x40xi32, #tpu.memory_space<vmem>> -> memref<1x40xi32, #tpu.memory_space<vmem>>
      %dma_wait3A_136 = tpu.memref_squeeze %dma_wait3A_135 : memref<1x40xi32, #tpu.memory_space<vmem>> -> memref<40xi32, #tpu.memory_space<vmem>>
      %dma_wait3A_137 = arith.constant 0 : i32
      %dma_wait3A_138 = arith.constant 0 : i32
      %dma_wait3A_139 = tpu.memref_slice %arg2[%dma_wait3A_137, %dma_wait3A_138] : memref<10000x128xi32, #tpu.memory_space<hbm>> -> memref<10000x128xi32, #tpu.memory_space<hbm>>
      tpu.wait_indirect_dma semaphore(%arg14 : memref<!tpu.dma_semaphore, #tpu.memory_space<semaphore_mem>>) src(%dma_wait3A_139 : memref<10000x128xi32, #tpu.memory_space<hbm>>) dst(%arg8 : memref<40x128xi32, #tpu.memory_space<vmem>>)
      %dma_wait3A_140 = arith.constant 0 : i32
      %dma_wait3A_141 = tpu.memref_slice %arg6[%add3A_128, %dma_wait3A_140] : memref<125x40xi32, #tpu.memory_space<vmem>> -> memref<1x40xi32, #tpu.memory_space<vmem>>
      %dma_wait3A_142 = tpu.memref_squeeze %dma_wait3A_141 : memref<1x40xi32, #tpu.memory_space<vmem>> -> memref<40xi32, #tpu.memory_space<vmem>>
      %dma_wait3A_143 = arith.constant 0 : i32
      %dma_wait3A_144 = arith.constant 0 : i32
      %dma_wait3A_145 = tpu.memref_slice %arg2[%dma_wait3A_143, %dma_wait3A_144] : memref<10000x128xi32, #tpu.memory_space<hbm>> -> memref<10000x128xi32, #tpu.memory_space<hbm>>
      tpu.wait_indirect_dma semaphore(%arg16 : memref<!tpu.dma_semaphore, #tpu.memory_space<semaphore_mem>>) src(%dma_wait3A_145 : memref<10000x128xi32, #tpu.memory_space<hbm>>) dst(%arg10 : memref<40x128xi32, #tpu.memory_space<vmem>>)
      %scan3A_146 = arith.constant 0 : i32
      %scan3A_147 = arith.constant 0 : i32
      %scan3A_148 = arith.constant 40 : i32
      %scan3A_149 = arith.addi %scan3A_147, %scan3A_148 : i32
      %scan3A_150 = arith.constant 1 : i32
      scf.for %scan3A_168 = %scan3A_147 to %scan3A_149 step %scan3A_150  : i32 {
        %get3A = arith.index_cast %scan3A_168 : i32 to index
        %get3A_169 = arith.constant 0 : index
        %get3A_170 = tpu.vector_load %arg8[%get3A, %get3A_169] {strides = array<i32>} : memref<40x128xi32, #tpu.memory_space<vmem>>, vector<1x16xi32>,
        %get3A_171 = vector.shape_cast %get3A_170 : vector<1x16xi32> to vector<16xi32>
        %and3A = arith.constant -65536 : i32
        %and3A_172 = vector.broadcast %and3A : i32 to vector<16xi32>
        %and3A_173 = arith.andi %get3A_171, %and3A_172 : vector<16xi32>
        %get3A_174 = arith.index_cast %scan3A_168 : i32 to index
        %get3A_175 = arith.constant 0 : index
        %get3A_176 = tpu.vector_load %arg10[%get3A_174, %get3A_175] {strides = array<i32>} : memref<40x128xi32, #tpu.memory_space<vmem>>, vector<1x16xi32>,
        %get3A_177 = vector.shape_cast %get3A_176 : vector<1x16xi32> to vector<16xi32>
        %and3A_178 = arith.constant 65535 : i32
        %and3A_179 = vector.broadcast %and3A_178 : i32 to vector<16xi32>
        %and3A_180 = arith.andi %get3A_177, %and3A_179 : vector<16xi32>
        %or3A = arith.ori %and3A_173, %and3A_180 : vector<16xi32>
        %swap3A = arith.index_cast %scan3A_168 : i32 to index
        %swap3A_181 = arith.constant 0 : index
        %swap3A_182 = tpu.vector_load %arg12[%swap3A, %swap3A_181] {strides = array<i32>} : memref<40x128xi32, #tpu.memory_space<vmem>>, vector<1x16xi32>,
        %swap3A_183 = vector.shape_cast %swap3A_182 : vector<1x16xi32> to vector<16xi32>
        %swap3A_184 = vector.shape_cast %or3A : vector<16xi32> to vector<1x16xi32>
        tpu.vector_store %arg12[%swap3A, %swap3A_181], %swap3A_184 {strides = array<i32>} : memref<40x128xi32, #tpu.memory_space<vmem>>, vector<1x16xi32>,
        %get3A_185 = arith.index_cast %scan3A_168 : i32 to index
        %get3A_186 = arith.constant 16 : index
        %get3A_187 = tpu.vector_load %arg8[%get3A_185, %get3A_186] {strides = array<i32>} : memref<40x128xi32, #tpu.memory_space<vmem>>, vector<1x16xi32>,
        %get3A_188 = vector.shape_cast %get3A_187 : vector<1x16xi32> to vector<16xi32>
        %and3A_189 = arith.constant -65536 : i32
        %and3A_190 = vector.broadcast %and3A_189 : i32 to vector<16xi32>
        %and3A_191 = arith.andi %get3A_188, %and3A_190 : vector<16xi32>
        %get3A_192 = arith.index_cast %scan3A_168 : i32 to index
        %get3A_193 = arith.constant 16 : index
        %get3A_194 = tpu.vector_load %arg10[%get3A_192, %get3A_193] {strides = array<i32>} : memref<40x128xi32, #tpu.memory_space<vmem>>, vector<1x16xi32>,
        %get3A_195 = vector.shape_cast %get3A_194 : vector<1x16xi32> to vector<16xi32>
        %and3A_196 = arith.constant 65535 : i32
        %and3A_197 = vector.broadcast %and3A_196 : i32 to vector<16xi32>
        %and3A_198 = arith.andi %get3A_195, %and3A_197 : vector<16xi32>
        %or3A_199 = arith.ori %and3A_191, %and3A_198 : vector<16xi32>
        %swap3A_200 = arith.index_cast %scan3A_168 : i32 to index
        %swap3A_201 = arith.constant 16 : index
        %swap3A_202 = tpu.vector_load %arg12[%swap3A_200, %swap3A_201] {strides = array<i32>} : memref<40x128xi32, #tpu.memory_space<vmem>>, vector<1x16xi32>,
        %swap3A_203 = vector.shape_cast %swap3A_202 : vector<1x16xi32> to vector<16xi32>
        %swap3A_204 = vector.shape_cast %or3A_199 : vector<16xi32> to vector<1x16xi32>
        tpu.vector_store %arg12[%swap3A_200, %swap3A_201], %swap3A_204 {strides = array<i32>} : memref<40x128xi32, #tpu.memory_space<vmem>>, vector<1x16xi32>,
        %get3A_205 = arith.index_cast %scan3A_168 : i32 to index
        %get3A_206 = arith.constant 32 : index
        %get3A_207 = tpu.vector_load %arg8[%get3A_205, %get3A_206] {strides = array<i32>} : memref<40x128xi32, #tpu.memory_space<vmem>>, vector<1x16xi32>,
        %get3A_208 = vector.shape_cast %get3A_207 : vector<1x16xi32> to vector<16xi32>
        %and3A_209 = arith.constant -65536 : i32
        %and3A_210 = vector.broadcast %and3A_209 : i32 to vector<16xi32>
        %and3A_211 = arith.andi %get3A_208, %and3A_210 : vector<16xi32>
        %get3A_212 = arith.index_cast %scan3A_168 : i32 to index
        %get3A_213 = arith.constant 32 : index
        %get3A_214 = tpu.vector_load %arg10[%get3A_212, %get3A_213] {strides = array<i32>} : memref<40x128xi32, #tpu.memory_space<vmem>>, vector<1x16xi32>,
        %get3A_215 = vector.shape_cast %get3A_214 : vector<1x16xi32> to vector<16xi32>
        %and3A_216 = arith.constant 65535 : i32
        %and3A_217 = vector.broadcast %and3A_216 : i32 to vector<16xi32>
        %and3A_218 = arith.andi %get3A_215, %and3A_217 : vector<16xi32>
        %or3A_219 = arith.ori %and3A_211, %and3A_218 : vector<16xi32>
        %swap3A_220 = arith.index_cast %scan3A_168 : i32 to index
        %swap3A_221 = arith.constant 32 : index
        %swap3A_222 = tpu.vector_load %arg12[%swap3A_220, %swap3A_221] {strides = array<i32>} : memref<40x128xi32, #tpu.memory_space<vmem>>, vector<1x16xi32>,
        %swap3A_223 = vector.shape_cast %swap3A_222 : vector<1x16xi32> to vector<16xi32>
        %swap3A_224 = vector.shape_cast %or3A_219 : vector<16xi32> to vector<1x16xi32>
        tpu.vector_store %arg12[%swap3A_220, %swap3A_221], %swap3A_224 {strides = array<i32>} : memref<40x128xi32, #tpu.memory_space<vmem>>, vector<1x16xi32>,
        %get3A_225 = arith.index_cast %scan3A_168 : i32 to index
        %get3A_226 = arith.constant 48 : index
        %get3A_227 = tpu.vector_load %arg8[%get3A_225, %get3A_226] {strides = array<i32>} : memref<40x128xi32, #tpu.memory_space<vmem>>, vector<1x16xi32>,
        %get3A_228 = vector.shape_cast %get3A_227 : vector<1x16xi32> to vector<16xi32>
        %and3A_229 = arith.constant -65536 : i32
        %and3A_230 = vector.broadcast %and3A_229 : i32 to vector<16xi32>
        %and3A_231 = arith.andi %get3A_228, %and3A_230 : vector<16xi32>
        %get3A_232 = arith.index_cast %scan3A_168 : i32 to index
        %get3A_233 = arith.constant 48 : index
        %get3A_234 = tpu.vector_load %arg10[%get3A_232, %get3A_233] {strides = array<i32>} : memref<40x128xi32, #tpu.memory_space<vmem>>, vector<1x16xi32>,
        %get3A_235 = vector.shape_cast %get3A_234 : vector<1x16xi32> to vector<16xi32>
        %and3A_236 = arith.constant 65535 : i32
        %and3A_237 = vector.broadcast %and3A_236 : i32 to vector<16xi32>
        %and3A_238 = arith.andi %get3A_235, %and3A_237 : vector<16xi32>
        %or3A_239 = arith.ori %and3A_231, %and3A_238 : vector<16xi32>
        %swap3A_240 = arith.index_cast %scan3A_168 : i32 to index
        %swap3A_241 = arith.constant 48 : index
        %swap3A_242 = tpu.vector_load %arg12[%swap3A_240, %swap3A_241] {strides = array<i32>} : memref<40x128xi32, #tpu.memory_space<vmem>>, vector<1x16xi32>,
        %swap3A_243 = vector.shape_cast %swap3A_242 : vector<1x16xi32> to vector<16xi32>
        %swap3A_244 = vector.shape_cast %or3A_239 : vector<16xi32> to vector<1x16xi32>
        tpu.vector_store %arg12[%swap3A_240, %swap3A_241], %swap3A_244 {strides = array<i32>} : memref<40x128xi32, #tpu.memory_space<vmem>>, vector<1x16xi32>,
        %get3A_245 = arith.index_cast %scan3A_168 : i32 to index
        %get3A_246 = arith.constant 64 : index
        %get3A_247 = tpu.vector_load %arg8[%get3A_245, %get3A_246] {strides = array<i32>} : memref<40x128xi32, #tpu.memory_space<vmem>>, vector<1x16xi32>,
        %get3A_248 = vector.shape_cast %get3A_247 : vector<1x16xi32> to vector<16xi32>
        %and3A_249 = arith.constant -65536 : i32
        %and3A_250 = vector.broadcast %and3A_249 : i32 to vector<16xi32>
        %and3A_251 = arith.andi %get3A_248, %and3A_250 : vector<16xi32>
        %get3A_252 = arith.index_cast %scan3A_168 : i32 to index
        %get3A_253 = arith.constant 64 : index
        %get3A_254 = tpu.vector_load %arg10[%get3A_252, %get3A_253] {strides = array<i32>} : memref<40x128xi32, #tpu.memory_space<vmem>>, vector<1x16xi32>,
        %get3A_255 = vector.shape_cast %get3A_254 : vector<1x16xi32> to vector<16xi32>
        %and3A_256 = arith.constant 65535 : i32
        %and3A_257 = vector.broadcast %and3A_256 : i32 to vector<16xi32>
        %and3A_258 = arith.andi %get3A_255, %and3A_257 : vector<16xi32>
        %or3A_259 = arith.ori %and3A_251, %and3A_258 : vector<16xi32>
        %swap3A_260 = arith.index_cast %scan3A_168 : i32 to index
        %swap3A_261 = arith.constant 64 : index
        %swap3A_262 = tpu.vector_load %arg12[%swap3A_260, %swap3A_261] {strides = array<i32>} : memref<40x128xi32, #tpu.memory_space<vmem>>, vector<1x16xi32>,
        %swap3A_263 = vector.shape_cast %swap3A_262 : vector<1x16xi32> to vector<16xi32>
        %swap3A_264 = vector.shape_cast %or3A_259 : vector<16xi32> to vector<1x16xi32>
        tpu.vector_store %arg12[%swap3A_260, %swap3A_261], %swap3A_264 {strides = array<i32>} : memref<40x128xi32, #tpu.memory_space<vmem>>, vector<1x16xi32>,
        %get3A_265 = arith.index_cast %scan3A_168 : i32 to index
        %get3A_266 = arith.constant 80 : index
        %get3A_267 = tpu.vector_load %arg8[%get3A_265, %get3A_266] {strides = array<i32>} : memref<40x128xi32, #tpu.memory_space<vmem>>, vector<1x16xi32>,
        %get3A_268 = vector.shape_cast %get3A_267 : vector<1x16xi32> to vector<16xi32>
        %and3A_269 = arith.constant -65536 : i32
        %and3A_270 = vector.broadcast %and3A_269 : i32 to vector<16xi32>
        %and3A_271 = arith.andi %get3A_268, %and3A_270 : vector<16xi32>
        %get3A_272 = arith.index_cast %scan3A_168 : i32 to index
        %get3A_273 = arith.constant 80 : index
        %get3A_274 = tpu.vector_load %arg10[%get3A_272, %get3A_273] {strides = array<i32>} : memref<40x128xi32, #tpu.memory_space<vmem>>, vector<1x16xi32>,
        %get3A_275 = vector.shape_cast %get3A_274 : vector<1x16xi32> to vector<16xi32>
        %and3A_276 = arith.constant 65535 : i32
        %and3A_277 = vector.broadcast %and3A_276 : i32 to vector<16xi32>
        %and3A_278 = arith.andi %get3A_275, %and3A_277 : vector<16xi32>
        %or3A_279 = arith.ori %and3A_271, %and3A_278 : vector<16xi32>
        %swap3A_280 = arith.index_cast %scan3A_168 : i32 to index
        %swap3A_281 = arith.constant 80 : index
        %swap3A_282 = tpu.vector_load %arg12[%swap3A_280, %swap3A_281] {strides = array<i32>} : memref<40x128xi32, #tpu.memory_space<vmem>>, vector<1x16xi32>,
        %swap3A_283 = vector.shape_cast %swap3A_282 : vector<1x16xi32> to vector<16xi32>
        %swap3A_284 = vector.shape_cast %or3A_279 : vector<16xi32> to vector<1x16xi32>
        tpu.vector_store %arg12[%swap3A_280, %swap3A_281], %swap3A_284 {strides = array<i32>} : memref<40x128xi32, #tpu.memory_space<vmem>>, vector<1x16xi32>,
        %get3A_285 = arith.index_cast %scan3A_168 : i32 to index
        %get3A_286 = arith.constant 96 : index
        %get3A_287 = tpu.vector_load %arg8[%get3A_285, %get3A_286] {strides = array<i32>} : memref<40x128xi32, #tpu.memory_space<vmem>>, vector<1x16xi32>,
        %get3A_288 = vector.shape_cast %get3A_287 : vector<1x16xi32> to vector<16xi32>
        %and3A_289 = arith.constant -65536 : i32
        %and3A_290 = vector.broadcast %and3A_289 : i32 to vector<16xi32>
        %and3A_291 = arith.andi %get3A_288, %and3A_290 : vector<16xi32>
        %get3A_292 = arith.index_cast %scan3A_168 : i32 to index
        %get3A_293 = arith.constant 96 : index
        %get3A_294 = tpu.vector_load %arg10[%get3A_292, %get3A_293] {strides = array<i32>} : memref<40x128xi32, #tpu.memory_space<vmem>>, vector<1x16xi32>,
        %get3A_295 = vector.shape_cast %get3A_294 : vector<1x16xi32> to vector<16xi32>
        %and3A_296 = arith.constant 65535 : i32
        %and3A_297 = vector.broadcast %and3A_296 : i32 to vector<16xi32>
        %and3A_298 = arith.andi %get3A_295, %and3A_297 : vector<16xi32>
        %or3A_299 = arith.ori %and3A_291, %and3A_298 : vector<16xi32>
        %swap3A_300 = arith.index_cast %scan3A_168 : i32 to index
        %swap3A_301 = arith.constant 96 : index
        %swap3A_302 = tpu.vector_load %arg12[%swap3A_300, %swap3A_301] {strides = array<i32>} : memref<40x128xi32, #tpu.memory_space<vmem>>, vector<1x16xi32>,
        %swap3A_303 = vector.shape_cast %swap3A_302 : vector<1x16xi32> to vector<16xi32>
        %swap3A_304 = vector.shape_cast %or3A_299 : vector<16xi32> to vector<1x16xi32>
        tpu.vector_store %arg12[%swap3A_300, %swap3A_301], %swap3A_304 {strides = array<i32>} : memref<40x128xi32, #tpu.memory_space<vmem>>, vector<1x16xi32>,
        %get3A_305 = arith.index_cast %scan3A_168 : i32 to index
        %get3A_306 = arith.constant 112 : index
        %get3A_307 = tpu.vector_load %arg8[%get3A_305, %get3A_306] {strides = array<i32>} : memref<40x128xi32, #tpu.memory_space<vmem>>, vector<1x16xi32>,
        %get3A_308 = vector.shape_cast %get3A_307 : vector<1x16xi32> to vector<16xi32>
        %and3A_309 = arith.constant -65536 : i32
        %and3A_310 = vector.broadcast %and3A_309 : i32 to vector<16xi32>
        %and3A_311 = arith.andi %get3A_308, %and3A_310 : vector<16xi32>
        %get3A_312 = arith.index_cast %scan3A_168 : i32 to index
        %get3A_313 = arith.constant 112 : index
        %get3A_314 = tpu.vector_load %arg10[%get3A_312, %get3A_313] {strides = array<i32>} : memref<40x128xi32, #tpu.memory_space<vmem>>, vector<1x16xi32>,
        %get3A_315 = vector.shape_cast %get3A_314 : vector<1x16xi32> to vector<16xi32>
        %and3A_316 = arith.constant 65535 : i32
        %and3A_317 = vector.broadcast %and3A_316 : i32 to vector<16xi32>
        %and3A_318 = arith.andi %get3A_315, %and3A_317 : vector<16xi32>
        %or3A_319 = arith.ori %and3A_311, %and3A_318 : vector<16xi32>
        %swap3A_320 = arith.index_cast %scan3A_168 : i32 to index
        %swap3A_321 = arith.constant 112 : index
        %swap3A_322 = tpu.vector_load %arg12[%swap3A_320, %swap3A_321] {strides = array<i32>} : memref<40x128xi32, #tpu.memory_space<vmem>>, vector<1x16xi32>,
        %swap3A_323 = vector.shape_cast %swap3A_322 : vector<1x16xi32> to vector<16xi32>
        %swap3A_324 = vector.shape_cast %or3A_319 : vector<16xi32> to vector<1x16xi32>
        tpu.vector_store %arg12[%swap3A_320, %swap3A_321], %swap3A_324 {strides = array<i32>} : memref<40x128xi32, #tpu.memory_space<vmem>>, vector<1x16xi32>,
      }
      %scan3A_151 = arith.constant 40 : i32
      %mul3A_152 = arith.constant 5000 : i32
      %mul3A_153 = arith.muli %add3A, %mul3A_152 : i32
      %mul3A_154 = arith.constant 40 : i32
      %mul3A_155 = arith.muli %add3A_128, %mul3A_154 : i32
      %add3A_156 = arith.addi %mul3A_153, %mul3A_155 : i32
      %dma_start3A_157 = arith.constant 0 : i32
      %dma_start3A_158 = tpu.memref_slice %arg4[%add3A_156, %dma_start3A_157] : memref<160000x128xi32, #tpu.memory_space<hbm>> -> memref<40x128xi32, #tpu.memory_space<hbm>>
      %dma_start3A_159 = arith.constant 0 : i32
      %dma_start3A_160 = tpu.memref_slice %arg4[%add3A_156, %dma_start3A_159] : memref<160000x128xi32, #tpu.memory_space<hbm>> -> memref<40x128xi32, #tpu.memory_space<hbm>>
      tpu.enqueue_dma source(%arg12 : memref<40x128xi32, #tpu.memory_space<vmem>>) target(%dma_start3A_160 : memref<40x128xi32, #tpu.memory_space<hbm>>) target_semaphore(%arg18 : memref<!tpu.dma_semaphore, #tpu.memory_space<semaphore_mem>>)
      %add3A_161 = arith.constant 2 : i32
      %add3A_162 = arith.addi %add3A_128, %add3A_161 : i32
      %lt3A_163 = arith.constant 125 : i32
      %lt3A_164 = arith.cmpi slt, %add3A_162, %lt3A_163 : i32
      %convert_element_type3A_165 = arith.extui %lt3A_164 : i1 to i32
      %cond3A_166 = arith.constant 0 : i32
      %cond3A_167 = arith.cmpi ne, %convert_element_type3A_165, %cond3A_166 : i32
      scf.if %cond3A_167 {
        %add3A_168 = arith.constant 2 : i32
        %add3A_169 = arith.addi %add3A_128, %add3A_168 : i32
        %dma_start3A_170 = arith.constant 0 : i32
        %dma_start3A_171 = tpu.memref_slice %arg5[%add3A_169, %dma_start3A_170] : memref<125x40xi32, #tpu.memory_space<vmem>> -> memref<1x40xi32, #tpu.memory_space<vmem>>
        %dma_start3A_172 = tpu.memref_squeeze %dma_start3A_171 : memref<1x40xi32, #tpu.memory_space<vmem>> -> memref<40xi32, #tpu.memory_space<vmem>>
        %dma_start3A_173 = arith.constant 0 : i32
        %dma_start3A_174 = arith.constant 0 : i32
        %dma_start3A_175 = tpu.memref_slice %arg2[%dma_start3A_173, %dma_start3A_174] : memref<10000x128xi32, #tpu.memory_space<hbm>> -> memref<10000x128xi32, #tpu.memory_space<hbm>>
        tpu.enqueue_indirect_dma source(%dma_start3A_175 : memref<10000x128xi32, #tpu.memory_space<hbm>>) target(%arg8 : memref<40x128xi32, #tpu.memory_space<vmem>>) offsets(%dma_start3A_172 : memref<40xi32, #tpu.memory_space<vmem>>) semaphore(%arg14 : memref<!tpu.dma_semaphore, #tpu.memory_space<semaphore_mem>>)
        %dma_start3A_176 = arith.constant 0 : i32
        %dma_start3A_177 = tpu.memref_slice %arg6[%add3A_169, %dma_start3A_176] : memref<125x40xi32, #tpu.memory_space<vmem>> -> memref<1x40xi32, #tpu.memory_space<vmem>>
        %dma_start3A_178 = tpu.memref_squeeze %dma_start3A_177 : memref<1x40xi32, #tpu.memory_space<vmem>> -> memref<40xi32, #tpu.memory_space<vmem>>
        %dma_start3A_179 = arith.constant 0 : i32
        %dma_start3A_180 = arith.constant 0 : i32
        %dma_start3A_181 = tpu.memref_slice %arg2[%dma_start3A_179, %dma_start3A_180] : memref<10000x128xi32, #tpu.memory_space<hbm>> -> memref<10000x128xi32, #tpu.memory_space<hbm>>
        tpu.enqueue_indirect_dma source(%dma_start3A_181 : memref<10000x128xi32, #tpu.memory_space<hbm>>) target(%arg10 : memref<40x128xi32, #tpu.memory_space<vmem>>) offsets(%dma_start3A_178 : memref<40xi32, #tpu.memory_space<vmem>>) semaphore(%arg16 : memref<!tpu.dma_semaphore, #tpu.memory_space<semaphore_mem>>)
      } else {
      }
    }
    %scan3A_33 = arith.constant 62 : i32
    %mul3A_34 = arith.constant 5000 : i32
    %mul3A_35 = arith.muli %add3A, %mul3A_34 : i32
    %add3A_36 = arith.constant 4880 : i32
    %add3A_37 = arith.addi %mul3A_35, %add3A_36 : i32
    %dma_wait3A = arith.constant 0 : i32
    %dma_wait3A_38 = tpu.memref_slice %arg4[%add3A_37, %dma_wait3A] : memref<160000x128xi32, #tpu.memory_space<hbm>> -> memref<40x128xi32, #tpu.memory_space<hbm>>
    %dma_wait3A_39 = arith.constant 0 : i32
    %dma_wait3A_40 = tpu.memref_slice %arg4[%add3A_37, %dma_wait3A_39] : memref<160000x128xi32, #tpu.memory_space<hbm>> -> memref<40x128xi32, #tpu.memory_space<hbm>>
    tpu.wait_dma2 semaphore(%arg17 : memref<!tpu.dma_semaphore, #tpu.memory_space<semaphore_mem>>) src(%arg11 : memref<40x128xi32, #tpu.memory_space<vmem>>) dst(%dma_wait3A_40 : memref<40x128xi32, #tpu.memory_space<hbm>>)
    %dma_wait3A_41 = arith.constant 124 : i32
    %dma_wait3A_42 = arith.constant 0 : i32
    %dma_wait3A_43 = tpu.memref_slice %arg5[%dma_wait3A_41, %dma_wait3A_42] : memref<125x40xi32, #tpu.memory_space<vmem>> -> memref<1x40xi32, #tpu.memory_space<vmem>>
    %dma_wait3A_44 = tpu.memref_squeeze %dma_wait3A_43 : memref<1x40xi32, #tpu.memory_space<vmem>> -> memref<40xi32, #tpu.memory_space<vmem>>
    %dma_wait3A_45 = arith.constant 0 : i32
    %dma_wait3A_46 = arith.constant 0 : i32
    %dma_wait3A_47 = tpu.memref_slice %arg2[%dma_wait3A_45, %dma_wait3A_46] : memref<10000x128xi32, #tpu.memory_space<hbm>> -> memref<10000x128xi32, #tpu.memory_space<hbm>>
    tpu.wait_indirect_dma semaphore(%arg13 : memref<!tpu.dma_semaphore, #tpu.memory_space<semaphore_mem>>) src(%dma_wait3A_47 : memref<10000x128xi32, #tpu.memory_space<hbm>>) dst(%arg7 : memref<40x128xi32, #tpu.memory_space<vmem>>)
    %dma_wait3A_48 = arith.constant 124 : i32
    %dma_wait3A_49 = arith.constant 0 : i32
    %dma_wait3A_50 = tpu.memref_slice %arg6[%dma_wait3A_48, %dma_wait3A_49] : memref<125x40xi32, #tpu.memory_space<vmem>> -> memref<1x40xi32, #tpu.memory_space<vmem>>
    %dma_wait3A_51 = tpu.memref_squeeze %dma_wait3A_50 : memref<1x40xi32, #tpu.memory_space<vmem>> -> memref<40xi32, #tpu.memory_space<vmem>>
    %dma_wait3A_52 = arith.constant 0 : i32
    %dma_wait3A_53 = arith.constant 0 : i32
    %dma_wait3A_54 = tpu.memref_slice %arg2[%dma_wait3A_52, %dma_wait3A_53] : memref<10000x128xi32, #tpu.memory_space<hbm>> -> memref<10000x128xi32, #tpu.memory_space<hbm>>
    tpu.wait_indirect_dma semaphore(%arg15 : memref<!tpu.dma_semaphore, #tpu.memory_space<semaphore_mem>>) src(%dma_wait3A_54 : memref<10000x128xi32, #tpu.memory_space<hbm>>) dst(%arg9 : memref<40x128xi32, #tpu.memory_space<vmem>>)
    %scan3A_55 = arith.constant 0 : i32
    %scan3A_56 = arith.constant 0 : i32
    %scan3A_57 = arith.constant 40 : i32
    %scan3A_58 = arith.addi %scan3A_56, %scan3A_57 : i32
    %scan3A_59 = arith.constant 1 : i32
    scf.for %scan3A_85 = %scan3A_56 to %scan3A_58 step %scan3A_59  : i32 {
      %get3A = arith.index_cast %scan3A_85 : i32 to index
      %get3A_86 = arith.constant 0 : index
      %get3A_87 = tpu.vector_load %arg7[%get3A, %get3A_86] {strides = array<i32>} : memref<40x128xi32, #tpu.memory_space<vmem>>, vector<1x16xi32>,
      %get3A_88 = vector.shape_cast %get3A_87 : vector<1x16xi32> to vector<16xi32>
      %and3A = arith.constant -65536 : i32
      %and3A_89 = vector.broadcast %and3A : i32 to vector<16xi32>
      %and3A_90 = arith.andi %get3A_88, %and3A_89 : vector<16xi32>
      %get3A_91 = arith.index_cast %scan3A_85 : i32 to index
      %get3A_92 = arith.constant 0 : index
      %get3A_93 = tpu.vector_load %arg9[%get3A_91, %get3A_92] {strides = array<i32>} : memref<40x128xi32, #tpu.memory_space<vmem>>, vector<1x16xi32>,
      %get3A_94 = vector.shape_cast %get3A_93 : vector<1x16xi32> to vector<16xi32>
      %and3A_95 = arith.constant 65535 : i32
      %and3A_96 = vector.broadcast %and3A_95 : i32 to vector<16xi32>
      %and3A_97 = arith.andi %get3A_94, %and3A_96 : vector<16xi32>
      %or3A = arith.ori %and3A_90, %and3A_97 : vector<16xi32>
      %swap3A = arith.index_cast %scan3A_85 : i32 to index
      %swap3A_98 = arith.constant 0 : index
      %swap3A_99 = tpu.vector_load %arg11[%swap3A, %swap3A_98] {strides = array<i32>} : memref<40x128xi32, #tpu.memory_space<vmem>>, vector<1x16xi32>,
      %swap3A_100 = vector.shape_cast %swap3A_99 : vector<1x16xi32> to vector<16xi32>
      %swap3A_101 = vector.shape_cast %or3A : vector<16xi32> to vector<1x16xi32>
      tpu.vector_store %arg11[%swap3A, %swap3A_98], %swap3A_101 {strides = array<i32>} : memref<40x128xi32, #tpu.memory_space<vmem>>, vector<1x16xi32>,
      %get3A_102 = arith.index_cast %scan3A_85 : i32 to index
      %get3A_103 = arith.constant 16 : index
      %get3A_104 = tpu.vector_load %arg7[%get3A_102, %get3A_103] {strides = array<i32>} : memref<40x128xi32, #tpu.memory_space<vmem>>, vector<1x16xi32>,
      %get3A_105 = vector.shape_cast %get3A_104 : vector<1x16xi32> to vector<16xi32>
      %and3A_106 = arith.constant -65536 : i32
      %and3A_107 = vector.broadcast %and3A_106 : i32 to vector<16xi32>
      %and3A_108 = arith.andi %get3A_105, %and3A_107 : vector<16xi32>
      %get3A_109 = arith.index_cast %scan3A_85 : i32 to index
      %get3A_110 = arith.constant 16 : index
      %get3A_111 = tpu.vector_load %arg9[%get3A_109, %get3A_110] {strides = array<i32>} : memref<40x128xi32, #tpu.memory_space<vmem>>, vector<1x16xi32>,
      %get3A_112 = vector.shape_cast %get3A_111 : vector<1x16xi32> to vector<16xi32>
      %and3A_113 = arith.constant 65535 : i32
      %and3A_114 = vector.broadcast %and3A_113 : i32 to vector<16xi32>
      %and3A_115 = arith.andi %get3A_112, %and3A_114 : vector<16xi32>
      %or3A_116 = arith.ori %and3A_108, %and3A_115 : vector<16xi32>
      %swap3A_117 = arith.index_cast %scan3A_85 : i32 to index
      %swap3A_118 = arith.constant 16 : index
      %swap3A_119 = tpu.vector_load %arg11[%swap3A_117, %swap3A_118] {strides = array<i32>} : memref<40x128xi32, #tpu.memory_space<vmem>>, vector<1x16xi32>,
      %swap3A_120 = vector.shape_cast %swap3A_119 : vector<1x16xi32> to vector<16xi32>
      %swap3A_121 = vector.shape_cast %or3A_116 : vector<16xi32> to vector<1x16xi32>
      tpu.vector_store %arg11[%swap3A_117, %swap3A_118], %swap3A_121 {strides = array<i32>} : memref<40x128xi32, #tpu.memory_space<vmem>>, vector<1x16xi32>,
      %get3A_122 = arith.index_cast %scan3A_85 : i32 to index
      %get3A_123 = arith.constant 32 : index
      %get3A_124 = tpu.vector_load %arg7[%get3A_122, %get3A_123] {strides = array<i32>} : memref<40x128xi32, #tpu.memory_space<vmem>>, vector<1x16xi32>,
      %get3A_125 = vector.shape_cast %get3A_124 : vector<1x16xi32> to vector<16xi32>
      %and3A_126 = arith.constant -65536 : i32
      %and3A_127 = vector.broadcast %and3A_126 : i32 to vector<16xi32>
      %and3A_128 = arith.andi %get3A_125, %and3A_127 : vector<16xi32>
      %get3A_129 = arith.index_cast %scan3A_85 : i32 to index
      %get3A_130 = arith.constant 32 : index
      %get3A_131 = tpu.vector_load %arg9[%get3A_129, %get3A_130] {strides = array<i32>} : memref<40x128xi32, #tpu.memory_space<vmem>>, vector<1x16xi32>,
      %get3A_132 = vector.shape_cast %get3A_131 : vector<1x16xi32> to vector<16xi32>
      %and3A_133 = arith.constant 65535 : i32
      %and3A_134 = vector.broadcast %and3A_133 : i32 to vector<16xi32>
      %and3A_135 = arith.andi %get3A_132, %and3A_134 : vector<16xi32>
      %or3A_136 = arith.ori %and3A_128, %and3A_135 : vector<16xi32>
      %swap3A_137 = arith.index_cast %scan3A_85 : i32 to index
      %swap3A_138 = arith.constant 32 : index
      %swap3A_139 = tpu.vector_load %arg11[%swap3A_137, %swap3A_138] {strides = array<i32>} : memref<40x128xi32, #tpu.memory_space<vmem>>, vector<1x16xi32>,
      %swap3A_140 = vector.shape_cast %swap3A_139 : vector<1x16xi32> to vector<16xi32>
      %swap3A_141 = vector.shape_cast %or3A_136 : vector<16xi32> to vector<1x16xi32>
      tpu.vector_store %arg11[%swap3A_137, %swap3A_138], %swap3A_141 {strides = array<i32>} : memref<40x128xi32, #tpu.memory_space<vmem>>, vector<1x16xi32>,
      %get3A_142 = arith.index_cast %scan3A_85 : i32 to index
      %get3A_143 = arith.constant 48 : index
      %get3A_144 = tpu.vector_load %arg7[%get3A_142, %get3A_143] {strides = array<i32>} : memref<40x128xi32, #tpu.memory_space<vmem>>, vector<1x16xi32>,
      %get3A_145 = vector.shape_cast %get3A_144 : vector<1x16xi32> to vector<16xi32>
      %and3A_146 = arith.constant -65536 : i32
      %and3A_147 = vector.broadcast %and3A_146 : i32 to vector<16xi32>
      %and3A_148 = arith.andi %get3A_145, %and3A_147 : vector<16xi32>
      %get3A_149 = arith.index_cast %scan3A_85 : i32 to index
      %get3A_150 = arith.constant 48 : index
      %get3A_151 = tpu.vector_load %arg9[%get3A_149, %get3A_150] {strides = array<i32>} : memref<40x128xi32, #tpu.memory_space<vmem>>, vector<1x16xi32>,
      %get3A_152 = vector.shape_cast %get3A_151 : vector<1x16xi32> to vector<16xi32>
      %and3A_153 = arith.constant 65535 : i32
      %and3A_154 = vector.broadcast %and3A_153 : i32 to vector<16xi32>
      %and3A_155 = arith.andi %get3A_152, %and3A_154 : vector<16xi32>
      %or3A_156 = arith.ori %and3A_148, %and3A_155 : vector<16xi32>
      %swap3A_157 = arith.index_cast %scan3A_85 : i32 to index
      %swap3A_158 = arith.constant 48 : index
      %swap3A_159 = tpu.vector_load %arg11[%swap3A_157, %swap3A_158] {strides = array<i32>} : memref<40x128xi32, #tpu.memory_space<vmem>>, vector<1x16xi32>,
      %swap3A_160 = vector.shape_cast %swap3A_159 : vector<1x16xi32> to vector<16xi32>
      %swap3A_161 = vector.shape_cast %or3A_156 : vector<16xi32> to vector<1x16xi32>
      tpu.vector_store %arg11[%swap3A_157, %swap3A_158], %swap3A_161 {strides = array<i32>} : memref<40x128xi32, #tpu.memory_space<vmem>>, vector<1x16xi32>,
      %get3A_162 = arith.index_cast %scan3A_85 : i32 to index
      %get3A_163 = arith.constant 64 : index
      %get3A_164 = tpu.vector_load %arg7[%get3A_162, %get3A_163] {strides = array<i32>} : memref<40x128xi32, #tpu.memory_space<vmem>>, vector<1x16xi32>,
      %get3A_165 = vector.shape_cast %get3A_164 : vector<1x16xi32> to vector<16xi32>
      %and3A_166 = arith.constant -65536 : i32
      %and3A_167 = vector.broadcast %and3A_166 : i32 to vector<16xi32>
      %and3A_168 = arith.andi %get3A_165, %and3A_167 : vector<16xi32>
      %get3A_169 = arith.index_cast %scan3A_85 : i32 to index
      %get3A_170 = arith.constant 64 : index
      %get3A_171 = tpu.vector_load %arg9[%get3A_169, %get3A_170] {strides = array<i32>} : memref<40x128xi32, #tpu.memory_space<vmem>>, vector<1x16xi32>,
      %get3A_172 = vector.shape_cast %get3A_171 : vector<1x16xi32> to vector<16xi32>
      %and3A_173 = arith.constant 65535 : i32
      %and3A_174 = vector.broadcast %and3A_173 : i32 to vector<16xi32>
      %and3A_175 = arith.andi %get3A_172, %and3A_174 : vector<16xi32>
      %or3A_176 = arith.ori %and3A_168, %and3A_175 : vector<16xi32>
      %swap3A_177 = arith.index_cast %scan3A_85 : i32 to index
      %swap3A_178 = arith.constant 64 : index
      %swap3A_179 = tpu.vector_load %arg11[%swap3A_177, %swap3A_178] {strides = array<i32>} : memref<40x128xi32, #tpu.memory_space<vmem>>, vector<1x16xi32>,
      %swap3A_180 = vector.shape_cast %swap3A_179 : vector<1x16xi32> to vector<16xi32>
      %swap3A_181 = vector.shape_cast %or3A_176 : vector<16xi32> to vector<1x16xi32>
      tpu.vector_store %arg11[%swap3A_177, %swap3A_178], %swap3A_181 {strides = array<i32>} : memref<40x128xi32, #tpu.memory_space<vmem>>, vector<1x16xi32>,
      %get3A_182 = arith.index_cast %scan3A_85 : i32 to index
      %get3A_183 = arith.constant 80 : index
      %get3A_184 = tpu.vector_load %arg7[%get3A_182, %get3A_183] {strides = array<i32>} : memref<40x128xi32, #tpu.memory_space<vmem>>, vector<1x16xi32>,
      %get3A_185 = vector.shape_cast %get3A_184 : vector<1x16xi32> to vector<16xi32>
      %and3A_186 = arith.constant -65536 : i32
      %and3A_187 = vector.broadcast %and3A_186 : i32 to vector<16xi32>
      %and3A_188 = arith.andi %get3A_185, %and3A_187 : vector<16xi32>
      %get3A_189 = arith.index_cast %scan3A_85 : i32 to index
      %get3A_190 = arith.constant 80 : index
      %get3A_191 = tpu.vector_load %arg9[%get3A_189, %get3A_190] {strides = array<i32>} : memref<40x128xi32, #tpu.memory_space<vmem>>, vector<1x16xi32>,
      %get3A_192 = vector.shape_cast %get3A_191 : vector<1x16xi32> to vector<16xi32>
      %and3A_193 = arith.constant 65535 : i32
      %and3A_194 = vector.broadcast %and3A_193 : i32 to vector<16xi32>
      %and3A_195 = arith.andi %get3A_192, %and3A_194 : vector<16xi32>
      %or3A_196 = arith.ori %and3A_188, %and3A_195 : vector<16xi32>
      %swap3A_197 = arith.index_cast %scan3A_85 : i32 to index
      %swap3A_198 = arith.constant 80 : index
      %swap3A_199 = tpu.vector_load %arg11[%swap3A_197, %swap3A_198] {strides = array<i32>} : memref<40x128xi32, #tpu.memory_space<vmem>>, vector<1x16xi32>,
      %swap3A_200 = vector.shape_cast %swap3A_199 : vector<1x16xi32> to vector<16xi32>
      %swap3A_201 = vector.shape_cast %or3A_196 : vector<16xi32> to vector<1x16xi32>
      tpu.vector_store %arg11[%swap3A_197, %swap3A_198], %swap3A_201 {strides = array<i32>} : memref<40x128xi32, #tpu.memory_space<vmem>>, vector<1x16xi32>,
      %get3A_202 = arith.index_cast %scan3A_85 : i32 to index
      %get3A_203 = arith.constant 96 : index
      %get3A_204 = tpu.vector_load %arg7[%get3A_202, %get3A_203] {strides = array<i32>} : memref<40x128xi32, #tpu.memory_space<vmem>>, vector<1x16xi32>,
      %get3A_205 = vector.shape_cast %get3A_204 : vector<1x16xi32> to vector<16xi32>
      %and3A_206 = arith.constant -65536 : i32
      %and3A_207 = vector.broadcast %and3A_206 : i32 to vector<16xi32>
      %and3A_208 = arith.andi %get3A_205, %and3A_207 : vector<16xi32>
      %get3A_209 = arith.index_cast %scan3A_85 : i32 to index
      %get3A_210 = arith.constant 96 : index
      %get3A_211 = tpu.vector_load %arg9[%get3A_209, %get3A_210] {strides = array<i32>} : memref<40x128xi32, #tpu.memory_space<vmem>>, vector<1x16xi32>,
      %get3A_212 = vector.shape_cast %get3A_211 : vector<1x16xi32> to vector<16xi32>
      %and3A_213 = arith.constant 65535 : i32
      %and3A_214 = vector.broadcast %and3A_213 : i32 to vector<16xi32>
      %and3A_215 = arith.andi %get3A_212, %and3A_214 : vector<16xi32>
      %or3A_216 = arith.ori %and3A_208, %and3A_215 : vector<16xi32>
      %swap3A_217 = arith.index_cast %scan3A_85 : i32 to index
      %swap3A_218 = arith.constant 96 : index
      %swap3A_219 = tpu.vector_load %arg11[%swap3A_217, %swap3A_218] {strides = array<i32>} : memref<40x128xi32, #tpu.memory_space<vmem>>, vector<1x16xi32>,
      %swap3A_220 = vector.shape_cast %swap3A_219 : vector<1x16xi32> to vector<16xi32>
      %swap3A_221 = vector.shape_cast %or3A_216 : vector<16xi32> to vector<1x16xi32>
      tpu.vector_store %arg11[%swap3A_217, %swap3A_218], %swap3A_221 {strides = array<i32>} : memref<40x128xi32, #tpu.memory_space<vmem>>, vector<1x16xi32>,
      %get3A_222 = arith.index_cast %scan3A_85 : i32 to index
      %get3A_223 = arith.constant 112 : index
      %get3A_224 = tpu.vector_load %arg7[%get3A_222, %get3A_223] {strides = array<i32>} : memref<40x128xi32, #tpu.memory_space<vmem>>, vector<1x16xi32>,
      %get3A_225 = vector.shape_cast %get3A_224 : vector<1x16xi32> to vector<16xi32>
      %and3A_226 = arith.constant -65536 : i32
      %and3A_227 = vector.broadcast %and3A_226 : i32 to vector<16xi32>
      %and3A_228 = arith.andi %get3A_225, %and3A_227 : vector<16xi32>
      %get3A_229 = arith.index_cast %scan3A_85 : i32 to index
      %get3A_230 = arith.constant 112 : index
      %get3A_231 = tpu.vector_load %arg9[%get3A_229, %get3A_230] {strides = array<i32>} : memref<40x128xi32, #tpu.memory_space<vmem>>, vector<1x16xi32>,
      %get3A_232 = vector.shape_cast %get3A_231 : vector<1x16xi32> to vector<16xi32>
      %and3A_233 = arith.constant 65535 : i32
      %and3A_234 = vector.broadcast %and3A_233 : i32 to vector<16xi32>
      %and3A_235 = arith.andi %get3A_232, %and3A_234 : vector<16xi32>
      %or3A_236 = arith.ori %and3A_228, %and3A_235 : vector<16xi32>
      %swap3A_237 = arith.index_cast %scan3A_85 : i32 to index
      %swap3A_238 = arith.constant 112 : index
      %swap3A_239 = tpu.vector_load %arg11[%swap3A_237, %swap3A_238] {strides = array<i32>} : memref<40x128xi32, #tpu.memory_space<vmem>>, vector<1x16xi32>,
      %swap3A_240 = vector.shape_cast %swap3A_239 : vector<1x16xi32> to vector<16xi32>
      %swap3A_241 = vector.shape_cast %or3A_236 : vector<16xi32> to vector<1x16xi32>
      tpu.vector_store %arg11[%swap3A_237, %swap3A_238], %swap3A_241 {strides = array<i32>} : memref<40x128xi32, #tpu.memory_space<vmem>>, vector<1x16xi32>,
    }
    %scan3A_60 = arith.constant 40 : i32
    %mul3A_61 = arith.constant 5000 : i32
    %mul3A_62 = arith.muli %add3A, %mul3A_61 : i32
    %add3A_63 = arith.constant 4960 : i32
    %add3A_64 = arith.addi %mul3A_62, %add3A_63 : i32
    %dma_start3A_65 = arith.constant 0 : i32
    %dma_start3A_66 = tpu.memref_slice %arg4[%add3A_64, %dma_start3A_65] : memref<160000x128xi32, #tpu.memory_space<hbm>> -> memref<40x128xi32, #tpu.memory_space<hbm>>
    %dma_start3A_67 = arith.constant 0 : i32
    %dma_start3A_68 = tpu.memref_slice %arg4[%add3A_64, %dma_start3A_67] : memref<160000x128xi32, #tpu.memory_space<hbm>> -> memref<40x128xi32, #tpu.memory_space<hbm>>
    tpu.enqueue_dma source(%arg11 : memref<40x128xi32, #tpu.memory_space<vmem>>) target(%dma_start3A_68 : memref<40x128xi32, #tpu.memory_space<hbm>>) target_semaphore(%arg17 : memref<!tpu.dma_semaphore, #tpu.memory_space<semaphore_mem>>)
    %mul3A_69 = arith.constant 5000 : i32
    %mul3A_70 = arith.muli %add3A, %mul3A_69 : i32
    %add3A_71 = arith.constant 4920 : i32
    %add3A_72 = arith.addi %mul3A_70, %add3A_71 : i32
    %dma_wait3A_73 = arith.constant 0 : i32
    %dma_wait3A_74 = tpu.memref_slice %arg4[%add3A_72, %dma_wait3A_73] : memref<160000x128xi32, #tpu.memory_space<hbm>> -> memref<40x128xi32, #tpu.memory_space<hbm>>
    %dma_wait3A_75 = arith.constant 0 : i32
    %dma_wait3A_76 = tpu.memref_slice %arg4[%add3A_72, %dma_wait3A_75] : memref<160000x128xi32, #tpu.memory_space<hbm>> -> memref<40x128xi32, #tpu.memory_space<hbm>>
    tpu.wait_dma2 semaphore(%arg18 : memref<!tpu.dma_semaphore, #tpu.memory_space<semaphore_mem>>) src(%arg12 : memref<40x128xi32, #tpu.memory_space<vmem>>) dst(%dma_wait3A_76 : memref<40x128xi32, #tpu.memory_space<hbm>>)
    %mul3A_77 = arith.constant 5000 : i32
    %mul3A_78 = arith.muli %add3A, %mul3A_77 : i32
    %add3A_79 = arith.constant 4960 : i32
    %add3A_80 = arith.addi %mul3A_78, %add3A_79 : i32
    %dma_wait3A_81 = arith.constant 0 : i32
    %dma_wait3A_82 = tpu.memref_slice %arg4[%add3A_80, %dma_wait3A_81] : memref<160000x128xi32, #tpu.memory_space<hbm>> -> memref<40x128xi32, #tpu.memory_space<hbm>>
    %dma_wait3A_83 = arith.constant 0 : i32
    %dma_wait3A_84 = tpu.memref_slice %arg4[%add3A_80, %dma_wait3A_83] : memref<160000x128xi32, #tpu.memory_space<hbm>> -> memref<40x128xi32, #tpu.memory_space<hbm>>
    tpu.wait_dma2 semaphore(%arg17 : memref<!tpu.dma_semaphore, #tpu.memory_space<semaphore_mem>>) src(%arg11 : memref<40x128xi32, #tpu.memory_space<vmem>>) dst(%dma_wait3A_84 : memref<40x128xi32, #tpu.memory_space<hbm>>)
    return
  }
}

module attributes {stable_mosaic.version = 14 : i64} {
  func.func @_ab_body(%arg0: i32, %arg1: memref<1000x128xf32, #tpu.memory_space<vmem>>, %arg2: memref<256x128xf32, #tpu.memory_space<vmem>>, %arg3: memref<1000x128xi32, #tpu.memory_space<vmem>>) attributes {dimension_semantics = [#tpu.dimension_semantics<arbitrary>], iteration_bounds = array<i64: 10>, scalar_prefetch = 0 : i64, scratch_operands = 0 : i64, tpu.core_type = #tpu.core_type<tc>, window_params = [{transform_indices = @transform_0, window_bounds = array<i64: 1000, 128>}, {transform_indices = @transform_1, window_bounds = array<i64: 256, 128>}, {transform_indices = @transform_2, window_bounds = array<i64: 1000, 128>}]} {
    %get3A = arith.constant 0 : index
    %get3A_0 = arith.constant 0 : index
    %get3A_1 = vector.load %arg1[%get3A, %get3A_0] : memref<1000x128xf32, #tpu.memory_space<vmem>>, vector<1000x128xf32>
    %get3A_2 = arith.constant 0 : index
    %get3A_3 = arith.constant 0 : index
    %get3A_4 = vector.load %arg2[%get3A_2, %get3A_3] : memref<256x128xf32, #tpu.memory_space<vmem>>, vector<256x128xf32>
    %slice3A = vector.extract_strided_slice %get3A_4 {offsets = [0, 0], sizes = [128, 128], strides = [1, 1]} : vector<256x128xf32> to vector<128x128xf32>
    %dot_general3A = arith.constant dense<0.000000e+00> : vector<1000x128xf32>
    %dot_general3A_5 = tpu.matmul %get3A_1, %slice3A, %dot_general3A {dimension_numbers = #tpu.dot_dimension_numbers<[1], [0], [0], [1], [0, 0, 1, 1], [], []>, transpose_lhs_hint = false} : vector<1000x128xf32>, vector<128x128xf32>, vector<1000x128xf32> -> vector<1000x128xf32>
    %slice3A_6 = vector.extract_strided_slice %get3A_4 {offsets = [128, 0], sizes = [128, 128], strides = [1, 1]} : vector<256x128xf32> to vector<128x128xf32>
    %dot_general3A_7 = arith.constant dense<0.000000e+00> : vector<1000x128xf32>
    %dot_general3A_8 = tpu.matmul %get3A_1, %slice3A_6, %dot_general3A_7 {dimension_numbers = #tpu.dot_dimension_numbers<[1], [0], [0], [1], [0, 0, 1, 1], [], []>, transpose_lhs_hint = false} : vector<1000x128xf32>, vector<128x128xf32>, vector<1000x128xf32> -> vector<1000x128xf32>
    %convert_element_type3A = arith.truncf %dot_general3A_5 : vector<1000x128xf32> to vector<1000x128xbf16>
    %bitcast_convert_type3A = tpu.bitcast %convert_element_type3A : vector<1000x128xbf16> -> vector<1000x128xi16>
    %convert_element_type3A_9 = arith.truncf %dot_general3A_8 : vector<1000x128xf32> to vector<1000x128xbf16>
    %bitcast_convert_type3A_10 = tpu.bitcast %convert_element_type3A_9 : vector<1000x128xbf16> -> vector<1000x128xi16>
    %convert_element_type3A_11 = arith.extui %bitcast_convert_type3A : vector<1000x128xi16> to vector<1000x128xi32>
    %shift_left3A = arith.constant 16 : i32
    %shift_left3A_12 = vector.broadcast %shift_left3A : i32 to vector<1000x128xi32>
    %shift_left3A_13 = arith.shli %convert_element_type3A_11, %shift_left3A_12 : vector<1000x128xi32>
    %convert_element_type3A_14 = arith.extui %bitcast_convert_type3A_10 : vector<1000x128xi16> to vector<1000x128xi32>
    %or3A = arith.ori %shift_left3A_13, %convert_element_type3A_14 : vector<1000x128xi32>
    %swap3A = arith.constant 0 : index
    %swap3A_15 = arith.constant 0 : index
    %swap3A_16 = vector.load %arg3[%swap3A, %swap3A_15] : memref<1000x128xi32, #tpu.memory_space<vmem>>, vector<1000x128xi32>
    tpu.vector_store %arg3[%swap3A, %swap3A_15], %or3A {strides = array<i32>} : memref<1000x128xi32, #tpu.memory_space<vmem>>, vector<1000x128xi32>,
    return
  }
  func.func @transform_0(%arg0: i32) -> (i32, i32) {
    %c0_i32 = arith.constant 0 : i32
    %c0_i32_0 = arith.constant 0 : i32
    return %arg0, %c0_i32 : i32, i32
  }
  func.func @transform_1(%arg0: i32) -> (i32, i32) {
    %c0_i32 = arith.constant 0 : i32
    %c0_i32_0 = arith.constant 0 : i32
    %c0_i32_1 = arith.constant 0 : i32
    return %c0_i32, %c0_i32_0 : i32, i32
  }
  func.func @transform_2(%arg0: i32) -> (i32, i32) {
    %c0_i32 = arith.constant 0 : i32
    %c0_i32_0 = arith.constant 0 : i32
    return %arg0, %c0_i32 : i32, i32
  }
}

module attributes {stable_mosaic.version = 14 : i64} {
  func.func @_mlp_body(%arg0: i32, %arg1: memref<2000x128xi32, #tpu.memory_space<vmem>>, %arg2: memref<2000x16xf32, #tpu.memory_space<vmem>>, %arg3: memref<16x128xf32, #tpu.memory_space<vmem>>, %arg4: memref<1x128xf32, #tpu.memory_space<vmem>>, %arg5: memref<128x1xf32, #tpu.memory_space<vmem>>, %arg6: memref<1x1xf32, #tpu.memory_space<smem>>, %arg7: memref<2000x128xf32, #tpu.memory_space<vmem>>) attributes {dimension_semantics = [#tpu.dimension_semantics<arbitrary>], iteration_bounds = array<i64: 80>, scalar_prefetch = 0 : i64, scratch_operands = 0 : i64, tpu.core_type = #tpu.core_type<tc>, window_params = [{transform_indices = @transform_0, window_bounds = array<i64: 2000, 128>}, {transform_indices = @transform_1, window_bounds = array<i64: 2000, 16>}, {pipeline_mode = #tpu.pipeline_mode<synchronous>, transform_indices = @transform_2, window_bounds = array<i64: 16, 128>}, {pipeline_mode = #tpu.pipeline_mode<synchronous>, transform_indices = @transform_3, window_bounds = array<i64: 1, 128>}, {pipeline_mode = #tpu.pipeline_mode<synchronous>, transform_indices = @transform_4, window_bounds = array<i64: 128, 1>}, {transform_indices = @transform_5, window_bounds = array<i64: 1, 1>}, {pipeline_mode = #tpu.pipeline_mode<synchronous>, transform_indices = @transform_6, window_bounds = array<i64: 2000, 128>}]} {
    %get3A = arith.constant 0 : index
    %get3A_0 = arith.constant 0 : index
    %get3A_1 = vector.load %arg2[%get3A, %get3A_0] : memref<2000x16xf32, #tpu.memory_space<vmem>>, vector<2000x16xf32>
    %get3A_2 = arith.constant 0 : index
    %get3A_3 = arith.constant 0 : index
    %get3A_4 = vector.load %arg3[%get3A_2, %get3A_3] : memref<16x128xf32, #tpu.memory_space<vmem>>, vector<16x128xf32>
    %dot_general3A = arith.constant dense<0.000000e+00> : vector<2000x128xf32>
    %dot_general3A_5 = tpu.matmul %get3A_1, %get3A_4, %dot_general3A {dimension_numbers = #tpu.dot_dimension_numbers<[1], [0], [0], [1], [0, 0, 1, 1], [], []>, transpose_lhs_hint = false} : vector<2000x16xf32>, vector<16x128xf32>, vector<2000x128xf32> -> vector<2000x128xf32>
    %get3A_6 = arith.constant 0 : index
    %get3A_7 = arith.constant 0 : index
    %get3A_8 = vector.load %arg1[%get3A_6, %get3A_7] : memref<2000x128xi32, #tpu.memory_space<vmem>>, vector<2000x128xi32>
    %and3A = arith.constant -65536 : i32
    %and3A_9 = vector.broadcast %and3A : i32 to vector<2000x128xi32>
    %and3A_10 = arith.andi %get3A_8, %and3A_9 : vector<2000x128xi32>
    %bitcast_convert_type3A = tpu.bitcast %and3A_10 : vector<2000x128xi32> -> vector<2000x128xf32>
    %shift_left3A = arith.constant 16 : i32
    %shift_left3A_11 = vector.broadcast %shift_left3A : i32 to vector<2000x128xi32>
    %shift_left3A_12 = arith.shli %get3A_8, %shift_left3A_11 : vector<2000x128xi32>
    %bitcast_convert_type3A_13 = tpu.bitcast %shift_left3A_12 : vector<2000x128xi32> -> vector<2000x128xf32>
    %add3A = arith.addf %bitcast_convert_type3A, %bitcast_convert_type3A_13 : vector<2000x128xf32>
    %add3A_14 = arith.addf %add3A, %dot_general3A_5 : vector<2000x128xf32>
    %get3A_15 = arith.constant 0 : index
    %get3A_16 = arith.constant 0 : index
    %get3A_17 = vector.load %arg4[%get3A_15, %get3A_16] : memref<1x128xf32, #tpu.memory_space<vmem>>, vector<1x128xf32>
    %add3A_18 = vector.broadcast %get3A_17 : vector<1x128xf32> to vector<2000x128xf32>
    %add3A_19 = arith.addf %add3A_14, %add3A_18 : vector<2000x128xf32>
    %max3A = arith.constant 0.000000e+00 : f32
    %max3A_20 = vector.broadcast %max3A : f32 to vector<2000x128xf32>
    %max3A_21 = arith.maximumf %add3A_19, %max3A_20 : vector<2000x128xf32>
    %get3A_22 = arith.constant 0 : index
    %get3A_23 = arith.constant 0 : index
    %get3A_24 = vector.load %arg5[%get3A_22, %get3A_23] : memref<128x1xf32, #tpu.memory_space<vmem>>, vector<128x1xf32>
    %dot_general3A_25 = arith.constant dense<0.000000e+00> : vector<2000x1xf32>
    %dot_general3A_26 = tpu.matmul %max3A_21, %get3A_24, %dot_general3A_25 {dimension_numbers = #tpu.dot_dimension_numbers<[1], [0], [0], [1], [0, 0, 1, 1], [], []>, transpose_lhs_hint = false} : vector<2000x128xf32>, vector<128x1xf32>, vector<2000x1xf32> -> vector<2000x1xf32>
    %get3A_27 = arith.constant 0 : index
    %get3A_28 = arith.constant 0 : index
    %get3A_29 = memref.load %arg6[%get3A_27, %get3A_28] : memref<1x1xf32, #tpu.memory_space<smem>>
    %add3A_30 = vector.broadcast %get3A_29 : f32 to vector<2000x1xf32>
    %add3A_31 = arith.addf %dot_general3A_26, %add3A_30 : vector<2000x1xf32>
    %iota3A = tpu.iota {dimensions = array<i32: 1>} : vector<2000x128xi32>
    %eq3A = vector.broadcast %arg0 : i32 to vector<2000x128xi32>
    %eq3A_32 = arith.cmpi eq, %iota3A, %eq3A : vector<2000x128xi32>
    %get3A_33 = arith.constant 0 : index
    %get3A_34 = arith.constant 0 : index
    %get3A_35 = vector.load %arg7[%get3A_33, %get3A_34] : memref<2000x128xf32, #tpu.memory_space<vmem>>, vector<2000x128xf32>
    %broadcast_in_dim3A = vector.shape_cast %add3A_31 : vector<2000x1xf32> to vector<2000x1xf32>
    %broadcast_in_dim3A_36 = vector.broadcast %broadcast_in_dim3A : vector<2000x1xf32> to vector<2000x128xf32>
    %select_n3A = arith.select %eq3A_32, %broadcast_in_dim3A_36, %get3A_35 : vector<2000x128xi1>, vector<2000x128xf32>
    %swap3A = arith.constant 0 : index
    %swap3A_37 = arith.constant 0 : index
    %swap3A_38 = vector.load %arg7[%swap3A, %swap3A_37] : memref<2000x128xf32, #tpu.memory_space<vmem>>, vector<2000x128xf32>
    tpu.vector_store %arg7[%swap3A, %swap3A_37], %select_n3A {strides = array<i32>} : memref<2000x128xf32, #tpu.memory_space<vmem>>, vector<2000x128xf32>,
    return
  }
  func.func @transform_0(%arg0: i32) -> (i32, i32) {
    %c0_i32 = arith.constant 0 : i32
    %c0_i32_0 = arith.constant 0 : i32
    return %arg0, %c0_i32 : i32, i32
  }
  func.func @transform_1(%arg0: i32) -> (i32, i32) {
    %c0_i32 = arith.constant 0 : i32
    %c0_i32_0 = arith.constant 0 : i32
    return %arg0, %c0_i32 : i32, i32
  }
  func.func @transform_2(%arg0: i32) -> (i32, i32) {
    %c0_i32 = arith.constant 0 : i32
    %c0_i32_0 = arith.constant 0 : i32
    %c0_i32_1 = arith.constant 0 : i32
    return %c0_i32, %c0_i32_0 : i32, i32
  }
  func.func @transform_3(%arg0: i32) -> (i32, i32) {
    %c0_i32 = arith.constant 0 : i32
    %c0_i32_0 = arith.constant 0 : i32
    %c0_i32_1 = arith.constant 0 : i32
    return %c0_i32, %c0_i32_0 : i32, i32
  }
  func.func @transform_4(%arg0: i32) -> (i32, i32) {
    %c0_i32 = arith.constant 0 : i32
    %c0_i32_0 = arith.constant 0 : i32
    %c0_i32_1 = arith.constant 0 : i32
    return %c0_i32, %c0_i32_0 : i32, i32
  }
  func.func @transform_5(%arg0: i32) -> (i32, i32) {
    %c0_i32 = arith.constant 0 : i32
    %c0_i32_0 = arith.constant 0 : i32
    %c0_i32_1 = arith.constant 0 : i32
    return %c0_i32, %c0_i32_0 : i32, i32
  }
  func.func @transform_6(%arg0: i32) -> (i32, i32) {
    %c0_i32 = arith.constant 0 : i32
    %c0_i32_0 = arith.constant 0 : i32
    %c0_i32_1 = arith.constant 0 : i32
    return %c0_i32, %c0_i32_0 : i32, i32
  }
}

</mosaic_0001>

<sc_bundles>
// kernel: kernel.10.cloned.1.call-start
scs
__scs_entry_jumppad:
0x0: {  	(pc) =	sbr.rel $0x88, $3  }
0x1: {  	(tag) =	ssettag $0x0;
	lr =	simm.s32 $0x1  }
0x2: {  	[smem:$0x3F9A] =	sst lr;
	_ =	strace $0xD0000000  }
0x3: {  	_ = 	snop  }
0x4: {  	_ = 	snop  }
0x5: {  	_ = 	snop  }
0x6: {  	_ = 	snop  }
0x7: {  	_ = 	snop  }
__scs_overlays_trampoline_lowered:
0x8: {  	[smem:$0x3FA9] =	sst s0  }
0x9: {  	[smem:$0x3FAA] =	sst s1  }
0xa: {  	[smem:$0x3FAB] =	sst s2  }
0xb: {  	[smem:$0x3FAC] =	sst s3  }
0xc: {  	[smem:$0x3FAD] =	sst s4  }
0xd: {  	[smem:$0x3FAE] =	sst s5  }
0xe: {  	[smem:$0x3FAF] =	sst s6  }
0xf: {  	[smem:$0x3FB0] =	sst s7  }
0x10: {  	[smem:$0x3FB1] =	sst s8  }
0x11: {  	[smem:$0x3FB2] =	sst s9;
	s0 =	simm.s32 @!p0 $0x0  }
0x12: {  	s1 =	sld [smem:$0x3F98];
	s0 =	simm.s32 @p0 $0x1  }
0x13: {  	[smem:$0x3FB3] =	sst s0;
	s0 =	simm.s32 @!p1 $0x0  }
0x14: {  	s2 =	sld [smem:$0x3F97];
	s0 =	simm.s32 @p1 $0x1  }
0x15: {  	[smem:$0x3FB4] =	sst s0;
	s0 =	simm.s32 @!p2 $0x0  }
0x16: {  	s3 =	sld [smem:$0x3FDB];
	s0 =	simm.s32 @p2 $0x1  }
0x17: {  	s4 =	simm.s32 $0x1BF5;
	[smem:$0x3FB6] =	sst s0  }
0x18: {  	s0 =	sld [smem:$0x3F99];
	_ =	swait.ge [sflag:s4], $0x0  }
0x19: {  	s7 =	sld [smem:$0x3F9A]  }
0x1a: {  	s8 =	sadd.s32 $0xFFFFE003, lr  }
0x1b: {  	s9 =	sadd.s32 $0xFFFFFEF7, lr;
	s5 =	simm.s32 $0xFFFFFFFF;
	p2 =	slt.u32 s8, $0xFFFFF086  }
0x1c: {  	p1 =	slt.u32 s9, $0xF7A;
	s5 =	simm.s32 @!p2 $0x0  }
0x1d: {  	s5 =	simm.s32 @p1 $0x1;
	p0 =	seq.s32 s7, s2  }
0x1e: {  	s7 =	smul.u32 @!p0 $0xF7A, s2;
	p2 =	seq.s32 @!p0 s5, $0x0  }
0x1f: {  	s9 =	smul.u32 $0xF7A, s1;
	s8 =	simm.s32 @!p0 $0x1BF5;
	p2 =	por !p2, p0  }
0x20: {  	[sflag:s8] =	ssyncset.s32 @!p0 $0xFFFFF086;
	s6 =	sadd.s32 @!p0 s3, s7;
	s7 =	simm.s32 @!p0 $0x108  }
0x21: {  	s3 =	sadd.s32 s3, s9;
	s6 =	sadd.s32 @!p0 $0x88, s6;
	s7 =	simm.s32 @p2 $0x1082  }
0x22: {  	[simem:s7], [sflag:s8] =	dma.local @!p0 [hbm:s6], $0xF7A  }
0x23: {  	s9 =	sor.u32 $0xD0000000, s2;
	s6 =	simm.s32 $0x108;
	_ =	swait.ge @!p0 [sflag:s8], $0x0  }
0x24: {  	s3 =	sadd.s32 $0x88, s3;
	s6 =	simm.s32 @!p1 $0x1082;
	[sflag:s4] =	ssyncset.s32 $0xFFFFF086  }
0x25: {  	[simem:s6], [sflag:s4] =	dma.local [hbm:s3], $0xF7A  }
0x26: {  	[smem:$0x3F9A] =	sst s1;
	(tag) =	ssettag s2;
	_ =	strace s9  }
0x27: {  	s1 =	sld [smem:$0x3FAA]  }
0x28: {  	s2 =	sld [smem:$0x3FAB]  }
0x29: {  	s4 =	sld [smem:$0x3FAD]  }
0x2a: {  	p0 =	seq.s32 s5, $0x0;
	s5 =	sld [smem:$0x3FAE]  }
0x2b: {  	s6 =	sld [smem:$0x3FAF]  }
0x2c: {  	s7 =	sld [smem:$0x3FB0]  }
0x2d: {  	s3 =	simm.s32 $0x108;
	s8 =	sld [smem:$0x3FB1]  }
0x2e: {  	s3 =	simm.s32 @!p0 $0x1082;
	s9 =	sld [smem:$0x3FB2]  }
0x2f: {  	lr =	sadd.s32 s0, s3;
	s0 =	sld [smem:$0x3FA9]  }
0x30: {  	s3 =	sld [smem:$0x3FAC]  }
0x31: {  	[smem:$0x3FB5] =	sst s10  }
0x32: {  	s10 =	sld [smem:$0x3FB3];
	_ =	sdelay $0x3  }
0x33: {  	p0 =	seq.s32 s10, $0x1;
	s10 =	sld [smem:$0x3FB5];
	_ =	sdelay $0x3  }
0x34: {  	[smem:$0x3FB5] =	sst s10  }
0x35: {  	s10 =	sld [smem:$0x3FB4];
	_ =	sdelay $0x3  }
0x36: {  	p1 =	seq.s32 s10, $0x1;
	s10 =	sld [smem:$0x3FB5];
	_ =	sdelay $0x3  }
0x37: {  	[smem:$0x3FB5] =	sst s10  }
0x38: {  	s10 =	sld [smem:$0x3FB6]  }
0x39: {  	_ = 	snop;
	(pc) =	sbr.ind lr, $3  }
0x3a: {  	_ = 	snop  }
0x3b: {  	_ = 	snop  }
0x3c: {  	p2 =	seq.s32 s10, $0x1;
	s10 =	sld [smem:$0x3FB5]  }
0x3d: {  	_ =	shalt  }
0x3e: {  	_ =	shalt  }
0x3f: {  	_ =	shalt  }
0x40: {  	_ =	shalt  }
0x41: {  	_ =	shalt  }
0x42: {  	_ =	shalt  }
0x43: {  	_ =	shalt  }
0x44: {  	_ =	shalt  }
0x45: {  	_ =	shalt  }
0x46: {  	_ =	shalt  }
0x47: {  	_ =	shalt  }
0x48: {  	_ =	shalt  }
0x49: {  	_ =	shalt  }
0x4a: {  	_ =	shalt  }
0x4b: {  	_ =	shalt  }
0x4c: {  	_ =	shalt  }
0x4d: {  	_ =	shalt  }
0x4e: {  	_ =	shalt  }
0x4f: {  	_ =	shalt  }
0x50: {  	_ =	shalt  }
0x51: {  	_ =	shalt  }
0x52: {  	_ =	shalt  }
0x53: {  	_ =	shalt  }
0x54: {  	_ =	shalt  }
0x55: {  	_ =	shalt  }
0x56: {  	_ =	shalt  }
0x57: {  	_ =	shalt  }
0x58: {  	_ =	shalt  }
0x59: {  	_ =	shalt  }
0x5a: {  	_ =	shalt  }
0x5b: {  	_ =	shalt  }
0x5c: {  	_ =	shalt  }
0x5d: {  	_ =	shalt  }
0x5e: {  	_ =	shalt  }
0x5f: {  	_ =	shalt  }
0x60: {  	_ =	shalt  }
0x61: {  	_ =	shalt  }
0x62: {  	_ =	shalt  }
0x63: {  	_ =	shalt  }
0x64: {  	_ =	shalt  }
0x65: {  	_ =	shalt  }
0x66: {  	_ =	shalt  }
0x67: {  	_ =	shalt  }
0x68: {  	_ =	shalt  }
0x69: {  	_ =	shalt  }
0x6a: {  	_ =	shalt  }
0x6b: {  	_ =	shalt  }
0x6c: {  	_ =	shalt  }
0x6d: {  	_ =	shalt  }
0x6e: {  	_ =	shalt  }
0x6f: {  	_ =	shalt  }
0x70: {  	_ =	shalt  }
0x71: {  	_ =	shalt  }
0x72: {  	_ =	shalt  }
0x73: {  	_ =	shalt  }
0x74: {  	_ =	shalt  }
0x75: {  	_ =	shalt  }
0x76: {  	_ =	shalt  }
0x77: {  	_ =	shalt  }
0x78: {  	_ =	shalt  }
0x79: {  	_ =	shalt  }
0x7a: {  	_ =	shalt  }
0x7b: {  	_ =	shalt  }
0x7c: {  	_ =	shalt  }
0x7d: {  	_ =	shalt  }
0x7e: {  	_ =	shalt  }
0x7f: {  	_ =	shalt  }
0x80: {  	_ =	shalt  }
0x81: {  	_ =	shalt  }
0x82: {  	_ =	shalt  }
0x83: {  	_ =	shalt  }
0x84: {  	_ =	shalt  }
0x85: {  	_ =	shalt  }
0x86: {  	_ =	shalt  }
0x87: {  	_ =	shalt  }
.Lfunc_end0:
.L_simem_size_0:
called_computation.1_lowered:
.L_overlay_start_0:
0x88: {  	s2 =	sld [smem:$0x3FD9]  }
0x89: {  	s3 =	sld [smem:$0x3FFE];
	_ =	sdelay $0x1  }
0x8a: {  	s1 =	srdreg.scid  }
0x8b: {  	s0 =	sand.u32 $0x1, s1  }
0x8c: {  	s17 =	sshll.u32 s0, $0xA;
	s2 =	sadd.s32 s3, s2  }
0x8d: {  	s2 =	sadd.s32 s2, s17  }
0x8e: {  	[smem:$0x3FC1] =	sst s2  }
0x8f: {  	_ = 	snop  }
0x90: {  	(tm) =	ssettm $0x1  }
0x91: {  	s18 =	sld [smem:$0x3FFB];
	_ =	sdelay $0x3  }
0x92: {  	_ =	strace s18  }
0x93: {  	s2 =	sld [smem:$0x3FFC];
	_ =	sdelay $0x3  }
0x94: {  	_ =	strace s2  }
0x95: {  	s2 =	sld [smem:$0x3FFD];
	_ =	sdelay $0x3  }
0x96: {  	_ =	strace s2  }
0x97: {  	_ =	strace $0x8FFFFFFF  }
0x98: {  	s19 =	sld [smem:$0x3FDB];
	_ =	sdelay $0x1  }
0x99: {  	s20 =	simm.s32 $_scs_section_size  }
0x9a: {  	s4 =	simm.s32 $_size__tile_overlayer_lowered;
	s5 =	simm.s32 $_tile_overlayer_lowered  }
0x9b: {  	s6 =	simm.s32 $0x1BFF;
	s21 =	sshll.u32 s5, $0x1;
	s3 =	sadd.s32 s20, s19  }
0x9c: {  	s22 =	simm.s32 $0x0;
	s4 =	sshll.u32 s4, $0x1;
	s5 =	sadd.s32 s21, s3  }
0x9d: {  	[timem:s22], [sflag:s6] =	dma.local [hbm:s5], s4  }
0x9e: {  	_ =	swait.ge [sflag:s6], s4  }
0x9f: {  	s4 =	ssub.s32 $0x0, s4;
	[sflag:s6] =	ssyncset.done $0x0  }
0xa0: {  	[sflag:s6] =	ssyncadd.s32 s4;
	_ =	sdelay $0x1  }
0xa1: {  	s23 =	simm.s32 $0x1B8B  }
0xa2: {  	_ =	swait.ge [sflag:s23], $0x1  }
0xa3: {  	[sflag:s23] =	ssyncset.done $0x0  }
0xa4: {  	[sflag:s23] =	ssyncadd.s32 $0xFFFFFFFF  }
0xa5: {  	s4 =	sld [smem:$0x0]  }
0xa6: {  	s5 =	sand.u32 $0xFFFFFFFE, s1  }
0xa7: {  	p0 =	sne.s32 s1, s5  }
0xa8: {  	s5 =	sshll.u32 @p0 s5, $0xE  }
0xa9: {  	s5 =	sadd.s32 @p0 $0x11B8D, s5;
	s6 =	sshll.u32 @p0 s4, $0x11  }
0xaa: {  	s5 =	sor.u32 @p0 s6, s5  }
0xab: {  	[sflag:s5] =	ssyncadd.remote.s32 @p0 $0x1;
	_ =	sdelay $0x1  }
0xac: {  	s5 =	simm.s32 @p0 $0x1B8D  }
0xad: {  	_ =	swait.eq @p0 [sflag:s5], $0x1  }
0xae: {  	[sflag:s5] =	ssyncadd.s32 @p0 $0xFFFFFFFF  }
0xaf: {  	s6 =	sshll.u32 @!p0 s1, $0xE  }
0xb0: {  	s6 =	sor.u32 @!p0 $0x4000, s6;
	s5 =	simm.s32 @!p0 $0x1B8D  }
0xb1: {  	s4 =	sshll.u32 @!p0 s4, $0x11;
	s6 =	sadd.s32 @!p0 $0x11B8D, s6;
	_ =	swait.eq @!p0 [sflag:s5], $0x1  }
0xb2: {  	s4 =	sor.u32 @!p0 s4, s6;
	[sflag:s5] =	ssyncadd.s32 @!p0 $0xFFFFFFFF  }
0xb3: {  	s25 =	simm.s32 $0x1B8E;
	s24 =	sld [smem:$0x3FFE];
	[sflag:s4] =	ssyncadd.remote.s32 @!p0 $0x1  }
0xb4: {  	s26 =	simm.s32 $execute0_lowered;
	[smem:$0x3FD2] =	sst s25  }
0xb5: {  	s5 =	sshll.u32 s26, $0x1;
	_ =	strace $0x80000049;
	[dreg:$0x1] =	wrdreg $0xFFFFFFFF  }
0xb6: {  	s28 =	simm.s32 $_size_execute0_lowered;
	s3 =	sadd.s32 s3, s5;
	[dreg:$0x0] =	wrdreg $0x0  }
0xb7: {  	s5 =	sshll.u32 s28, $0x1;
	[dreg:$0x2] =	wrdreg s3  }
0xb8: {  	[dreg:$0x3] =	wrdreg s5  }
0xb9: {  	[dreg:$0x4] =	wrdreg $0xC0  }
0xba: {  	_ =	task [dreg:s22], $0x5FFFF  }
0xbb: {  	[dreg:$0x1] =	wrdreg $0xFFFFFFFF  }
0xbc: {  	[dreg:$0x0] =	wrdreg $0x60  }
0xbd: {  	[dreg:$0x2] =	wrdreg s24  }
0xbe: {  	[dreg:$0x3] =	wrdreg $0xA  }
0xbf: {  	_ =	task.clear_ibuf [dreg:s22], $0x4FFFF;
	_ =	strace $0x90000049  }
0xc0: {  	s29 =	simm.s32 $0xA;
	_ =	strace $0x8000004B  }
0xc1: {  	_ =	swait.ge [sflag:s29], $0x1  }
0xc2: {  	[sflag:s29] =	ssyncadd.s32 $0xFFFFFFFF  }
0xc3: {  	_ =	strace $0x9000004B  }
0xc4: {  	_ =	sfence  }
0xc5: {  	s30 =	sld [smem:$0x0];
	_ =	sdelay $0x2  }
0xc6: {  	s31 =	sshll.u32 s1, $0xD;
	s1 =	sshrl.u32 s1, $0x2  }
0xc7: {  	s4 =	sand.u32 $0x4000, s31;
	s1 =	sadd.s32 s1, s30  }
0xc8: {  	s0 =	sor.u32 s4, s0;
	s1 =	sshll.u32 s1, $0x11  }
0xc9: {  	s0 =	sor.u32 s1, s0  }
0xca: {  	s0 =	sadd.s32 $0x8F2B, s0  }
0xcb: {  	[sflag:s0] =	ssyncadd.remote.s32 $0x1  }
0xcc: {  	_ =	sfence.sel $0xFFFF  }
0xcd: {  	[dreg:$0x0] =	wrdreg $0xFFFFFFFF;
	(pc) =	sbr.abs _section_cstart, $3  }
0xce: {  	[dreg:$0x1] =	wrdreg $0xFFFFFFFF  }
0xcf: {  	_ =	task.clear_ibuf [dreg:s22], $0x2FFFF;
	_ =	strace $0x9FFFFFFF  }
0xd0: {  	(tm) =	ssettm $0x7FFFFFFF  }
0xd1: {  	_ =	shalt  }
tec
execute0_lowered:
.L_overlay_start_1:
0x0: {  	(tag) =	ssettag $0x1  }
0x1: {  	s0 =	rddreg [dreg:$0x0];
	s2 =	simm.s32 $0x0  }
0x2: {  	s1 =	srdreg.scid;
	s3 =	stileid.u32;
	s11 =	simm.s32 $0x7  }
0x3: {  	s12 =	simm.s32 $0x4000;
	s13 =	simm.s32 $0x28;
	s14 =	simm.s32 $0x8000  }
0x4: {  	s15 =	simm.s32 $0xA800;
	s17 =	simm.s32 $0x9400;
	s19 =	simm.s32 $0xBC00  }
0x5: {  	s20 =	simm.s32 $0x1;
	s21 =	simm.s32 $0x3;
	s22 =	simm.s32 $0xD000  }
0x6: {  	s23 =	simm.s32 $0x2;
	s24 =	simm.s32 $0x4;
	s25 =	simm.s32 $0xE400  }
0x7: {  	s26 =	simm.s32 $0x5;
	s28 =	simm.s32 $0x6;
	s29 =	simm.s32 $0x0  }
0x8: {  	[smem:$0x7FF] =	sst s2;
	s1 =	sand.u32 $0x1, s1;
	s4 =	sshll.u32 s3, $0x1  }
0x9: {  	s3 =	sadd.s32 $0x41C00, s0;
	_ =	strace $0x8000004A;
	s5 =	sor.u32 s1, s4  }
0xa: {  	s1 =	ssub.s32 $0x2, s1;
	s4 =	sshll.u32 s5, $0xB;
	s6 =	smul.u32 $0x9C400, s5  }
0xb: {  	s30 =	sshrl.u32 s1, $0x1;
	s5 =	smul.u32 $0x1388, s5;
	s7 =	sadd.s32 s4, s0  }
0xc: {  	s4 =	sadd.s32 $0x2D9E00, s0;
	s0 =	ssub.s32 s1, s30;
	s31 =	sshrl.u32 s6, $0x3  }
0xd: {  	s6 =	sadd.s32 $0x21C00, s7;
	s7 =	sadd.s32 $0x31C00, s7;
	s1 =	sadd.s32 s4, s31  }
0xe: {  	s8 =	sadd.s32 $0x28, s5;
	s10 =	smax.u32 s0, $0x1;
	s9 =	sadd.s32 $0x13600, s1  }
.LBB2_1:
0xf: {  	[tilespmem:s2], [sflag:$0x7] =	stream.linear.gather [hbm4b:s6+s2], $0x3E80, $0x38;
	[tilespmem:$0xF800] =	vst v63  }
0x10: {  	_ =	swait.ge [sflag:s11], $0x3E80  }
0x11: {  	[sflag:s11] =	ssyncset.done $0x0  }
0x12: {  	[sflag:s11] =	ssyncadd.s32 $0xFFFFC180  }
0x13: {  	[tilespmem:s12], [sflag:$0x7] =	stream.linear.gather [hbm4b:s7+s2], $0x3E80, $0x38;
	[tilespmem:$0xF800] =	vst v63  }
0x14: {  	_ =	swait.ge [sflag:s11], $0x3E80  }
0x15: {  	[sflag:s11] =	ssyncset.done $0x0  }
0x16: {  	[sflag:s11] =	ssyncadd.s32 $0xFFFFC180  }
0x17: {  	[tilespmem:s14], [sflag:$0x1] =	stream.indirect.gather [hbm4b:s3+s13], $0x80, s2, s13, $0xb8;
	[tilespmem:$0xF800] =	vst v63  }
0x18: {  	_ = 	snop  }
0x19: {  	[tilespmem:s15], [sflag:$0x3] =	stream.indirect.gather [hbm4b:s3+s13], $0x80, s12, s13, $0xb8;
	[tilespmem:$0xF800] =	vst v63  }
0x1a: {  	s0 =	simm.s32 $0x80  }
0x1b: {  	[tilespmem:s17], [sflag:$0x2] =	stream.indirect.gather [hbm4b:s3+s13], $0x80, s0, s13, $0xb8;
	[tilespmem:$0xF800] =	vst v63  }
0x1c: {  	s31 =	simm.s32 $0x4080;
	s30 =	simm.s32 $0x0  }
0x1d: {  	[tilespmem:s19], [sflag:$0x4] =	stream.indirect.gather [hbm4b:s3+s13], $0x80, s31, s13, $0xb8;
	[tilespmem:$0xF800] =	vst v63  }
.LBB2_2:
0x1e: {  	p0 =	seq.s32 s30, $0x0  }
0x1f: {  	s0 =	simm.s32 @!p0 $0x5  }
0x20: {  	_ =	swait.ge @!p0 [sflag:s0], $0x1400  }
0x21: {  	[sflag:s0] =	ssyncset.done @!p0 $0x0  }
0x22: {  	[sflag:s0] =	ssyncadd.s32 @!p0 $0xFFFFEC00  }
0x23: {  	_ =	swait.ge [sflag:s20], $0x1400  }
0x24: {  	[sflag:s20] =	ssyncset.done $0x0  }
0x25: {  	[sflag:s20] =	ssyncadd.s32 $0xFFFFEC00  }
0x26: {  	_ =	swait.ge [sflag:s21], $0x1400  }
0x27: {  	[sflag:s21] =	ssyncset.done $0x0  }
0x28: {  	s0 =	simm.s32 $0x0;
	[sflag:s21] =	ssyncadd.s32 $0xFFFFEC00  }
0x29: {  	v0 =	vld [tilespmem:s0+$0x8070]  }
0x2a: {  	v1 =	vld [tilespmem:s0+$0xA870]  }
0x2b: {  	v2 =	vld [tilespmem:s0+$0x8000]  }
0x2c: {  	v3 =	vld [tilespmem:s0+$0xA800]  }
0x2d: {  	v4 =	vld [tilespmem:s0+$0x8010]  }
0x2e: {  	v5 =	vld [tilespmem:s0+$0xA810]  }
0x2f: {  	v6 =	vld [tilespmem:s0+$0x8020]  }
0x30: {  	v7 =	vld [tilespmem:s0+$0xA820];
	v0 =	vand.u32 $0xFFFF0000, v0;
	v1 =	vand.u32 $0xFFFF, v1  }
0x31: {  	v8 =	vld [tilespmem:s0+$0x8030];
	v0 =	vor.u32 v0, v1;
	v1 =	vand.u32 $0xFFFF0000, v2;
	v2 =	vand.u32 $0xFFFF, v3  }
0x32: {  	v9 =	vld [tilespmem:s0+$0xA830];
	[tilespmem:s0+$0xD070] =	vst v0;
	v0 =	vor.u32 v1, v2  }
0x33: {  	v10 =	vld [tilespmem:s0+$0xA840];
	v1 =	vand.u32 $0xFFFF, v5;
	[tilespmem:s0+$0xD000] =	vst v0;
	v0 =	vand.u32 $0xFFFF0000, v4  }
0x34: {  	v5 =	vld [tilespmem:s0+$0x8040];
	v0 =	vor.u32 v0, v1  }
0x35: {  	v2 =	vld [tilespmem:s0+$0x8050];
	v1 =	vand.u32 $0xFFFF, v7;
	[tilespmem:s0+$0xD010] =	vst v0;
	v0 =	vand.u32 $0xFFFF0000, v6  }
0x36: {  	v3 =	vld [tilespmem:s0+$0xA850];
	v0 =	vor.u32 v0, v1  }
0x37: {  	v6 =	vand.u32 $0xFFFF, v9;
	v1 =	vld [tilespmem:s0+$0x8060];
	[tilespmem:s0+$0xD020] =	vst v0;
	v0 =	vand.u32 $0xFFFF0000, v8  }
0x38: {  	s1 =	simm.s32 $0x80;
	v4 =	vld [tilespmem:s0+$0xA860];
	v6 =	vor.u32 v0, v6  }
0x39: {  	s31 =	sshll.u32 s30, $0x8;
	s16 =	simm.s32 $0x400;
	v5 =	vand.u32 $0xFFFF0000, v5;
	v0 =	vld [tilespmem:s1+$0x8070];
	[tilespmem:s0+$0xD030] =	vst v6;
	v6 =	vand.u32 $0xFFFF, v10  }
.LBB2_3:
0x3a: {  	p1 =	sne.s32 s16, $0x4E00;
	v7 =	vld [tilespmem:s1+$0xA870];
	v5 =	vor.u32 v5, v6;
	v2 =	vand.u32 $0xFFFF0000, v2  }
0x3b: {  	v6 =	vld [tilespmem:s1+$0x8000];
	[tilespmem:s0+$0xD040] =	vst v5;
	v3 =	vand.u32 $0xFFFF, v3  }
0x3c: {  	v5 =	vld [tilespmem:s1+$0xA800];
	v2 =	vor.u32 v2, v3;
	v1 =	vand.u32 $0xFFFF0000, v1  }
0x3d: {  	v3 =	vld [tilespmem:s1+$0x8010];
	[tilespmem:s0+$0xD050] =	vst v2;
	v2 =	vand.u32 $0xFFFF, v4  }
0x3e: {  	v4 =	vld [tilespmem:s1+$0xA810];
	v1 =	vor.u32 v1, v2  }
0x3f: {  	v0 =	vand.u32 $0xFFFF0000, v0;
	v2 =	vld [tilespmem:s1+$0x8020];
	v7 =	vand.u32 $0xFFFF, v7;
	[tilespmem:s0+$0xD060] =	vst v1;
	s0 =	smov.u32 s1  }
0x40: {  	v1 =	vand.u32 $0xFFFF0000, v6;
	v6 =	vld [tilespmem:s0+$0xA820];
	v0 =	vor.u32 v0, v7  }
0x41: {  	v5 =	vand.u32 $0xFFFF, v5;
	v7 =	vld [tilespmem:s0+$0x8030];
	[tilespmem:s0+$0xD070] =	vst v0  }
0x42: {  	v0 =	vor.u32 v1, v5;
	v1 =	vand.u32 $0xFFFF0000, v3;
	v5 =	vld [tilespmem:s0+$0xA830]  }
0x43: {  	[tilespmem:s0+$0xD000] =	vst v0;
	v0 =	vand.u32 $0xFFFF, v4;
	v4 =	vld [tilespmem:s0+$0x8040]  }
0x44: {  	v0 =	vor.u32 v1, v0;
	v1 =	vand.u32 $0xFFFF0000, v2;
	v8 =	vld [tilespmem:s0+$0xA840]  }
.Ltmp0:
0x45: {  	[tilespmem:s0+$0xD010] =	vst v0;
	v0 =	vand.u32 $0xFFFF, v6;
	v2 =	vld [tilespmem:s0+$0x8050];
	(pc) =	sbr.rel @p1 .LBB2_3-.Ltmp0, $4  }
0x46: {  	v0 =	vor.u32 v1, v0;
	v6 =	vand.u32 $0xFFFF0000, v7;
	v3 =	vld [tilespmem:s0+$0xA850]  }
0x47: {  	[tilespmem:s0+$0xD020] =	vst v0;
	v0 =	vand.u32 $0xFFFF, v5;
	v1 =	vld [tilespmem:s0+$0x8060]  }
0x48: {  	s1 =	sshra.s32 s16, $0x2;
	v6 =	vor.u32 v6, v0;
	v5 =	vand.u32 $0xFFFF0000, v4;
	v4 =	vld [tilespmem:s0+$0xA860]  }
0x49: {  	s16 =	sadd.s32 $0x200, s16;
	v0 =	vld [tilespmem:s1+$0x8070];
	[tilespmem:s0+$0xD030] =	vst v6;
	v6 =	vand.u32 $0xFFFF, v8  }
0x4a: {  	v7 =	vld [tilespmem:s1+$0xA870];
	v5 =	vor.u32 v5, v6  }
0x4b: {  	v6 =	vld [tilespmem:s1+$0x8000];
	v2 =	vand.u32 $0xFFFF0000, v2;
	[tilespmem:s0+$0xD040] =	vst v5;
	v3 =	vand.u32 $0xFFFF, v3  }
0x4c: {  	v5 =	vld [tilespmem:s1+$0xA800];
	v2 =	vor.u32 v2, v3  }
0x4d: {  	v3 =	vld [tilespmem:s1+$0x8010];
	v1 =	vand.u32 $0xFFFF0000, v1;
	[tilespmem:s0+$0xD050] =	vst v2;
	v2 =	vand.u32 $0xFFFF, v4  }
0x4e: {  	v4 =	vld [tilespmem:s1+$0xA810];
	v1 =	vor.u32 v1, v2  }
0x4f: {  	v2 =	vld [tilespmem:s1+$0x8020];
	[tilespmem:s0+$0xD060] =	vst v1  }
0x50: {  	v0 =	vand.u32 $0xFFFF0000, v0;
	v1 =	vand.u32 $0xFFFF, v7;
	v7 =	vld [tilespmem:s1+$0xA820]  }
0x51: {  	v6 =	vand.u32 $0xFFFF0000, v6;
	v0 =	vor.u32 v0, v1;
	v1 =	vld [tilespmem:s1+$0x8030];
	v5 =	vand.u32 $0xFFFF, v5  }
0x52: {  	[tilespmem:s1+$0xD070] =	vst v0;
	v0 =	vor.u32 v6, v5;
	v5 =	vld [tilespmem:s1+$0xA830]  }
0x53: {  	v6 =	vld [tilespmem:s1+$0x8050]  }
0x54: {  	[tilespmem:s1+$0xD000] =	vst v0;
	v0 =	vand.u32 $0xFFFF0000, v3;
	v3 =	vand.u32 $0xFFFF, v4;
	v4 =	vld [tilespmem:s1+$0x8040]  }
0x55: {  	v0 =	vor.u32 v0, v3;
	v3 =	vld [tilespmem:s1+$0xA840]  }
0x56: {  	[tilespmem:s1+$0xD010] =	vst v0;
	v0 =	vand.u32 $0xFFFF0000, v2;
	v2 =	vand.u32 $0xFFFF, v7;
	v7 =	vld [tilespmem:s1+$0xA860]  }
0x57: {  	v0 =	vor.u32 v0, v2;
	v2 =	vld [tilespmem:s1+$0xA850]  }
0x58: {  	[tilespmem:s1+$0xD020] =	vst v0;
	v0 =	vld [tilespmem:s1+$0x8060];
	_ =	sdelay $0x1  }
0x59: {  	v1 =	vand.u32 $0xFFFF0000, v1;
	v5 =	vand.u32 $0xFFFF, v5  }
0x5a: {  	s0 =	smul.u32 $0x50, s30;
	v1 =	vor.u32 v1, v5;
	v4 =	vand.u32 $0xFFFF0000, v4;
	v3 =	vand.u32 $0xFFFF, v3  }
0x5b: {  	[tilespmem:s1+$0xD030] =	vst v1;
	v1 =	vor.u32 v4, v3;
	v3 =	vand.u32 $0xFFFF0000, v6;
	v2 =	vand.u32 $0xFFFF, v2  }
0x5c: {  	s16 =	sadd.s32 s5, s0;
	[tilespmem:s1+$0xD040] =	vst v1;
	v1 =	vor.u32 v3, v2;
	v0 =	vand.u32 $0xFFFF0000, v0;
	v2 =	vand.u32 $0xFFFF, v7  }
0x5d: {  	s16 =	sshll.u32 s16, $0x4;
	[tilespmem:s1+$0xD050] =	vst v1;
	v0 =	vor.u32 v0, v2  }
0x5e: {  	s18 =	sadd.s32 s4, s16;
	[tilespmem:s1+$0xD060] =	vst v0  }
0x5f: {  	[hbm4b:s18+s2] =	stream.linear.scatter [tilespmem:s22], [sflag:$0x5], $0x1400, $0x38;
	[tilespmem:$0xF800] =	vst v63  }
0x60: {  	s16 =	sadd.s32 $0x100, s31  }
0x61: {  	[tilespmem:s14], [sflag:$0x1] =	stream.indirect.gather [hbm4b:s3+s13], $0x80, s16, s13, $0xb8;
	[tilespmem:$0xF800] =	vst v63  }
0x62: {  	s1 =	simm.s32 @!p0 $0x6;
	s18 =	sadd.s32 $0x4100, s31  }
0x63: {  	[tilespmem:s15], [sflag:$0x3] =	stream.indirect.gather [hbm4b:s3+s13], $0x80, s18, s13, $0xb8;
	[tilespmem:$0xF800] =	vst v63  }
0x64: {  	_ =	swait.ge @!p0 [sflag:s1], $0x1400  }
0x65: {  	[sflag:s1] =	ssyncset.done @!p0 $0x0  }
0x66: {  	[sflag:s1] =	ssyncadd.s32 @!p0 $0xFFFFEC00  }
0x67: {  	_ =	swait.ge [sflag:s23], $0x1400  }
0x68: {  	[sflag:s23] =	ssyncset.done $0x0  }
0x69: {  	[sflag:s23] =	ssyncadd.s32 $0xFFFFEC00  }
0x6a: {  	_ =	swait.ge [sflag:s24], $0x1400  }
0x6b: {  	[sflag:s24] =	ssyncset.done $0x0  }
0x6c: {  	s1 =	simm.s32 $0x0;
	[sflag:s24] =	ssyncadd.s32 $0xFFFFEC00  }
0x6d: {  	v0 =	vld [tilespmem:s1+$0x9470]  }
0x6e: {  	v1 =	vld [tilespmem:s1+$0xBC70]  }
0x6f: {  	v2 =	vld [tilespmem:s1+$0x9400]  }
0x70: {  	v3 =	vld [tilespmem:s1+$0xBC00]  }
0x71: {  	v4 =	vld [tilespmem:s1+$0x9410]  }
0x72: {  	v5 =	vld [tilespmem:s1+$0xBC10]  }
0x73: {  	v6 =	vld [tilespmem:s1+$0x9420]  }
0x74: {  	v7 =	vld [tilespmem:s1+$0xBC20];
	v0 =	vand.u32 $0xFFFF0000, v0;
	v1 =	vand.u32 $0xFFFF, v1  }
0x75: {  	v8 =	vld [tilespmem:s1+$0x9430];
	v0 =	vor.u32 v0, v1;
	v1 =	vand.u32 $0xFFFF0000, v2;
	v2 =	vand.u32 $0xFFFF, v3  }
0x76: {  	v9 =	vld [tilespmem:s1+$0xBC30];
	[tilespmem:s1+$0xE470] =	vst v0;
	v0 =	vor.u32 v1, v2  }
0x77: {  	v10 =	vld [tilespmem:s1+$0xBC40];
	v1 =	vand.u32 $0xFFFF, v5;
	[tilespmem:s1+$0xE400] =	vst v0;
	v0 =	vand.u32 $0xFFFF0000, v4  }
0x78: {  	v5 =	vld [tilespmem:s1+$0x9440];
	v0 =	vor.u32 v0, v1  }
0x79: {  	v2 =	vld [tilespmem:s1+$0x9450];
	v1 =	vand.u32 $0xFFFF, v7;
	[tilespmem:s1+$0xE410] =	vst v0;
	v0 =	vand.u32 $0xFFFF0000, v6  }
0x7a: {  	v3 =	vld [tilespmem:s1+$0xBC50];
	v0 =	vor.u32 v0, v1  }
0x7b: {  	v6 =	vand.u32 $0xFFFF, v9;
	v1 =	vld [tilespmem:s1+$0x9460];
	[tilespmem:s1+$0xE420] =	vst v0;
	v0 =	vand.u32 $0xFFFF0000, v8  }
0x7c: {  	s16 =	simm.s32 $0x80;
	v4 =	vld [tilespmem:s1+$0xBC60];
	v6 =	vor.u32 v0, v6  }
0x7d: {  	s18 =	simm.s32 $0x400;
	v5 =	vand.u32 $0xFFFF0000, v5;
	v0 =	vld [tilespmem:s16+$0x9470];
	[tilespmem:s1+$0xE430] =	vst v6;
	v6 =	vand.u32 $0xFFFF, v10  }
.LBB2_5:
0x7e: {  	p0 =	sne.s32 s18, $0x4E00;
	v7 =	vld [tilespmem:s16+$0xBC70];
	v5 =	vor.u32 v5, v6;
	v2 =	vand.u32 $0xFFFF0000, v2  }
0x7f: {  	v6 =	vld [tilespmem:s16+$0x9400];
	[tilespmem:s1+$0xE440] =	vst v5;
	v3 =	vand.u32 $0xFFFF, v3  }
0x80: {  	v5 =	vld [tilespmem:s16+$0xBC00];
	v2 =	vor.u32 v2, v3;
	v1 =	vand.u32 $0xFFFF0000, v1  }
0x81: {  	v3 =	vld [tilespmem:s16+$0x9410];
	[tilespmem:s1+$0xE450] =	vst v2;
	v2 =	vand.u32 $0xFFFF, v4  }
0x82: {  	v4 =	vld [tilespmem:s16+$0xBC10];
	v1 =	vor.u32 v1, v2  }
0x83: {  	v0 =	vand.u32 $0xFFFF0000, v0;
	v2 =	vld [tilespmem:s16+$0x9420];
	v7 =	vand.u32 $0xFFFF, v7;
	[tilespmem:s1+$0xE460] =	vst v1;
	s1 =	smov.u32 s16  }
0x84: {  	v1 =	vand.u32 $0xFFFF0000, v6;
	v6 =	vld [tilespmem:s1+$0xBC20];
	v0 =	vor.u32 v0, v7  }
0x85: {  	v5 =	vand.u32 $0xFFFF, v5;
	v7 =	vld [tilespmem:s1+$0x9430];
	[tilespmem:s1+$0xE470] =	vst v0  }
0x86: {  	v0 =	vor.u32 v1, v5;
	v1 =	vand.u32 $0xFFFF0000, v3;
	v5 =	vld [tilespmem:s1+$0xBC30]  }
0x87: {  	[tilespmem:s1+$0xE400] =	vst v0;
	v0 =	vand.u32 $0xFFFF, v4;
	v4 =	vld [tilespmem:s1+$0x9440]  }
0x88: {  	v0 =	vor.u32 v1, v0;
	v1 =	vand.u32 $0xFFFF0000, v2;
	v8 =	vld [tilespmem:s1+$0xBC40]  }
.Ltmp1:
0x89: {  	[tilespmem:s1+$0xE410] =	vst v0;
	v0 =	vand.u32 $0xFFFF, v6;
	v2 =	vld [tilespmem:s1+$0x9450];
	(pc) =	sbr.rel @p0 .LBB2_5-.Ltmp1, $4  }
0x8a: {  	v0 =	vor.u32 v1, v0;
	v6 =	vand.u32 $0xFFFF0000, v7;
	v3 =	vld [tilespmem:s1+$0xBC50]  }
0x8b: {  	[tilespmem:s1+$0xE420] =	vst v0;
	v0 =	vand.u32 $0xFFFF, v5;
	v1 =	vld [tilespmem:s1+$0x9460]  }
0x8c: {  	s16 =	sshra.s32 s18, $0x2;
	v6 =	vor.u32 v6, v0;
	v5 =	vand.u32 $0xFFFF0000, v4;
	v4 =	vld [tilespmem:s1+$0xBC60]  }
0x8d: {  	s18 =	sadd.s32 $0x200, s18;
	v0 =	vld [tilespmem:s16+$0x9470];
	[tilespmem:s1+$0xE430] =	vst v6;
	v6 =	vand.u32 $0xFFFF, v8  }
0x8e: {  	v7 =	vld [tilespmem:s16+$0xBC70];
	v5 =	vor.u32 v5, v6  }
0x8f: {  	v40 =	vld [tilespmem:s16+$0x9400];
	v2 =	vand.u32 $0xFFFF0000, v2;
	[tilespmem:s1+$0xE440] =	vst v5;
	v3 =	vand.u32 $0xFFFF, v3  }
0x90: {  	v5 =	vld [tilespmem:s16+$0xBC00];
	v2 =	vor.u32 v2, v3  }
0x91: {  	v41 =	vld [tilespmem:s16+$0x9410];
	v1 =	vand.u32 $0xFFFF0000, v1;
	[tilespmem:s1+$0xE450] =	vst v2;
	v42 =	vand.u32 $0xFFFF, v4  }
0x92: {  	v43 =	vld [tilespmem:s16+$0xBC10];
	v1 =	vor.u32 v1, v42  }
0x93: {  	v44 =	vld [tilespmem:s16+$0x9420];
	[tilespmem:s1+$0xE460] =	vst v1  }
0x94: {  	v46 =	vld [tilespmem:s16+$0xBC20]  }
0x95: {  	v47 =	vld [tilespmem:s16+$0x9430]  }
0x96: {  	v49 =	vld [tilespmem:s16+$0xBC30]  }
0x97: {  	v52 =	vld [tilespmem:s16+$0x9440]  }
0x98: {  	v53 =	vld [tilespmem:s16+$0xBC40]  }
0x99: {  	v56 =	vld [tilespmem:s16+$0x9450]  }
0x9a: {  	v0 =	vand.u32 $0xFFFF0000, v0;
	v45 =	vand.u32 $0xFFFF, v7;
	v57 =	vld [tilespmem:s16+$0xBC50]  }
0x9b: {  	v6 =	vand.u32 $0xFFFF0000, v40;
	v0 =	vor.u32 v0, v45;
	v58 =	vld [tilespmem:s16+$0x9460];
	v5 =	vand.u32 $0xFFFF, v5  }
0x9c: {  	v59 =	vld [tilespmem:s16+$0xBC60];
	[tilespmem:s16+$0xE470] =	vst v0;
	v50 =	vand.u32 $0xFFFF0000, v41;
	v48 =	vor.u32 v6, v5;
	v51 =	vand.u32 $0xFFFF, v43  }
0x9d: {  	[tilespmem:s16+$0xE400] =	vst v48;
	v54 =	vand.u32 $0xFFFF0000, v44;
	v0 =	vor.u32 v50, v51;
	v55 =	vand.u32 $0xFFFF, v46  }
0x9e: {  	[tilespmem:s16+$0xE410] =	vst v0;
	v1 =	vand.u32 $0xFFFF0000, v47;
	v5 =	vand.u32 $0xFFFF, v49;
	v0 =	vor.u32 v54, v55  }
0x9f: {  	p0 =	seq.s32 s30, $0x3D;
	v4 =	vand.u32 $0xFFFF0000, v52;
	v3 =	vand.u32 $0xFFFF, v53;
	v1 =	vor.u32 v1, v5;
	[tilespmem:s16+$0xE420] =	vst v0  }
.Ltmp2:
0xa0: {  	v61 =	vand.u32 $0xFFFF0000, v56;
	v2 =	vand.u32 $0xFFFF, v57;
	v60 =	vor.u32 v4, v3;
	[tilespmem:s16+$0xE430] =	vst v1;
	(pc) =	sbr.rel @p0 .LBB2_8-.Ltmp2, $4  }
0xa1: {  	s0 =	sadd.s32 s8, s0;
	v63 =	vand.u32 $0xFFFF, v59;
	v62 =	vor.u32 v61, v2;
	[tilespmem:s16+$0xE440] =	vst v60;
	v0 =	vand.u32 $0xFFFF0000, v58  }
0xa2: {  	s0 =	sshll.u32 s0, $0x4;
	[tilespmem:s16+$0xE450] =	vst v62;
	v0 =	vor.u32 v0, v63  }
0xa3: {  	s0 =	sadd.s32 s4, s0;
	[tilespmem:s16+$0xE460] =	vst v0  }
0xa4: {  	[hbm4b:s0+s2] =	stream.linear.scatter [tilespmem:s25], [sflag:$0x6], $0x1400, $0x38;
	[tilespmem:$0xF800] =	vst v63  }
.Ltmp3:
0xa5: {  	(pc) =	sbr.rel .LBB2_2-.Ltmp3, $4  }
0xa6: {  	s0 =	sadd.s32 $0x180, s31  }
0xa7: {  	[tilespmem:s17], [sflag:$0x2] =	stream.indirect.gather [hbm4b:s3+s13], $0x80, s0, s13, $0xb8;
	[tilespmem:$0xF800] =	vst v63  }
0xa8: {  	s31 =	sadd.s32 $0x4180, s31;
	s30 =	sadd.s32 $0x1, s30  }
0xa9: {  	[tilespmem:s19], [sflag:$0x4] =	stream.indirect.gather [hbm4b:s3+s13], $0x80, s31, s13, $0xb8;
	[tilespmem:$0xF800] =	vst v63  }
.LBB2_8:
0xaa: {  	_ =	swait.ge [sflag:s26], $0x1400  }
0xab: {  	[sflag:s26] =	ssyncset.done $0x0  }
0xac: {  	[sflag:s26] =	ssyncadd.s32 $0xFFFFEC00  }
0xad: {  	_ =	swait.ge [sflag:s20], $0x1400  }
0xae: {  	[sflag:s20] =	ssyncset.done $0x0  }
0xaf: {  	[sflag:s20] =	ssyncadd.s32 $0xFFFFEC00  }
0xb0: {  	_ =	swait.ge [sflag:s21], $0x1400  }
0xb1: {  	[sflag:s21] =	ssyncset.done $0x0  }
0xb2: {  	s0 =	simm.s32 $0x0;
	[sflag:s21] =	ssyncadd.s32 $0xFFFFEC00  }
0xb3: {  	v0 =	vld [tilespmem:s0+$0x8070]  }
0xb4: {  	v1 =	vld [tilespmem:s0+$0xA870]  }
0xb5: {  	v2 =	vld [tilespmem:s0+$0x8000]  }
0xb6: {  	v3 =	vld [tilespmem:s0+$0xA800]  }
0xb7: {  	v4 =	vld [tilespmem:s0+$0x8010]  }
0xb8: {  	v5 =	vld [tilespmem:s0+$0xA810]  }
0xb9: {  	v6 =	vld [tilespmem:s0+$0x8020]  }
0xba: {  	v7 =	vld [tilespmem:s0+$0xA820];
	v0 =	vand.u32 $0xFFFF0000, v0;
	v1 =	vand.u32 $0xFFFF, v1  }
0xbb: {  	v8 =	vld [tilespmem:s0+$0x8030];
	v0 =	vor.u32 v0, v1;
	v1 =	vand.u32 $0xFFFF0000, v2;
	v2 =	vand.u32 $0xFFFF, v3  }
0xbc: {  	v9 =	vld [tilespmem:s0+$0xA830];
	[tilespmem:s0+$0xD070] =	vst v0;
	v0 =	vor.u32 v1, v2  }
0xbd: {  	v10 =	vld [tilespmem:s0+$0xA840];
	v1 =	vand.u32 $0xFFFF, v5;
	[tilespmem:s0+$0xD000] =	vst v0;
	v0 =	vand.u32 $0xFFFF0000, v4  }
0xbe: {  	v5 =	vld [tilespmem:s0+$0x8040];
	v0 =	vor.u32 v0, v1  }
0xbf: {  	v2 =	vld [tilespmem:s0+$0x8050];
	v1 =	vand.u32 $0xFFFF, v7;
	[tilespmem:s0+$0xD010] =	vst v0;
	v0 =	vand.u32 $0xFFFF0000, v6  }
0xc0: {  	v3 =	vld [tilespmem:s0+$0xA850];
	v0 =	vor.u32 v0, v1  }
0xc1: {  	v6 =	vand.u32 $0xFFFF, v9;
	v1 =	vld [tilespmem:s0+$0x8060];
	[tilespmem:s0+$0xD020] =	vst v0;
	v0 =	vand.u32 $0xFFFF0000, v8  }
0xc2: {  	s1 =	simm.s32 $0x80;
	v4 =	vld [tilespmem:s0+$0xA860];
	v6 =	vor.u32 v0, v6  }
0xc3: {  	s16 =	simm.s32 $0x400;
	v5 =	vand.u32 $0xFFFF0000, v5;
	v0 =	vld [tilespmem:s1+$0x8070];
	[tilespmem:s0+$0xD030] =	vst v6;
	v6 =	vand.u32 $0xFFFF, v10  }
.LBB2_9:
0xc4: {  	p0 =	sne.s32 s16, $0x4E00;
	v7 =	vld [tilespmem:s1+$0xA870];
	v5 =	vor.u32 v5, v6;
	v2 =	vand.u32 $0xFFFF0000, v2  }
0xc5: {  	v6 =	vld [tilespmem:s1+$0x8000];
	[tilespmem:s0+$0xD040] =	vst v5;
	v3 =	vand.u32 $0xFFFF, v3  }
0xc6: {  	v5 =	vld [tilespmem:s1+$0xA800];
	v2 =	vor.u32 v2, v3;
	v1 =	vand.u32 $0xFFFF0000, v1  }
0xc7: {  	v3 =	vld [tilespmem:s1+$0x8010];
	[tilespmem:s0+$0xD050] =	vst v2;
	v2 =	vand.u32 $0xFFFF, v4  }
0xc8: {  	v4 =	vld [tilespmem:s1+$0xA810];
	v1 =	vor.u32 v1, v2  }
0xc9: {  	v0 =	vand.u32 $0xFFFF0000, v0;
	v2 =	vld [tilespmem:s1+$0x8020];
	v7 =	vand.u32 $0xFFFF, v7;
	[tilespmem:s0+$0xD060] =	vst v1;
	s0 =	smov.u32 s1  }
0xca: {  	v1 =	vand.u32 $0xFFFF0000, v6;
	v6 =	vld [tilespmem:s0+$0xA820];
	v0 =	vor.u32 v0, v7  }
0xcb: {  	v5 =	vand.u32 $0xFFFF, v5;
	v7 =	vld [tilespmem:s0+$0x8030];
	[tilespmem:s0+$0xD070] =	vst v0  }
0xcc: {  	v0 =	vor.u32 v1, v5;
	v1 =	vand.u32 $0xFFFF0000, v3;
	v5 =	vld [tilespmem:s0+$0xA830]  }
0xcd: {  	[tilespmem:s0+$0xD000] =	vst v0;
	v0 =	vand.u32 $0xFFFF, v4;
	v4 =	vld [tilespmem:s0+$0x8040]  }
0xce: {  	v0 =	vor.u32 v1, v0;
	v1 =	vand.u32 $0xFFFF0000, v2;
	v8 =	vld [tilespmem:s0+$0xA840]  }
.Ltmp4:
0xcf: {  	[tilespmem:s0+$0xD010] =	vst v0;
	v0 =	vand.u32 $0xFFFF, v6;
	v2 =	vld [tilespmem:s0+$0x8050];
	(pc) =	sbr.rel @p0 .LBB2_9-.Ltmp4, $4  }
0xd0: {  	v0 =	vor.u32 v1, v0;
	v6 =	vand.u32 $0xFFFF0000, v7;
	v3 =	vld [tilespmem:s0+$0xA850]  }
0xd1: {  	[tilespmem:s0+$0xD020] =	vst v0;
	v0 =	vand.u32 $0xFFFF, v5;
	v1 =	vld [tilespmem:s0+$0x8060]  }
0xd2: {  	s1 =	sshra.s32 s16, $0x2;
	v6 =	vor.u32 v6, v0;
	v5 =	vand.u32 $0xFFFF0000, v4;
	v4 =	vld [tilespmem:s0+$0xA860]  }
0xd3: {  	s16 =	sadd.s32 $0x200, s16;
	v0 =	vld [tilespmem:s1+$0x8070];
	[tilespmem:s0+$0xD030] =	vst v6;
	v6 =	vand.u32 $0xFFFF, v8  }
0xd4: {  	v7 =	vld [tilespmem:s1+$0xA870];
	v5 =	vor.u32 v5, v6  }
0xd5: {  	v40 =	vld [tilespmem:s1+$0x8000];
	v2 =	vand.u32 $0xFFFF0000, v2;
	[tilespmem:s0+$0xD040] =	vst v5;
	v3 =	vand.u32 $0xFFFF, v3  }
0xd6: {  	v5 =	vld [tilespmem:s1+$0xA800];
	v2 =	vor.u32 v2, v3  }
0xd7: {  	v41 =	vld [tilespmem:s1+$0x8010];
	v1 =	vand.u32 $0xFFFF0000, v1;
	[tilespmem:s0+$0xD050] =	vst v2;
	v42 =	vand.u32 $0xFFFF, v4  }
0xd8: {  	v43 =	vld [tilespmem:s1+$0xA810];
	v1 =	vor.u32 v1, v42  }
0xd9: {  	v44 =	vld [tilespmem:s1+$0x8020];
	[tilespmem:s0+$0xD060] =	vst v1  }
0xda: {  	v46 =	vld [tilespmem:s1+$0xA820]  }
0xdb: {  	v47 =	vld [tilespmem:s1+$0x8030]  }
0xdc: {  	v49 =	vld [tilespmem:s1+$0xA830]  }
0xdd: {  	v52 =	vld [tilespmem:s1+$0x8040]  }
0xde: {  	v53 =	vld [tilespmem:s1+$0xA840]  }
0xdf: {  	v56 =	vld [tilespmem:s1+$0x8050]  }
0xe0: {  	v0 =	vand.u32 $0xFFFF0000, v0;
	v45 =	vand.u32 $0xFFFF, v7;
	v57 =	vld [tilespmem:s1+$0xA850]  }
0xe1: {  	v6 =	vand.u32 $0xFFFF0000, v40;
	v0 =	vor.u32 v0, v45;
	v58 =	vld [tilespmem:s1+$0x8060];
	v5 =	vand.u32 $0xFFFF, v5  }
0xe2: {  	v59 =	vld [tilespmem:s1+$0xA860];
	[tilespmem:s1+$0xD070] =	vst v0;
	v50 =	vand.u32 $0xFFFF0000, v41;
	v48 =	vor.u32 v6, v5;
	v51 =	vand.u32 $0xFFFF, v43  }
0xe3: {  	[tilespmem:s1+$0xD000] =	vst v48;
	v54 =	vand.u32 $0xFFFF0000, v44;
	v0 =	vor.u32 v50, v51;
	v55 =	vand.u32 $0xFFFF, v46  }
0xe4: {  	[tilespmem:s1+$0xD010] =	vst v0;
	v1 =	vand.u32 $0xFFFF0000, v47;
	v5 =	vand.u32 $0xFFFF, v49;
	v0 =	vor.u32 v54, v55  }
0xe5: {  	v4 =	vand.u32 $0xFFFF0000, v52;
	v3 =	vand.u32 $0xFFFF, v53;
	v1 =	vor.u32 v1, v5;
	[tilespmem:s1+$0xD020] =	vst v0  }
0xe6: {  	v61 =	vand.u32 $0xFFFF0000, v56;
	v2 =	vand.u32 $0xFFFF, v57;
	v60 =	vor.u32 v4, v3;
	[tilespmem:s1+$0xD030] =	vst v1  }
0xe7: {  	v63 =	vand.u32 $0xFFFF, v59;
	v62 =	vor.u32 v61, v2;
	[tilespmem:s1+$0xD040] =	vst v60;
	v0 =	vand.u32 $0xFFFF0000, v58  }
0xe8: {  	[tilespmem:s1+$0xD050] =	vst v62;
	v0 =	vor.u32 v0, v63  }
0xe9: {  	s29 =	sadd.s32 $0x1, s29;
	[tilespmem:s1+$0xD060] =	vst v0  }
0xea: {  	[hbm4b:s9+s2] =	stream.linear.scatter [tilespmem:s22], [sflag:$0x5], $0x1400, $0x38;
	[tilespmem:$0xF800] =	vst v63  }
0xeb: {  	p0 =	sne.s32 s29, s10;
	_ =	swait.ge [sflag:s28], $0x1400  }
.Ltmp5:
0xec: {  	[sflag:s28] =	ssyncset.done $0x0;
	(pc) =	sbr.rel @p0 .LBB2_1-.Ltmp5, $4  }
0xed: {  	[sflag:s28] =	ssyncadd.s32 $0xFFFFEC00  }
0xee: {  	_ =	swait.ge [sflag:s26], $0x1400  }
0xef: {  	[sflag:s26] =	ssyncset.done $0x0  }
0xf0: {  	[sflag:s26] =	ssyncadd.s32 $0xFFFFEC00  }
0xf1: {  	_ =	sfence.sel $0x180000  }
0xf2: {  	[bflag:$0x0] =	sbarrier.arrive $0xFFFF  }
0xf3: {  	_ =	strace $0x9000004A  }
0xf4: {  	s0 =	stileid.u32;
	[bflag:$0x2] =	sbarrier.arrive $0xFFFF  }
0xf5: {  	p0 =	sne.s32 s0, $0x0;
	s0 =	rddreg [dreg:$0x1]  }
0xf6: {  	s0 =	sadd.s32 @!p0 $0x100000, s0  }
0xf7: {  	[sflag:s0] =	ssyncadd.tile.s32 @!p0 $0x1;
	_ =	shalt  }
.Lfunc_end2:
_tile_overlayer_lowered:
.L_overlay_start_2:
0xf8: {  	(tag) =	ssettag $0x2  }
0xf9: {  	s0 =	rddreg [dreg:$0x0];
	s2 =	stileid.u32  }
0xfa: {  	s1 =	rddreg [dreg:$0x1];
	p0 =	sne.s32 s2, $0x0  }
0xfb: {  	s3 =	rddreg [dreg:$0x2];
	[bflag:$0x3] =	sbarrier.arrive $0xFFFF;
	s2 =	simm.s32 @!p0 $0x1C07  }
0xfc: {  	[timem:s3], [sflag:s2] =	dma.local @!p0 [hbm:s0], s1  }
0xfd: {  	s0 =	simm.s32 @!p0 $0x7  }
0xfe: {  	_ =	swait.ge @!p0 [sflag:s0], s1  }
0xff: {  	s1 =	ssub.s32 @!p0 $0x0, s1;
	[sflag:s0] =	ssyncset.done @!p0 $0x0  }
0x100: {  	[sflag:s0] =	ssyncadd.s32 @!p0 s1  }
0x101: {  	[bflag:$0x3] =	sbarrier.arrive $0xFFFF  }
0x102: {  	_ =	shalt  }

// kernel: kernel.7.cloned.1.call-start
scs
__scs_entry_jumppad:
0x0: {  	(pc) =	sbr.rel $0x88, $3  }
0x1: {  	(tag) =	ssettag $0x0;
	lr =	simm.s32 $0x1  }
0x2: {  	[smem:$0x3F9A] =	sst lr;
	_ =	strace $0xD0000000  }
0x3: {  	_ = 	snop  }
0x4: {  	_ = 	snop  }
0x5: {  	_ = 	snop  }
0x6: {  	_ = 	snop  }
0x7: {  	_ = 	snop  }
__scs_overlays_trampoline_lowered:
0x8: {  	[smem:$0x3FA9] =	sst s0  }
0x9: {  	[smem:$0x3FAA] =	sst s1  }
0xa: {  	[smem:$0x3FAB] =	sst s2  }
0xb: {  	[smem:$0x3FAC] =	sst s3  }
0xc: {  	[smem:$0x3FAD] =	sst s4  }
0xd: {  	[smem:$0x3FAE] =	sst s5  }
0xe: {  	[smem:$0x3FAF] =	sst s6  }
0xf: {  	[smem:$0x3FB0] =	sst s7  }
0x10: {  	[smem:$0x3FB1] =	sst s8  }
0x11: {  	[smem:$0x3FB2] =	sst s9;
	s0 =	simm.s32 @!p0 $0x0  }
0x12: {  	s1 =	sld [smem:$0x3F98];
	s0 =	simm.s32 @p0 $0x1  }
0x13: {  	[smem:$0x3FB3] =	sst s0;
	s0 =	simm.s32 @!p1 $0x0  }
0x14: {  	s2 =	sld [smem:$0x3F97];
	s0 =	simm.s32 @p1 $0x1  }
0x15: {  	[smem:$0x3FB4] =	sst s0;
	s0 =	simm.s32 @!p2 $0x0  }
0x16: {  	s3 =	sld [smem:$0x3FDB];
	s0 =	simm.s32 @p2 $0x1  }
0x17: {  	s4 =	simm.s32 $0x1BF5;
	[smem:$0x3FB6] =	sst s0  }
0x18: {  	s0 =	sld [smem:$0x3F99];
	_ =	swait.ge [sflag:s4], $0x0  }
0x19: {  	s7 =	sld [smem:$0x3F9A]  }
0x1a: {  	s8 =	sadd.s32 $0xFFFFE003, lr  }
0x1b: {  	s9 =	sadd.s32 $0xFFFFFEF7, lr;
	s5 =	simm.s32 $0xFFFFFFFF;
	p2 =	slt.u32 s8, $0xFFFFF086  }
0x1c: {  	p1 =	slt.u32 s9, $0xF7A;
	s5 =	simm.s32 @!p2 $0x0  }
0x1d: {  	s5 =	simm.s32 @p1 $0x1;
	p0 =	seq.s32 s7, s2  }
0x1e: {  	s7 =	smul.u32 @!p0 $0xF7A, s2;
	p2 =	seq.s32 @!p0 s5, $0x0  }
0x1f: {  	s9 =	smul.u32 $0xF7A, s1;
	s8 =	simm.s32 @!p0 $0x1BF5;
	p2 =	por !p2, p0  }
0x20: {  	[sflag:s8] =	ssyncset.s32 @!p0 $0xFFFFF086;
	s6 =	sadd.s32 @!p0 s3, s7;
	s7 =	simm.s32 @!p0 $0x108  }
0x21: {  	s3 =	sadd.s32 s3, s9;
	s6 =	sadd.s32 @!p0 $0x88, s6;
	s7 =	simm.s32 @p2 $0x1082  }
0x22: {  	[simem:s7], [sflag:s8] =	dma.local @!p0 [hbm:s6], $0xF7A  }
0x23: {  	s9 =	sor.u32 $0xD0000000, s2;
	s6 =	simm.s32 $0x108;
	_ =	swait.ge @!p0 [sflag:s8], $0x0  }
0x24: {  	s3 =	sadd.s32 $0x88, s3;
	s6 =	simm.s32 @!p1 $0x1082;
	[sflag:s4] =	ssyncset.s32 $0xFFFFF086  }
0x25: {  	[simem:s6], [sflag:s4] =	dma.local [hbm:s3], $0xF7A  }
0x26: {  	[smem:$0x3F9A] =	sst s1;
	(tag) =	ssettag s2;
	_ =	strace s9  }
0x27: {  	s1 =	sld [smem:$0x3FAA]  }
0x28: {  	s2 =	sld [smem:$0x3FAB]  }
0x29: {  	s4 =	sld [smem:$0x3FAD]  }
0x2a: {  	p0 =	seq.s32 s5, $0x0;
	s5 =	sld [smem:$0x3FAE]  }
0x2b: {  	s6 =	sld [smem:$0x3FAF]  }
0x2c: {  	s7 =	sld [smem:$0x3FB0]  }
0x2d: {  	s3 =	simm.s32 $0x108;
	s8 =	sld [smem:$0x3FB1]  }
0x2e: {  	s3 =	simm.s32 @!p0 $0x1082;
	s9 =	sld [smem:$0x3FB2]  }
0x2f: {  	lr =	sadd.s32 s0, s3;
	s0 =	sld [smem:$0x3FA9]  }
0x30: {  	s3 =	sld [smem:$0x3FAC]  }
0x31: {  	[smem:$0x3FB5] =	sst s10  }
0x32: {  	s10 =	sld [smem:$0x3FB3];
	_ =	sdelay $0x3  }
0x33: {  	p0 =	seq.s32 s10, $0x1;
	s10 =	sld [smem:$0x3FB5];
	_ =	sdelay $0x3  }
0x34: {  	[smem:$0x3FB5] =	sst s10  }
0x35: {  	s10 =	sld [smem:$0x3FB4];
	_ =	sdelay $0x3  }
0x36: {  	p1 =	seq.s32 s10, $0x1;
	s10 =	sld [smem:$0x3FB5];
	_ =	sdelay $0x3  }
0x37: {  	[smem:$0x3FB5] =	sst s10  }
0x38: {  	s10 =	sld [smem:$0x3FB6]  }
0x39: {  	_ = 	snop;
	(pc) =	sbr.ind lr, $3  }
0x3a: {  	_ = 	snop  }
0x3b: {  	_ = 	snop  }
0x3c: {  	p2 =	seq.s32 s10, $0x1;
	s10 =	sld [smem:$0x3FB5]  }
0x3d: {  	_ =	shalt  }
0x3e: {  	_ =	shalt  }
0x3f: {  	_ =	shalt  }
0x40: {  	_ =	shalt  }
0x41: {  	_ =	shalt  }
0x42: {  	_ =	shalt  }
0x43: {  	_ =	shalt  }
0x44: {  	_ =	shalt  }
0x45: {  	_ =	shalt  }
0x46: {  	_ =	shalt  }
0x47: {  	_ =	shalt  }
0x48: {  	_ =	shalt  }
0x49: {  	_ =	shalt  }
0x4a: {  	_ =	shalt  }
0x4b: {  	_ =	shalt  }
0x4c: {  	_ =	shalt  }
0x4d: {  	_ =	shalt  }
0x4e: {  	_ =	shalt  }
0x4f: {  	_ =	shalt  }
0x50: {  	_ =	shalt  }
0x51: {  	_ =	shalt  }
0x52: {  	_ =	shalt  }
0x53: {  	_ =	shalt  }
0x54: {  	_ =	shalt  }
0x55: {  	_ =	shalt  }
0x56: {  	_ =	shalt  }
0x57: {  	_ =	shalt  }
0x58: {  	_ =	shalt  }
0x59: {  	_ =	shalt  }
0x5a: {  	_ =	shalt  }
0x5b: {  	_ =	shalt  }
0x5c: {  	_ =	shalt  }
0x5d: {  	_ =	shalt  }
0x5e: {  	_ =	shalt  }
0x5f: {  	_ =	shalt  }
0x60: {  	_ =	shalt  }
0x61: {  	_ =	shalt  }
0x62: {  	_ =	shalt  }
0x63: {  	_ =	shalt  }
0x64: {  	_ =	shalt  }
0x65: {  	_ =	shalt  }
0x66: {  	_ =	shalt  }
0x67: {  	_ =	shalt  }
0x68: {  	_ =	shalt  }
0x69: {  	_ =	shalt  }
0x6a: {  	_ =	shalt  }
0x6b: {  	_ =	shalt  }
0x6c: {  	_ =	shalt  }
0x6d: {  	_ =	shalt  }
0x6e: {  	_ =	shalt  }
0x6f: {  	_ =	shalt  }
0x70: {  	_ =	shalt  }
0x71: {  	_ =	shalt  }
0x72: {  	_ =	shalt  }
0x73: {  	_ =	shalt  }
0x74: {  	_ =	shalt  }
0x75: {  	_ =	shalt  }
0x76: {  	_ =	shalt  }
0x77: {  	_ =	shalt  }
0x78: {  	_ =	shalt  }
0x79: {  	_ =	shalt  }
0x7a: {  	_ =	shalt  }
0x7b: {  	_ =	shalt  }
0x7c: {  	_ =	shalt  }
0x7d: {  	_ =	shalt  }
0x7e: {  	_ =	shalt  }
0x7f: {  	_ =	shalt  }
0x80: {  	_ =	shalt  }
0x81: {  	_ =	shalt  }
0x82: {  	_ =	shalt  }
0x83: {  	_ =	shalt  }
0x84: {  	_ =	shalt  }
0x85: {  	_ =	shalt  }
0x86: {  	_ =	shalt  }
0x87: {  	_ =	shalt  }
.Lfunc_end0:
.L_simem_size_0:
called_computation_lowered:
.L_overlay_start_0:
0x88: {  	s2 =	sld [smem:$0x3FD9]  }
0x89: {  	s3 =	sld [smem:$0x3FFE];
	_ =	sdelay $0x1  }
0x8a: {  	s1 =	srdreg.scid  }
0x8b: {  	s0 =	sand.u32 $0x1, s1  }
0x8c: {  	s16 =	sshll.u32 s0, $0xA;
	s2 =	sadd.s32 s3, s2  }
0x8d: {  	s2 =	sadd.s32 s2, s16  }
0x8e: {  	[smem:$0x3FC1] =	sst s2  }
0x8f: {  	_ = 	snop  }
0x90: {  	(tm) =	ssettm $0x1  }
0x91: {  	s17 =	sld [smem:$0x3FFB];
	_ =	sdelay $0x3  }
0x92: {  	_ =	strace s17  }
0x93: {  	s2 =	sld [smem:$0x3FFC];
	_ =	sdelay $0x3  }
0x94: {  	_ =	strace s2  }
0x95: {  	s2 =	sld [smem:$0x3FFD];
	_ =	sdelay $0x3  }
0x96: {  	_ =	strace s2  }
0x97: {  	_ =	strace $0x8FFFFFFF  }
0x98: {  	s18 =	sld [smem:$0x3FDB];
	_ =	sdelay $0x1  }
0x99: {  	s19 =	simm.s32 $_scs_section_size  }
0x9a: {  	s4 =	simm.s32 $_size__tile_overlayer_lowered;
	s5 =	simm.s32 $_tile_overlayer_lowered  }
0x9b: {  	s22 =	simm.s32 $0x1BFF;
	s21 =	sshll.u32 s5, $0x1;
	s2 =	sadd.s32 s19, s18  }
0x9c: {  	s6 =	simm.s32 $0x0;
	s20 =	sshll.u32 s4, $0x1;
	s4 =	sadd.s32 s21, s2  }
0x9d: {  	[timem:s6], [sflag:s22] =	dma.local [hbm:s4], s20  }
0x9e: {  	_ =	swait.ge [sflag:s22], s20  }
0x9f: {  	s3 =	ssub.s32 $0x0, s20;
	[sflag:s22] =	ssyncset.done $0x0  }
0xa0: {  	[sflag:s22] =	ssyncadd.s32 s3;
	_ =	sdelay $0x1  }
0xa1: {  	s23 =	simm.s32 $0x1B8B  }
0xa2: {  	_ =	swait.ge [sflag:s23], $0x1  }
0xa3: {  	[sflag:s23] =	ssyncset.done $0x0  }
0xa4: {  	s25 =	simm.s32 $0x1B8E;
	s24 =	sld [smem:$0x3FFE];
	[sflag:s23] =	ssyncadd.s32 $0xFFFFFFFF  }
0xa5: {  	s26 =	simm.s32 $execute0_lowered;
	[smem:$0x3FD2] =	sst s25  }
0xa6: {  	s4 =	sshll.u32 s26, $0x1;
	_ =	strace $0x80000046;
	[dreg:$0x1] =	wrdreg $0xFFFFFFFF  }
0xa7: {  	s28 =	simm.s32 $_size_execute0_lowered;
	s2 =	sadd.s32 s2, s4;
	[dreg:$0x0] =	wrdreg $0x0  }
0xa8: {  	s4 =	sshll.u32 s28, $0x1;
	[dreg:$0x2] =	wrdreg s2  }
0xa9: {  	[dreg:$0x3] =	wrdreg s4  }
0xaa: {  	[dreg:$0x4] =	wrdreg $0xC0  }
0xab: {  	_ =	task [dreg:s6], $0x5FFFF  }
0xac: {  	[dreg:$0x1] =	wrdreg $0xFFFFFFFF  }
0xad: {  	[dreg:$0x0] =	wrdreg $0x60  }
0xae: {  	[dreg:$0x2] =	wrdreg s24  }
0xaf: {  	[dreg:$0x3] =	wrdreg $0x9  }
0xb0: {  	_ =	task.clear_ibuf [dreg:s6], $0x4FFFF;
	_ =	strace $0x90000046  }
0xb1: {  	s29 =	simm.s32 $0x9;
	_ =	strace $0x80000048  }
0xb2: {  	_ =	swait.ge [sflag:s29], $0x1  }
0xb3: {  	[sflag:s29] =	ssyncadd.s32 $0xFFFFFFFF  }
0xb4: {  	_ =	strace $0x90000048  }
0xb5: {  	_ =	sfence  }
0xb6: {  	s30 =	sld [smem:$0x0];
	_ =	sdelay $0x2  }
0xb7: {  	s31 =	sshll.u32 s1, $0xD;
	s1 =	sshrl.u32 s1, $0x2  }
0xb8: {  	s3 =	sand.u32 $0x4000, s31;
	s1 =	sadd.s32 s1, s30  }
0xb9: {  	s0 =	sor.u32 s3, s0;
	s1 =	sshll.u32 s1, $0x11  }
0xba: {  	s0 =	sor.u32 s1, s0  }
0xbb: {  	s0 =	sadd.s32 $0x8F2B, s0  }
0xbc: {  	[sflag:s0] =	ssyncadd.remote.s32 $0x1  }
0xbd: {  	_ =	sfence.sel $0xFFFF  }
0xbe: {  	[dreg:$0x0] =	wrdreg $0xFFFFFFFF;
	(pc) =	sbr.abs _section_cstart, $3  }
0xbf: {  	[dreg:$0x1] =	wrdreg $0xFFFFFFFF  }
0xc0: {  	_ =	task.clear_ibuf [dreg:s6], $0x2FFFF;
	_ =	strace $0x9FFFFFFF  }
0xc1: {  	(tm) =	ssettm $0x7FFFFFFF  }
tec
execute0_lowered:
.L_overlay_start_1:
0x0: {  	(tag) =	ssettag $0x1  }
0x1: {  	s0 =	rddreg [dreg:$0x0];
	s2 =	simm.s32 $0x0  }
0x2: {  	s1 =	srdreg.scid;
	s3 =	stileid.u32;
	s11 =	simm.s32 $0x7  }
0x3: {  	s12 =	simm.s32 $0x4000;
	s13 =	simm.s32 $0x28;
	s14 =	simm.s32 $0x8000  }
0x4: {  	s15 =	simm.s32 $0xA800;
	s17 =	simm.s32 $0x9400;
	s19 =	simm.s32 $0xBC00  }
0x5: {  	s20 =	simm.s32 $0x1;
	s21 =	simm.s32 $0x3;
	s22 =	simm.s32 $0xD000  }
0x6: {  	s23 =	simm.s32 $0x2;
	s24 =	simm.s32 $0x4;
	s25 =	simm.s32 $0xE400  }
0x7: {  	s26 =	simm.s32 $0x5;
	s28 =	simm.s32 $0x6;
	s29 =	simm.s32 $0x0  }
0x8: {  	[smem:$0x7FF] =	sst s2;
	s1 =	sand.u32 $0x1, s1;
	s4 =	sshll.u32 s3, $0x1  }
0x9: {  	s3 =	sadd.s32 $0x41C00, s0;
	_ =	strace $0x80000047;
	s5 =	sor.u32 s1, s4  }
0xa: {  	s1 =	ssub.s32 $0x2, s1;
	s4 =	sshll.u32 s5, $0xB;
	s6 =	smul.u32 $0x9C400, s5  }
0xb: {  	s30 =	sshrl.u32 s1, $0x1;
	s5 =	smul.u32 $0x1388, s5;
	s7 =	sadd.s32 s4, s0  }
0xc: {  	s4 =	sadd.s32 $0x68E00, s0;
	s0 =	ssub.s32 s1, s30;
	s31 =	sshrl.u32 s6, $0x3  }
0xd: {  	s6 =	sadd.s32 $0x1C00, s7;
	s7 =	sadd.s32 $0x11C00, s7;
	s1 =	sadd.s32 s4, s31  }
0xe: {  	s8 =	sadd.s32 $0x28, s5;
	s10 =	smax.u32 s0, $0x1;
	s9 =	sadd.s32 $0x13600, s1  }
.LBB2_1:
0xf: {  	[tilespmem:s2], [sflag:$0x7] =	stream.linear.gather [hbm4b:s6+s2], $0x3E80, $0x38;
	[tilespmem:$0xF800] =	vst v63  }
0x10: {  	_ =	swait.ge [sflag:s11], $0x3E80  }
0x11: {  	[sflag:s11] =	ssyncset.done $0x0  }
0x12: {  	[sflag:s11] =	ssyncadd.s32 $0xFFFFC180  }
0x13: {  	[tilespmem:s12], [sflag:$0x7] =	stream.linear.gather [hbm4b:s7+s2], $0x3E80, $0x38;
	[tilespmem:$0xF800] =	vst v63  }
0x14: {  	_ =	swait.ge [sflag:s11], $0x3E80  }
0x15: {  	[sflag:s11] =	ssyncset.done $0x0  }
0x16: {  	[sflag:s11] =	ssyncadd.s32 $0xFFFFC180  }
0x17: {  	[tilespmem:s14], [sflag:$0x1] =	stream.indirect.gather [hbm4b:s3+s13], $0x80, s2, s13, $0xb8;
	[tilespmem:$0xF800] =	vst v63  }
0x18: {  	_ = 	snop  }
0x19: {  	[tilespmem:s15], [sflag:$0x3] =	stream.indirect.gather [hbm4b:s3+s13], $0x80, s12, s13, $0xb8;
	[tilespmem:$0xF800] =	vst v63  }
0x1a: {  	s0 =	simm.s32 $0x80  }
0x1b: {  	[tilespmem:s17], [sflag:$0x2] =	stream.indirect.gather [hbm4b:s3+s13], $0x80, s0, s13, $0xb8;
	[tilespmem:$0xF800] =	vst v63  }
0x1c: {  	s31 =	simm.s32 $0x4080;
	s30 =	simm.s32 $0x0  }
0x1d: {  	[tilespmem:s19], [sflag:$0x4] =	stream.indirect.gather [hbm4b:s3+s13], $0x80, s31, s13, $0xb8;
	[tilespmem:$0xF800] =	vst v63  }
.LBB2_2:
0x1e: {  	p0 =	seq.s32 s30, $0x0  }
0x1f: {  	s0 =	simm.s32 @!p0 $0x5  }
0x20: {  	_ =	swait.ge @!p0 [sflag:s0], $0x1400  }
0x21: {  	[sflag:s0] =	ssyncset.done @!p0 $0x0  }
0x22: {  	[sflag:s0] =	ssyncadd.s32 @!p0 $0xFFFFEC00  }
0x23: {  	_ =	swait.ge [sflag:s20], $0x1400  }
0x24: {  	[sflag:s20] =	ssyncset.done $0x0  }
0x25: {  	[sflag:s20] =	ssyncadd.s32 $0xFFFFEC00  }
0x26: {  	_ =	swait.ge [sflag:s21], $0x1400  }
0x27: {  	[sflag:s21] =	ssyncset.done $0x0  }
0x28: {  	s0 =	simm.s32 $0x0;
	[sflag:s21] =	ssyncadd.s32 $0xFFFFEC00  }
0x29: {  	v0 =	vld [tilespmem:s0+$0x8070]  }
0x2a: {  	v1 =	vld [tilespmem:s0+$0xA870]  }
0x2b: {  	v2 =	vld [tilespmem:s0+$0x8000]  }
0x2c: {  	v3 =	vld [tilespmem:s0+$0xA800]  }
0x2d: {  	v4 =	vld [tilespmem:s0+$0x8010]  }
0x2e: {  	v5 =	vld [tilespmem:s0+$0xA810]  }
0x2f: {  	v6 =	vld [tilespmem:s0+$0x8020]  }
0x30: {  	v7 =	vld [tilespmem:s0+$0xA820];
	v0 =	vand.u32 $0xFFFF0000, v0;
	v1 =	vand.u32 $0xFFFF, v1  }
0x31: {  	v8 =	vld [tilespmem:s0+$0x8030];
	v0 =	vor.u32 v0, v1;
	v1 =	vand.u32 $0xFFFF0000, v2;
	v2 =	vand.u32 $0xFFFF, v3  }
0x32: {  	v9 =	vld [tilespmem:s0+$0xA830];
	[tilespmem:s0+$0xD070] =	vst v0;
	v0 =	vor.u32 v1, v2  }
0x33: {  	v10 =	vld [tilespmem:s0+$0xA840];
	v1 =	vand.u32 $0xFFFF, v5;
	[tilespmem:s0+$0xD000] =	vst v0;
	v0 =	vand.u32 $0xFFFF0000, v4  }
0x34: {  	v5 =	vld [tilespmem:s0+$0x8040];
	v0 =	vor.u32 v0, v1  }
0x35: {  	v2 =	vld [tilespmem:s0+$0x8050];
	v1 =	vand.u32 $0xFFFF, v7;
	[tilespmem:s0+$0xD010] =	vst v0;
	v0 =	vand.u32 $0xFFFF0000, v6  }
0x36: {  	v3 =	vld [tilespmem:s0+$0xA850];
	v0 =	vor.u32 v0, v1  }
0x37: {  	v6 =	vand.u32 $0xFFFF, v9;
	v1 =	vld [tilespmem:s0+$0x8060];
	[tilespmem:s0+$0xD020] =	vst v0;
	v0 =	vand.u32 $0xFFFF0000, v8  }
0x38: {  	s1 =	simm.s32 $0x80;
	v4 =	vld [tilespmem:s0+$0xA860];
	v6 =	vor.u32 v0, v6  }
0x39: {  	s31 =	sshll.u32 s30, $0x8;
	s16 =	simm.s32 $0x400;
	v5 =	vand.u32 $0xFFFF0000, v5;
	v0 =	vld [tilespmem:s1+$0x8070];
	[tilespmem:s0+$0xD030] =	vst v6;
	v6 =	vand.u32 $0xFFFF, v10  }
.LBB2_3:
0x3a: {  	p1 =	sne.s32 s16, $0x4E00;
	v7 =	vld [tilespmem:s1+$0xA870];
	v5 =	vor.u32 v5, v6;
	v2 =	vand.u32 $0xFFFF0000, v2  }
0x3b: {  	v6 =	vld [tilespmem:s1+$0x8000];
	[tilespmem:s0+$0xD040] =	vst v5;
	v3 =	vand.u32 $0xFFFF, v3  }
0x3c: {  	v5 =	vld [tilespmem:s1+$0xA800];
	v2 =	vor.u32 v2, v3;
	v1 =	vand.u32 $0xFFFF0000, v1  }
0x3d: {  	v3 =	vld [tilespmem:s1+$0x8010];
	[tilespmem:s0+$0xD050] =	vst v2;
	v2 =	vand.u32 $0xFFFF, v4  }
0x3e: {  	v4 =	vld [tilespmem:s1+$0xA810];
	v1 =	vor.u32 v1, v2  }
0x3f: {  	v0 =	vand.u32 $0xFFFF0000, v0;
	v2 =	vld [tilespmem:s1+$0x8020];
	v7 =	vand.u32 $0xFFFF, v7;
	[tilespmem:s0+$0xD060] =	vst v1;
	s0 =	smov.u32 s1  }
0x40: {  	v1 =	vand.u32 $0xFFFF0000, v6;
	v6 =	vld [tilespmem:s0+$0xA820];
	v0 =	vor.u32 v0, v7  }
0x41: {  	v5 =	vand.u32 $0xFFFF, v5;
	v7 =	vld [tilespmem:s0+$0x8030];
	[tilespmem:s0+$0xD070] =	vst v0  }
0x42: {  	v0 =	vor.u32 v1, v5;
	v1 =	vand.u32 $0xFFFF0000, v3;
	v5 =	vld [tilespmem:s0+$0xA830]  }
0x43: {  	[tilespmem:s0+$0xD000] =	vst v0;
	v0 =	vand.u32 $0xFFFF, v4;
	v4 =	vld [tilespmem:s0+$0x8040]  }
0x44: {  	v0 =	vor.u32 v1, v0;
	v1 =	vand.u32 $0xFFFF0000, v2;
	v8 =	vld [tilespmem:s0+$0xA840]  }
.Ltmp0:
0x45: {  	[tilespmem:s0+$0xD010] =	vst v0;
	v0 =	vand.u32 $0xFFFF, v6;
	v2 =	vld [tilespmem:s0+$0x8050];
	(pc) =	sbr.rel @p1 .LBB2_3-.Ltmp0, $4  }
0x46: {  	v0 =	vor.u32 v1, v0;
	v6 =	vand.u32 $0xFFFF0000, v7;
	v3 =	vld [tilespmem:s0+$0xA850]  }
0x47: {  	[tilespmem:s0+$0xD020] =	vst v0;
	v0 =	vand.u32 $0xFFFF, v5;
	v1 =	vld [tilespmem:s0+$0x8060]  }
0x48: {  	s1 =	sshra.s32 s16, $0x2;
	v6 =	vor.u32 v6, v0;
	v5 =	vand.u32 $0xFFFF0000, v4;
	v4 =	vld [tilespmem:s0+$0xA860]  }
0x49: {  	s16 =	sadd.s32 $0x200, s16;
	v0 =	vld [tilespmem:s1+$0x8070];
	[tilespmem:s0+$0xD030] =	vst v6;
	v6 =	vand.u32 $0xFFFF, v8  }
0x4a: {  	v7 =	vld [tilespmem:s1+$0xA870];
	v5 =	vor.u32 v5, v6  }
0x4b: {  	v6 =	vld [tilespmem:s1+$0x8000];
	v2 =	vand.u32 $0xFFFF0000, v2;
	[tilespmem:s0+$0xD040] =	vst v5;
	v3 =	vand.u32 $0xFFFF, v3  }
0x4c: {  	v5 =	vld [tilespmem:s1+$0xA800];
	v2 =	vor.u32 v2, v3  }
0x4d: {  	v3 =	vld [tilespmem:s1+$0x8010];
	v1 =	vand.u32 $0xFFFF0000, v1;
	[tilespmem:s0+$0xD050] =	vst v2;
	v2 =	vand.u32 $0xFFFF, v4  }
0x4e: {  	v4 =	vld [tilespmem:s1+$0xA810];
	v1 =	vor.u32 v1, v2  }
0x4f: {  	v2 =	vld [tilespmem:s1+$0x8020];
	[tilespmem:s0+$0xD060] =	vst v1  }
0x50: {  	v0 =	vand.u32 $0xFFFF0000, v0;
	v1 =	vand.u32 $0xFFFF, v7;
	v7 =	vld [tilespmem:s1+$0xA820]  }
0x51: {  	v6 =	vand.u32 $0xFFFF0000, v6;
	v0 =	vor.u32 v0, v1;
	v1 =	vld [tilespmem:s1+$0x8030];
	v5 =	vand.u32 $0xFFFF, v5  }
0x52: {  	[tilespmem:s1+$0xD070] =	vst v0;
	v0 =	vor.u32 v6, v5;
	v5 =	vld [tilespmem:s1+$0xA830]  }
0x53: {  	v6 =	vld [tilespmem:s1+$0x8050]  }
0x54: {  	[tilespmem:s1+$0xD000] =	vst v0;
	v0 =	vand.u32 $0xFFFF0000, v3;
	v3 =	vand.u32 $0xFFFF, v4;
	v4 =	vld [tilespmem:s1+$0x8040]  }
0x55: {  	v0 =	vor.u32 v0, v3;
	v3 =	vld [tilespmem:s1+$0xA840]  }
0x56: {  	[tilespmem:s1+$0xD010] =	vst v0;
	v0 =	vand.u32 $0xFFFF0000, v2;
	v2 =	vand.u32 $0xFFFF, v7;
	v7 =	vld [tilespmem:s1+$0xA860]  }
0x57: {  	v0 =	vor.u32 v0, v2;
	v2 =	vld [tilespmem:s1+$0xA850]  }
0x58: {  	[tilespmem:s1+$0xD020] =	vst v0;
	v0 =	vld [tilespmem:s1+$0x8060];
	_ =	sdelay $0x1  }
0x59: {  	v1 =	vand.u32 $0xFFFF0000, v1;
	v5 =	vand.u32 $0xFFFF, v5  }
0x5a: {  	s0 =	smul.u32 $0x50, s30;
	v1 =	vor.u32 v1, v5;
	v4 =	vand.u32 $0xFFFF0000, v4;
	v3 =	vand.u32 $0xFFFF, v3  }
0x5b: {  	[tilespmem:s1+$0xD030] =	vst v1;
	v1 =	vor.u32 v4, v3;
	v3 =	vand.u32 $0xFFFF0000, v6;
	v2 =	vand.u32 $0xFFFF, v2  }
0x5c: {  	s16 =	sadd.s32 s5, s0;
	[tilespmem:s1+$0xD040] =	vst v1;
	v1 =	vor.u32 v3, v2;
	v0 =	vand.u32 $0xFFFF0000, v0;
	v2 =	vand.u32 $0xFFFF, v7  }
0x5d: {  	s16 =	sshll.u32 s16, $0x4;
	[tilespmem:s1+$0xD050] =	vst v1;
	v0 =	vor.u32 v0, v2  }
0x5e: {  	s18 =	sadd.s32 s4, s16;
	[tilespmem:s1+$0xD060] =	vst v0  }
0x5f: {  	[hbm4b:s18+s2] =	stream.linear.scatter [tilespmem:s22], [sflag:$0x5], $0x1400, $0x38;
	[tilespmem:$0xF800] =	vst v63  }
0x60: {  	s16 =	sadd.s32 $0x100, s31  }
0x61: {  	[tilespmem:s14], [sflag:$0x1] =	stream.indirect.gather [hbm4b:s3+s13], $0x80, s16, s13, $0xb8;
	[tilespmem:$0xF800] =	vst v63  }
0x62: {  	s1 =	simm.s32 @!p0 $0x6;
	s18 =	sadd.s32 $0x4100, s31  }
0x63: {  	[tilespmem:s15], [sflag:$0x3] =	stream.indirect.gather [hbm4b:s3+s13], $0x80, s18, s13, $0xb8;
	[tilespmem:$0xF800] =	vst v63  }
0x64: {  	_ =	swait.ge @!p0 [sflag:s1], $0x1400  }
0x65: {  	[sflag:s1] =	ssyncset.done @!p0 $0x0  }
0x66: {  	[sflag:s1] =	ssyncadd.s32 @!p0 $0xFFFFEC00  }
0x67: {  	_ =	swait.ge [sflag:s23], $0x1400  }
0x68: {  	[sflag:s23] =	ssyncset.done $0x0  }
0x69: {  	[sflag:s23] =	ssyncadd.s32 $0xFFFFEC00  }
0x6a: {  	_ =	swait.ge [sflag:s24], $0x1400  }
0x6b: {  	[sflag:s24] =	ssyncset.done $0x0  }
0x6c: {  	s1 =	simm.s32 $0x0;
	[sflag:s24] =	ssyncadd.s32 $0xFFFFEC00  }
0x6d: {  	v0 =	vld [tilespmem:s1+$0x9470]  }
0x6e: {  	v1 =	vld [tilespmem:s1+$0xBC70]  }
0x6f: {  	v2 =	vld [tilespmem:s1+$0x9400]  }
0x70: {  	v3 =	vld [tilespmem:s1+$0xBC00]  }
0x71: {  	v4 =	vld [tilespmem:s1+$0x9410]  }
0x72: {  	v5 =	vld [tilespmem:s1+$0xBC10]  }
0x73: {  	v6 =	vld [tilespmem:s1+$0x9420]  }
0x74: {  	v7 =	vld [tilespmem:s1+$0xBC20];
	v0 =	vand.u32 $0xFFFF0000, v0;
	v1 =	vand.u32 $0xFFFF, v1  }
0x75: {  	v8 =	vld [tilespmem:s1+$0x9430];
	v0 =	vor.u32 v0, v1;
	v1 =	vand.u32 $0xFFFF0000, v2;
	v2 =	vand.u32 $0xFFFF, v3  }
0x76: {  	v9 =	vld [tilespmem:s1+$0xBC30];
	[tilespmem:s1+$0xE470] =	vst v0;
	v0 =	vor.u32 v1, v2  }
0x77: {  	v10 =	vld [tilespmem:s1+$0xBC40];
	v1 =	vand.u32 $0xFFFF, v5;
	[tilespmem:s1+$0xE400] =	vst v0;
	v0 =	vand.u32 $0xFFFF0000, v4  }
0x78: {  	v5 =	vld [tilespmem:s1+$0x9440];
	v0 =	vor.u32 v0, v1  }
0x79: {  	v2 =	vld [tilespmem:s1+$0x9450];
	v1 =	vand.u32 $0xFFFF, v7;
	[tilespmem:s1+$0xE410] =	vst v0;
	v0 =	vand.u32 $0xFFFF0000, v6  }
0x7a: {  	v3 =	vld [tilespmem:s1+$0xBC50];
	v0 =	vor.u32 v0, v1  }
0x7b: {  	v6 =	vand.u32 $0xFFFF, v9;
	v1 =	vld [tilespmem:s1+$0x9460];
	[tilespmem:s1+$0xE420] =	vst v0;
	v0 =	vand.u32 $0xFFFF0000, v8  }
0x7c: {  	s16 =	simm.s32 $0x80;
	v4 =	vld [tilespmem:s1+$0xBC60];
	v6 =	vor.u32 v0, v6  }
0x7d: {  	s18 =	simm.s32 $0x400;
	v5 =	vand.u32 $0xFFFF0000, v5;
	v0 =	vld [tilespmem:s16+$0x9470];
	[tilespmem:s1+$0xE430] =	vst v6;
	v6 =	vand.u32 $0xFFFF, v10  }
.LBB2_5:
0x7e: {  	p0 =	sne.s32 s18, $0x4E00;
	v7 =	vld [tilespmem:s16+$0xBC70];
	v5 =	vor.u32 v5, v6;
	v2 =	vand.u32 $0xFFFF0000, v2  }
0x7f: {  	v6 =	vld [tilespmem:s16+$0x9400];
	[tilespmem:s1+$0xE440] =	vst v5;
	v3 =	vand.u32 $0xFFFF, v3  }
0x80: {  	v5 =	vld [tilespmem:s16+$0xBC00];
	v2 =	vor.u32 v2, v3;
	v1 =	vand.u32 $0xFFFF0000, v1  }
0x81: {  	v3 =	vld [tilespmem:s16+$0x9410];
	[tilespmem:s1+$0xE450] =	vst v2;
	v2 =	vand.u32 $0xFFFF, v4  }
0x82: {  	v4 =	vld [tilespmem:s16+$0xBC10];
	v1 =	vor.u32 v1, v2  }
0x83: {  	v0 =	vand.u32 $0xFFFF0000, v0;
	v2 =	vld [tilespmem:s16+$0x9420];
	v7 =	vand.u32 $0xFFFF, v7;
	[tilespmem:s1+$0xE460] =	vst v1;
	s1 =	smov.u32 s16  }
0x84: {  	v1 =	vand.u32 $0xFFFF0000, v6;
	v6 =	vld [tilespmem:s1+$0xBC20];
	v0 =	vor.u32 v0, v7  }
0x85: {  	v5 =	vand.u32 $0xFFFF, v5;
	v7 =	vld [tilespmem:s1+$0x9430];
	[tilespmem:s1+$0xE470] =	vst v0  }
0x86: {  	v0 =	vor.u32 v1, v5;
	v1 =	vand.u32 $0xFFFF0000, v3;
	v5 =	vld [tilespmem:s1+$0xBC30]  }
0x87: {  	[tilespmem:s1+$0xE400] =	vst v0;
	v0 =	vand.u32 $0xFFFF, v4;
	v4 =	vld [tilespmem:s1+$0x9440]  }
0x88: {  	v0 =	vor.u32 v1, v0;
	v1 =	vand.u32 $0xFFFF0000, v2;
	v8 =	vld [tilespmem:s1+$0xBC40]  }
.Ltmp1:
0x89: {  	[tilespmem:s1+$0xE410] =	vst v0;
	v0 =	vand.u32 $0xFFFF, v6;
	v2 =	vld [tilespmem:s1+$0x9450];
	(pc) =	sbr.rel @p0 .LBB2_5-.Ltmp1, $4  }
0x8a: {  	v0 =	vor.u32 v1, v0;
	v6 =	vand.u32 $0xFFFF0000, v7;
	v3 =	vld [tilespmem:s1+$0xBC50]  }
0x8b: {  	[tilespmem:s1+$0xE420] =	vst v0;
	v0 =	vand.u32 $0xFFFF, v5;
	v1 =	vld [tilespmem:s1+$0x9460]  }
0x8c: {  	s16 =	sshra.s32 s18, $0x2;
	v6 =	vor.u32 v6, v0;
	v5 =	vand.u32 $0xFFFF0000, v4;
	v4 =	vld [tilespmem:s1+$0xBC60]  }
0x8d: {  	s18 =	sadd.s32 $0x200, s18;
	v0 =	vld [tilespmem:s16+$0x9470];
	[tilespmem:s1+$0xE430] =	vst v6;
	v6 =	vand.u32 $0xFFFF, v8  }
0x8e: {  	v7 =	vld [tilespmem:s16+$0xBC70];
	v5 =	vor.u32 v5, v6  }
0x8f: {  	v40 =	vld [tilespmem:s16+$0x9400];
	v2 =	vand.u32 $0xFFFF0000, v2;
	[tilespmem:s1+$0xE440] =	vst v5;
	v3 =	vand.u32 $0xFFFF, v3  }
0x90: {  	v5 =	vld [tilespmem:s16+$0xBC00];
	v2 =	vor.u32 v2, v3  }
0x91: {  	v41 =	vld [tilespmem:s16+$0x9410];
	v1 =	vand.u32 $0xFFFF0000, v1;
	[tilespmem:s1+$0xE450] =	vst v2;
	v42 =	vand.u32 $0xFFFF, v4  }
0x92: {  	v43 =	vld [tilespmem:s16+$0xBC10];
	v1 =	vor.u32 v1, v42  }
0x93: {  	v44 =	vld [tilespmem:s16+$0x9420];
	[tilespmem:s1+$0xE460] =	vst v1  }
0x94: {  	v46 =	vld [tilespmem:s16+$0xBC20]  }
0x95: {  	v47 =	vld [tilespmem:s16+$0x9430]  }
0x96: {  	v49 =	vld [tilespmem:s16+$0xBC30]  }
0x97: {  	v52 =	vld [tilespmem:s16+$0x9440]  }
0x98: {  	v53 =	vld [tilespmem:s16+$0xBC40]  }
0x99: {  	v56 =	vld [tilespmem:s16+$0x9450]  }
0x9a: {  	v0 =	vand.u32 $0xFFFF0000, v0;
	v45 =	vand.u32 $0xFFFF, v7;
	v57 =	vld [tilespmem:s16+$0xBC50]  }
0x9b: {  	v6 =	vand.u32 $0xFFFF0000, v40;
	v0 =	vor.u32 v0, v45;
	v58 =	vld [tilespmem:s16+$0x9460];
	v5 =	vand.u32 $0xFFFF, v5  }
0x9c: {  	v59 =	vld [tilespmem:s16+$0xBC60];
	[tilespmem:s16+$0xE470] =	vst v0;
	v50 =	vand.u32 $0xFFFF0000, v41;
	v48 =	vor.u32 v6, v5;
	v51 =	vand.u32 $0xFFFF, v43  }
0x9d: {  	[tilespmem:s16+$0xE400] =	vst v48;
	v54 =	vand.u32 $0xFFFF0000, v44;
	v0 =	vor.u32 v50, v51;
	v55 =	vand.u32 $0xFFFF, v46  }
0x9e: {  	[tilespmem:s16+$0xE410] =	vst v0;
	v1 =	vand.u32 $0xFFFF0000, v47;
	v5 =	vand.u32 $0xFFFF, v49;
	v0 =	vor.u32 v54, v55  }
0x9f: {  	p0 =	seq.s32 s30, $0x3D;
	v4 =	vand.u32 $0xFFFF0000, v52;
	v3 =	vand.u32 $0xFFFF, v53;
	v1 =	vor.u32 v1, v5;
	[tilespmem:s16+$0xE420] =	vst v0  }
.Ltmp2:
0xa0: {  	v61 =	vand.u32 $0xFFFF0000, v56;
	v2 =	vand.u32 $0xFFFF, v57;
	v60 =	vor.u32 v4, v3;
	[tilespmem:s16+$0xE430] =	vst v1;
	(pc) =	sbr.rel @p0 .LBB2_8-.Ltmp2, $4  }
0xa1: {  	s0 =	sadd.s32 s8, s0;
	v63 =	vand.u32 $0xFFFF, v59;
	v62 =	vor.u32 v61, v2;
	[tilespmem:s16+$0xE440] =	vst v60;
	v0 =	vand.u32 $0xFFFF0000, v58  }
0xa2: {  	s0 =	sshll.u32 s0, $0x4;
	[tilespmem:s16+$0xE450] =	vst v62;
	v0 =	vor.u32 v0, v63  }
0xa3: {  	s0 =	sadd.s32 s4, s0;
	[tilespmem:s16+$0xE460] =	vst v0  }
0xa4: {  	[hbm4b:s0+s2] =	stream.linear.scatter [tilespmem:s25], [sflag:$0x6], $0x1400, $0x38;
	[tilespmem:$0xF800] =	vst v63  }
.Ltmp3:
0xa5: {  	(pc) =	sbr.rel .LBB2_2-.Ltmp3, $4  }
0xa6: {  	s0 =	sadd.s32 $0x180, s31  }
0xa7: {  	[tilespmem:s17], [sflag:$0x2] =	stream.indirect.gather [hbm4b:s3+s13], $0x80, s0, s13, $0xb8;
	[tilespmem:$0xF800] =	vst v63  }
0xa8: {  	s31 =	sadd.s32 $0x4180, s31;
	s30 =	sadd.s32 $0x1, s30  }
0xa9: {  	[tilespmem:s19], [sflag:$0x4] =	stream.indirect.gather [hbm4b:s3+s13], $0x80, s31, s13, $0xb8;
	[tilespmem:$0xF800] =	vst v63  }
.LBB2_8:
0xaa: {  	_ =	swait.ge [sflag:s26], $0x1400  }
0xab: {  	[sflag:s26] =	ssyncset.done $0x0  }
0xac: {  	[sflag:s26] =	ssyncadd.s32 $0xFFFFEC00  }
0xad: {  	_ =	swait.ge [sflag:s20], $0x1400  }
0xae: {  	[sflag:s20] =	ssyncset.done $0x0  }
0xaf: {  	[sflag:s20] =	ssyncadd.s32 $0xFFFFEC00  }
0xb0: {  	_ =	swait.ge [sflag:s21], $0x1400  }
0xb1: {  	[sflag:s21] =	ssyncset.done $0x0  }
0xb2: {  	s0 =	simm.s32 $0x0;
	[sflag:s21] =	ssyncadd.s32 $0xFFFFEC00  }
0xb3: {  	v0 =	vld [tilespmem:s0+$0x8070]  }
0xb4: {  	v1 =	vld [tilespmem:s0+$0xA870]  }
0xb5: {  	v2 =	vld [tilespmem:s0+$0x8000]  }
0xb6: {  	v3 =	vld [tilespmem:s0+$0xA800]  }
0xb7: {  	v4 =	vld [tilespmem:s0+$0x8010]  }
0xb8: {  	v5 =	vld [tilespmem:s0+$0xA810]  }
0xb9: {  	v6 =	vld [tilespmem:s0+$0x8020]  }
0xba: {  	v7 =	vld [tilespmem:s0+$0xA820];
	v0 =	vand.u32 $0xFFFF0000, v0;
	v1 =	vand.u32 $0xFFFF, v1  }
0xbb: {  	v8 =	vld [tilespmem:s0+$0x8030];
	v0 =	vor.u32 v0, v1;
	v1 =	vand.u32 $0xFFFF0000, v2;
	v2 =	vand.u32 $0xFFFF, v3  }
0xbc: {  	v9 =	vld [tilespmem:s0+$0xA830];
	[tilespmem:s0+$0xD070] =	vst v0;
	v0 =	vor.u32 v1, v2  }
0xbd: {  	v10 =	vld [tilespmem:s0+$0xA840];
	v1 =	vand.u32 $0xFFFF, v5;
	[tilespmem:s0+$0xD000] =	vst v0;
	v0 =	vand.u32 $0xFFFF0000, v4  }
0xbe: {  	v5 =	vld [tilespmem:s0+$0x8040];
	v0 =	vor.u32 v0, v1  }
0xbf: {  	v2 =	vld [tilespmem:s0+$0x8050];
	v1 =	vand.u32 $0xFFFF, v7;
	[tilespmem:s0+$0xD010] =	vst v0;
	v0 =	vand.u32 $0xFFFF0000, v6  }
0xc0: {  	v3 =	vld [tilespmem:s0+$0xA850];
	v0 =	vor.u32 v0, v1  }
0xc1: {  	v6 =	vand.u32 $0xFFFF, v9;
	v1 =	vld [tilespmem:s0+$0x8060];
	[tilespmem:s0+$0xD020] =	vst v0;
	v0 =	vand.u32 $0xFFFF0000, v8  }
0xc2: {  	s1 =	simm.s32 $0x80;
	v4 =	vld [tilespmem:s0+$0xA860];
	v6 =	vor.u32 v0, v6  }
0xc3: {  	s16 =	simm.s32 $0x400;
	v5 =	vand.u32 $0xFFFF0000, v5;
	v0 =	vld [tilespmem:s1+$0x8070];
	[tilespmem:s0+$0xD030] =	vst v6;
	v6 =	vand.u32 $0xFFFF, v10  }
.LBB2_9:
0xc4: {  	p0 =	sne.s32 s16, $0x4E00;
	v7 =	vld [tilespmem:s1+$0xA870];
	v5 =	vor.u32 v5, v6;
	v2 =	vand.u32 $0xFFFF0000, v2  }
0xc5: {  	v6 =	vld [tilespmem:s1+$0x8000];
	[tilespmem:s0+$0xD040] =	vst v5;
	v3 =	vand.u32 $0xFFFF, v3  }
0xc6: {  	v5 =	vld [tilespmem:s1+$0xA800];
	v2 =	vor.u32 v2, v3;
	v1 =	vand.u32 $0xFFFF0000, v1  }
0xc7: {  	v3 =	vld [tilespmem:s1+$0x8010];
	[tilespmem:s0+$0xD050] =	vst v2;
	v2 =	vand.u32 $0xFFFF, v4  }
0xc8: {  	v4 =	vld [tilespmem:s1+$0xA810];
	v1 =	vor.u32 v1, v2  }
0xc9: {  	v0 =	vand.u32 $0xFFFF0000, v0;
	v2 =	vld [tilespmem:s1+$0x8020];
	v7 =	vand.u32 $0xFFFF, v7;
	[tilespmem:s0+$0xD060] =	vst v1;
	s0 =	smov.u32 s1  }
0xca: {  	v1 =	vand.u32 $0xFFFF0000, v6;
	v6 =	vld [tilespmem:s0+$0xA820];
	v0 =	vor.u32 v0, v7  }
0xcb: {  	v5 =	vand.u32 $0xFFFF, v5;
	v7 =	vld [tilespmem:s0+$0x8030];
	[tilespmem:s0+$0xD070] =	vst v0  }
0xcc: {  	v0 =	vor.u32 v1, v5;
	v1 =	vand.u32 $0xFFFF0000, v3;
	v5 =	vld [tilespmem:s0+$0xA830]  }
0xcd: {  	[tilespmem:s0+$0xD000] =	vst v0;
	v0 =	vand.u32 $0xFFFF, v4;
	v4 =	vld [tilespmem:s0+$0x8040]  }
0xce: {  	v0 =	vor.u32 v1, v0;
	v1 =	vand.u32 $0xFFFF0000, v2;
	v8 =	vld [tilespmem:s0+$0xA840]  }
.Ltmp4:
0xcf: {  	[tilespmem:s0+$0xD010] =	vst v0;
	v0 =	vand.u32 $0xFFFF, v6;
	v2 =	vld [tilespmem:s0+$0x8050];
	(pc) =	sbr.rel @p0 .LBB2_9-.Ltmp4, $4  }
0xd0: {  	v0 =	vor.u32 v1, v0;
	v6 =	vand.u32 $0xFFFF0000, v7;
	v3 =	vld [tilespmem:s0+$0xA850]  }
0xd1: {  	[tilespmem:s0+$0xD020] =	vst v0;
	v0 =	vand.u32 $0xFFFF, v5;
	v1 =	vld [tilespmem:s0+$0x8060]  }
0xd2: {  	s1 =	sshra.s32 s16, $0x2;
	v6 =	vor.u32 v6, v0;
	v5 =	vand.u32 $0xFFFF0000, v4;
	v4 =	vld [tilespmem:s0+$0xA860]  }
0xd3: {  	s16 =	sadd.s32 $0x200, s16;
	v0 =	vld [tilespmem:s1+$0x8070];
	[tilespmem:s0+$0xD030] =	vst v6;
	v6 =	vand.u32 $0xFFFF, v8  }
0xd4: {  	v7 =	vld [tilespmem:s1+$0xA870];
	v5 =	vor.u32 v5, v6  }
0xd5: {  	v40 =	vld [tilespmem:s1+$0x8000];
	v2 =	vand.u32 $0xFFFF0000, v2;
	[tilespmem:s0+$0xD040] =	vst v5;
	v3 =	vand.u32 $0xFFFF, v3  }
0xd6: {  	v5 =	vld [tilespmem:s1+$0xA800];
	v2 =	vor.u32 v2, v3  }
0xd7: {  	v41 =	vld [tilespmem:s1+$0x8010];
	v1 =	vand.u32 $0xFFFF0000, v1;
	[tilespmem:s0+$0xD050] =	vst v2;
	v42 =	vand.u32 $0xFFFF, v4  }
0xd8: {  	v43 =	vld [tilespmem:s1+$0xA810];
	v1 =	vor.u32 v1, v42  }
0xd9: {  	v44 =	vld [tilespmem:s1+$0x8020];
	[tilespmem:s0+$0xD060] =	vst v1  }
0xda: {  	v46 =	vld [tilespmem:s1+$0xA820]  }
0xdb: {  	v47 =	vld [tilespmem:s1+$0x8030]  }
0xdc: {  	v49 =	vld [tilespmem:s1+$0xA830]  }
0xdd: {  	v52 =	vld [tilespmem:s1+$0x8040]  }
0xde: {  	v53 =	vld [tilespmem:s1+$0xA840]  }
0xdf: {  	v56 =	vld [tilespmem:s1+$0x8050]  }
0xe0: {  	v0 =	vand.u32 $0xFFFF0000, v0;
	v45 =	vand.u32 $0xFFFF, v7;
	v57 =	vld [tilespmem:s1+$0xA850]  }
0xe1: {  	v6 =	vand.u32 $0xFFFF0000, v40;
	v0 =	vor.u32 v0, v45;
	v58 =	vld [tilespmem:s1+$0x8060];
	v5 =	vand.u32 $0xFFFF, v5  }
0xe2: {  	v59 =	vld [tilespmem:s1+$0xA860];
	[tilespmem:s1+$0xD070] =	vst v0;
	v50 =	vand.u32 $0xFFFF0000, v41;
	v48 =	vor.u32 v6, v5;
	v51 =	vand.u32 $0xFFFF, v43  }
0xe3: {  	[tilespmem:s1+$0xD000] =	vst v48;
	v54 =	vand.u32 $0xFFFF0000, v44;
	v0 =	vor.u32 v50, v51;
	v55 =	vand.u32 $0xFFFF, v46  }
0xe4: {  	[tilespmem:s1+$0xD010] =	vst v0;
	v1 =	vand.u32 $0xFFFF0000, v47;
	v5 =	vand.u32 $0xFFFF, v49;
	v0 =	vor.u32 v54, v55  }
0xe5: {  	v4 =	vand.u32 $0xFFFF0000, v52;
	v3 =	vand.u32 $0xFFFF, v53;
	v1 =	vor.u32 v1, v5;
	[tilespmem:s1+$0xD020] =	vst v0  }
0xe6: {  	v61 =	vand.u32 $0xFFFF0000, v56;
	v2 =	vand.u32 $0xFFFF, v57;
	v60 =	vor.u32 v4, v3;
	[tilespmem:s1+$0xD030] =	vst v1  }
0xe7: {  	v63 =	vand.u32 $0xFFFF, v59;
	v62 =	vor.u32 v61, v2;
	[tilespmem:s1+$0xD040] =	vst v60;
	v0 =	vand.u32 $0xFFFF0000, v58  }
0xe8: {  	[tilespmem:s1+$0xD050] =	vst v62;
	v0 =	vor.u32 v0, v63  }
0xe9: {  	s29 =	sadd.s32 $0x1, s29;
	[tilespmem:s1+$0xD060] =	vst v0  }
0xea: {  	[hbm4b:s9+s2] =	stream.linear.scatter [tilespmem:s22], [sflag:$0x5], $0x1400, $0x38;
	[tilespmem:$0xF800] =	vst v63  }
0xeb: {  	p0 =	sne.s32 s29, s10;
	_ =	swait.ge [sflag:s28], $0x1400  }
.Ltmp5:
0xec: {  	[sflag:s28] =	ssyncset.done $0x0;
	(pc) =	sbr.rel @p0 .LBB2_1-.Ltmp5, $4  }
0xed: {  	[sflag:s28] =	ssyncadd.s32 $0xFFFFEC00  }
0xee: {  	_ =	swait.ge [sflag:s26], $0x1400  }
0xef: {  	[sflag:s26] =	ssyncset.done $0x0  }
0xf0: {  	[sflag:s26] =	ssyncadd.s32 $0xFFFFEC00  }
0xf1: {  	_ =	sfence.sel $0x180000  }
0xf2: {  	[bflag:$0x0] =	sbarrier.arrive $0xFFFF  }
0xf3: {  	_ =	strace $0x90000047  }
0xf4: {  	s0 =	stileid.u32;
	[bflag:$0x2] =	sbarrier.arrive $0xFFFF  }
0xf5: {  	p0 =	sne.s32 s0, $0x0;
	s0 =	rddreg [dreg:$0x1]  }
0xf6: {  	s0 =	sadd.s32 @!p0 $0x100000, s0  }
0xf7: {  	[sflag:s0] =	ssyncadd.tile.s32 @!p0 $0x1;
	_ =	shalt  }
.Lfunc_end2:
_tile_overlayer_lowered:
.L_overlay_start_2:
0xf8: {  	(tag) =	ssettag $0x2  }
0xf9: {  	s0 =	rddreg [dreg:$0x0];
	s2 =	stileid.u32  }
0xfa: {  	s1 =	rddreg [dreg:$0x1];
	p0 =	sne.s32 s2, $0x0  }
0xfb: {  	s3 =	rddreg [dreg:$0x2];
	[bflag:$0x3] =	sbarrier.arrive $0xFFFF;
	s2 =	simm.s32 @!p0 $0x1C07  }
0xfc: {  	[timem:s3], [sflag:s2] =	dma.local @!p0 [hbm:s0], s1  }
0xfd: {  	s0 =	simm.s32 @!p0 $0x7  }
0xfe: {  	_ =	swait.ge @!p0 [sflag:s0], s1  }
0xff: {  	s1 =	ssub.s32 @!p0 $0x0, s1;
	[sflag:s0] =	ssyncset.done @!p0 $0x0  }
0x100: {  	[sflag:s0] =	ssyncadd.s32 @!p0 s1  }
0x101: {  	[bflag:$0x3] =	sbarrier.arrive $0xFFFF  }
0x102: {  	_ =	shalt  }

</sc_bundles>
